<compile_context>
chip_gen: v7x
topology: tpu7x:2x2x1
jax: 0.10.2.dev20260603
libtpu: 0.0.44.dev20260713+nightly
codegen_flags: <defaults>
</compile_context>

<pallas_src>
import functools

import jax
import jax.numpy as jnp
from jax import lax
from jax.experimental import pallas as pl
from jax.experimental.pallas import tpu as pltpu
from jax.experimental.pallas import tpu_sc as plsc

_GRID = 256
_B = 4
_N = 200000
_MAXP = 20
_NVOX = _B * _GRID * _GRID
_INV_ROWS = _N // 4

_NC = 2
_NS = 16
_NW = _NC * _NS
_L = 16

_VPT = _NVOX // _NW
_CH = 4000
_NCHUNK = _N // _CH
_ROW_W = _MAXP * 4
_TRASH = _NVOX - 1

_mesh = plsc.VectorSubcoreMesh(core_axis_name="c", subcore_axis_name="s")
_cparams = pltpu.CompilerParams(
    use_tc_tiling_on_sc=False, needs_layout_passes=False)


def _bin_body(pts_hbm, bat_hbm, cnt_out, win_out, occ_out, ids_out,
              pts_v, bat_v, ids_v, ids2_v, cnt_v, win_v, occ16_v,
              isem0, isem1):
  c_idx = lax.axis_index("c")
  s_idx = lax.axis_index("s")
  w = c_idx * _NS + s_idx
  vbase = w * _VPT
  iota = lax.iota(jnp.int32, _L)
  iota_d4 = iota // 4
  colx = (iota % 4) * 4
  zeros16i = jnp.zeros((_L,), jnp.int32)
  isem = (isem0, isem1)
  ids_base = c_idx * _N

  def zbody(i, _):
    cnt_v[pl.ds(i * _L, _L)] = zeros16i
    win_v[pl.ds(i * _L, _L)] = zeros16i
    return 0
  lax.fori_loop(0, _VPT // _L, zbody, 0)

  nmine = 3 + (s_idx < 2).astype(jnp.int32)

  def pchunk(i, _):
    g = s_idx + _NS * i
    pltpu.sync_copy(pts_hbm.at[pl.ds(g * (_CH // 4), _CH // 4)], pts_v)
    pltpu.sync_copy(bat_hbm.at[pl.ds(g * _CH, _CH)], bat_v)

    def vbody(j, _):
      rows = 4 * j + iota_d4
      x = plsc.load_gather(pts_v, [rows, colx])
      y = plsc.load_gather(pts_v, [rows, colx + 1])
      bb = bat_v[pl.ds(j * _L, _L)]
      xi = (x / jnp.float32(0.004)).astype(jnp.int32)
      yi = (y / jnp.float32(0.004)).astype(jnp.int32)
      ids_v[pl.ds(j * _L, _L)] = (bb << 16) + (xi << 8) + yi
      return 0
    lax.fori_loop(0, _CH // _L, vbody, 0)
    pltpu.sync_copy(ids_v, ids_out.at[pl.ds(ids_base + g * _CH, _CH)])
    return 0
  lax.fori_loop(0, nmine, pchunk, 0)
  plsc.subcore_barrier()

  _SCH = 10000

  def start_scan(q, b):
    pltpu.make_async_copy(
        ids_out.at[pl.ds(ids_base + q * _SCH, _SCH)], ids2_v.at[b],
        isem[b]).start()

  def wait_scan(q, b):
    pltpu.make_async_copy(
        ids_out.at[pl.ds(ids_base + q * _SCH, _SCH)], ids2_v.at[b],
        isem[b]).wait()

  start_scan(0, 0)

  def scan_pair(i, _):
    for b in range(2):
      q = 2 * i + b
      wait_scan(q, b)

      @pl.when(q + 1 < _N // _SCH)
      def _():
        start_scan(q + 1, 1 - b)

      def vbody(j, _):
        flat = ids2_v[b, pl.ds(j * _L, _L)]
        local = flat - vbase
        m0 = (local >= 0) & (local < _VPT)
        pvec = q * _SCH + j * _L + iota
        runc, lastm = plsc.scan_count(flat, mask=m0)
        mfin = lastm & m0
        plsc.addupdate_scatter(cnt_v, [local], runc, mask=mfin)
        plsc.store_scatter(win_v, [local], pvec, mask=mfin)
        return 0
      lax.fori_loop(0, _SCH // _L, vbody, 0)
    return 0
  lax.fori_loop(0, _N // _SCH // 2, scan_pair, 0)

  def obody(i, acc):
    m = cnt_v[pl.ds(i * _L, _L)] > 0
    return acc + plsc.all_reduce_population_count(m)
  accv = lax.fori_loop(0, _VPT // _L, obody, jnp.zeros((_L,), jnp.int32))
  occ16_v[pl.ds(0, _L)] = accv

  pltpu.sync_copy(cnt_v, cnt_out.at[w])
  pltpu.sync_copy(win_v, win_out.at[w])
  pltpu.sync_copy(occ16_v, occ_out.at[pl.ds(w * _L, _L)])


_bin_kernel = functools.partial(
    pl.kernel,
    out_type=(
        jax.ShapeDtypeStruct((_NW, _VPT), jnp.int32),
        jax.ShapeDtypeStruct((_NW, _VPT), jnp.int32),
        jax.ShapeDtypeStruct((_NW * _L,), jnp.int32),
        jax.ShapeDtypeStruct((_NC * _N,), jnp.int32),
    ),
    mesh=_mesh,
    scratch_types=[
        pltpu.VMEM((_CH // 4, 16), jnp.float32),
        pltpu.VMEM((_CH,), jnp.int32),
        pltpu.VMEM((_CH,), jnp.int32),
        pltpu.VMEM((2, 10000), jnp.int32),
        pltpu.VMEM((_VPT,), jnp.int32),
        pltpu.VMEM((_VPT,), jnp.int32),
        pltpu.VMEM((_L,), jnp.int32),
        pltpu.SemaphoreType.DMA,
        pltpu.SemaphoreType.DMA,
    ],
    compiler_params=_cparams,
)(_bin_body)


def _emit_body(cnt_hbm, win_hbm, occ_hbm, pts_hbm, out_hbm,
               occ_v, cnt_v, win_v, compg_v, compc_v, comps_v,
               idx_v, rows_v, stag_v, zb_v, gsem0, gsem1, ssem0, ssem1, zsem):
  w = lax.axis_index("c") * _NS + lax.axis_index("s")
  iota = lax.iota(jnp.int32, _L)
  iota3 = iota & 3
  zeros16i = jnp.zeros((_L,), jnp.int32)
  zeros16f = jnp.zeros((_L,), jnp.float32)

  pltpu.sync_copy(occ_hbm, occ_v)
  pltpu.sync_copy(cnt_hbm.at[w], cnt_v)
  pltpu.sync_copy(win_hbm.at[w], win_v)

  g1 = plsc.load_gather(occ_v, [iota * _L])
  g2 = plsc.load_gather(occ_v, [iota * _L + _NS * _L])
  num_unique = jnp.sum(g1) + jnp.sum(g2)
  rank_base = (jnp.sum(jnp.where(iota < w, g1, 0))
               + jnp.sum(jnp.where(iota + _NS < w, g2, 0)))

  def cbody(i, off):
    cc = cnt_v[pl.ds(i * _L, _L)]
    wv = win_v[pl.ds(i * _L, _L)]
    m = cc > 0
    plsc.store_compressed(compg_v.at[pl.ds(off, _L)], wv >> 2, mask=m)
    plsc.store_compressed(compc_v.at[pl.ds(off, _L)], (wv & 3) * 4, mask=m)
    sc = jnp.where(cc <= _MAXP, jnp.float32(1.0), jnp.float32(0.0))
    plsc.store_compressed(comps_v.at[pl.ds(off, _L)], sc, mask=m)
    return off + jnp.max(plsc.all_reduce_population_count(m))
  occ_t = lax.fori_loop(0, _VPT // _L, cbody, jnp.int32(0))

  for k in range(8):
    compg_v[pl.ds(occ_t + k * _L, _L)] = zeros16i
    compc_v[pl.ds(occ_t + k * _L, _L)] = zeros16i
    comps_v[pl.ds(occ_t + k * _L, _L)] = zeros16f

  def zfill(r, _):
    rfull = jnp.full((_L,), r, jnp.int32)
    for k2 in range(5):
      plsc.store_scatter(zb_v, [rfull, k2 * _L + iota], zeros16f)
    return 0
  lax.fori_loop(0, 128, zfill, 0)

  nch = (occ_t + 127) // 128
  gsem = (gsem0, gsem1)
  ssem = (ssem0, ssem1)

  def start_gather(j, b):
    pltpu.make_async_copy(
        pts_hbm.at[compg_v.at[pl.ds(j * 128, 128)]], rows_v.at[b],
        gsem[b]).start()

  def wait_gather(j, b):
    pltpu.make_async_copy(
        pts_hbm.at[compg_v.at[pl.ds(j * 128, 128)]], rows_v.at[b],
        gsem[b]).wait()

  def start_scatter(b):
    pltpu.make_async_copy(
        stag_v.at[b], out_hbm.at[idx_v.at[b]], ssem[b]).start()

  def wait_scatter(b):
    pltpu.make_async_copy(
        stag_v.at[b], out_hbm.at[idx_v.at[b]], ssem[b]).wait()

  @pl.when(nch > 0)
  def _():
    start_gather(0, 0)

  def opair(i, _):
    for b in range(2):
      j = 2 * i + b

      @pl.when(j < nch)
      def _():
        base_j = j * 128
        wait_gather(j, b)

        @pl.when(j + 1 < nch)
        def _():
          start_gather(j + 1, 1 - b)

        @pl.when(j >= 2)
        def _():
          wait_scatter(b)

        for k in range(8):
          gj = base_j + k * _L + iota
          rowv = jnp.where(gj < occ_t, rank_base + gj, _TRASH)
          idx_v[b, pl.ds(k * _L, _L)] = rowv

        def ebody(r, _):
          sub = compc_v[pl.ds(base_j + r, _L)][0]
          scl = comps_v[pl.ds(base_j + r, _L)][0]
          rfull = jnp.full((_L,), r, jnp.int32)
          pat = plsc.load_gather(rows_v.at[b], [rfull, sub + iota3])
          val = pat * scl
          for k2 in range(5):
            plsc.store_scatter(stag_v.at[b], [rfull, k2 * _L + iota], val)
          return 0
        lax.fori_loop(0, 128, ebody, 0)

        start_scatter(b)
    return 0
  lax.fori_loop(0, (nch + 1) // 2, opair, 0)

  ztot = _NVOX - num_unique
  zch = (ztot + (_NW * 128 - 1)) // (_NW * 128)

  def zbody(q, _):
    start = num_unique + (w * zch + q) * 128
    start = jnp.minimum(start, _NVOX - 128)
    pltpu.make_async_copy(zb_v, out_hbm.at[pl.ds(start, 128)], zsem).start()
    return 0
  lax.fori_loop(0, zch, zbody, 0)

  def zdrain(q, _):
    pltpu.make_async_copy(zb_v, out_hbm.at[pl.ds(0, 128)], zsem).wait()
    return 0
  lax.fori_loop(0, zch, zdrain, 0)

  @pl.when(nch > 0)
  def _():
    wait_scatter(0)

  @pl.when(nch > 1)
  def _():
    wait_scatter(1)


_emit_kernel = functools.partial(
    pl.kernel,
    out_type=jax.ShapeDtypeStruct((_NVOX, _ROW_W), jnp.float32),
    mesh=_mesh,
    scratch_types=[
        pltpu.VMEM((_NW * _L,), jnp.int32),
        pltpu.VMEM((_VPT,), jnp.int32),
        pltpu.VMEM((_VPT,), jnp.int32),
        pltpu.VMEM((_VPT + 144,), jnp.int32),
        pltpu.VMEM((_VPT + 144,), jnp.int32),
        pltpu.VMEM((_VPT + 144,), jnp.float32),
        pltpu.VMEM((2, 128), jnp.int32),
        pltpu.VMEM((2, 128, 16), jnp.float32),
        pltpu.VMEM((2, 128, _ROW_W), jnp.float32),
        pltpu.VMEM((128, _ROW_W), jnp.float32),
        pltpu.SemaphoreType.DMA,
        pltpu.SemaphoreType.DMA,
        pltpu.SemaphoreType.DMA,
        pltpu.SemaphoreType.DMA,
        pltpu.SemaphoreType.DMA,
    ],
    compiler_params=_cparams,
)(_emit_body)


@jax.jit
def kernel(all_points, batch_indices):
  pts16 = all_points.reshape(_INV_ROWS, 16)
  counts, winners, occ, _ = _bin_kernel(pts16, batch_indices)
  flat = _emit_kernel(counts, winners, occ, pts16)
  voxel_features = flat.reshape(_B, _GRID, _GRID, _MAXP, 4)
  voxel_counts = jnp.zeros((_B, _GRID, _GRID), jnp.int32)
  return (voxel_features, voxel_counts)

# --- scband reference (transcript-rebuilt; emitter-appended) ---
"""Pipeline reference for scband-voxelization-layer-3582002725062 (READ-ONLY COPY).

The authoritative reference and input builder live on the scoring server;
editing this copy changes nothing except your own understanding.
"""

import jax, jax.numpy as jnp
import numpy as np

VOXEL_SIZE = (0.004, 0.004)
GRID = (256, 256)
MAXP = 20
C = 4
B = 4
N = 200000


def setup_inputs(seed: int = 0) -> dict:
    key = jax.random.key(seed)
    k1, k2 = jax.random.split(key)
    all_points = jax.random.uniform(k1, (N, C), dtype=jnp.float32)
    batch_indices = jax.random.randint(k2, (N,), 0, B, dtype=jnp.int32)
    return {"all_points": all_points, "batch_indices": batch_indices}


def reference(all_points, batch_indices):
    vs = jnp.asarray(VOXEL_SIZE, dtype=all_points.dtype)
    gs = jnp.asarray(GRID, dtype=jnp.int32)
    xy_indices = (all_points[:, :2] / vs).astype(jnp.int32)
    xy_indices = jnp.clip(xy_indices, 0, gs - 1)

    flat_indices = (batch_indices.astype(jnp.int32) * (GRID[0] * GRID[1])
                    + xy_indices[:, 0] * GRID[1] + xy_indices[:, 1])

    n_points = flat_indices.shape[0]
    unique_indices, inverse_indices = jnp.unique(
        flat_indices, return_inverse=True, size=n_points, fill_value=0)
    inverse_indices = inverse_indices.reshape(-1)

    counts = jnp.zeros(unique_indices.shape[0], dtype=jnp.int32)
    counts = counts.at[inverse_indices].add(jnp.ones_like(inverse_indices, dtype=jnp.int32))

    mask = counts[inverse_indices] <= MAXP
    sentinel = B * GRID[0] * GRID[1]
    masked_indices = jnp.where(mask, inverse_indices, sentinel)

    order = jnp.argsort(masked_indices)
    valid_points = all_points[order]
    valid_indices = masked_indices[order]

    voxel_features_flat = jnp.zeros((B * GRID[0] * GRID[1], MAXP, C), dtype=jnp.float32)
    # torch assignment broadcasts [Nv, C] across the MAXP slot dim; replicate that
    updates = jnp.broadcast_to(valid_points[:, None, :], (valid_points.shape[0], MAXP, C))
    voxel_features_flat = voxel_features_flat.at[valid_indices].set(updates, mode='drop')
    voxel_features = voxel_features_flat.reshape(B, GRID[0], GRID[1], MAXP, C)

    voxel_counts = jnp.zeros((B, GRID[0], GRID[1]), dtype=jnp.int32)
    return (voxel_features, voxel_counts)

if __name__ == "__main__":
    import jax
    _d = setup_inputs()
    print(jax.jit(kernel)(*tuple(_d.values())))

</pallas_src>

<mosaic_0001>
#map = affine_map<(d0, d1) -> (0, 0)>
#map1 = affine_map<(d0, d1) -> (0)>
module attributes {stable_mosaic.version = 14 : i64} {
  func.func @_bin_body(%arg0: i32, %arg1: i32, %arg2: memref<50000x16xf32, #tpu.memory_space<hbm>>, %arg3: memref<200000xi32, #tpu.memory_space<hbm>>, %arg4: memref<32x8192xi32, #tpu.memory_space<hbm>>, %arg5: memref<32x8192xi32, #tpu.memory_space<hbm>>, %arg6: memref<512xi32, #tpu.memory_space<hbm>>, %arg7: memref<400000xi32, #tpu.memory_space<hbm>>, %arg8: memref<1000x16xf32, #tpu.memory_space<vmem>>, %arg9: memref<4000xi32, #tpu.memory_space<vmem>>, %arg10: memref<4000xi32, #tpu.memory_space<vmem>>, %arg11: memref<2x10000xi32, #tpu.memory_space<vmem>>, %arg12: memref<8192xi32, #tpu.memory_space<vmem>>, %arg13: memref<8192xi32, #tpu.memory_space<vmem>>, %arg14: memref<16xi32, #tpu.memory_space<vmem>>, %arg15: memref<!tpu.dma_semaphore, #tpu.memory_space<semaphore_mem>>, %arg16: memref<!tpu.dma_semaphore, #tpu.memory_space<semaphore_mem>>) attributes {dimension_semantics = [#tpu.dimension_semantics<core_parallel>, #tpu.dimension_semantics<subcore_parallel>], iteration_bounds = array<i64: 2, 16>, scalar_prefetch = 0 : i64, scratch_operands = 9 : i64, tpu.core_type = #tpu.core_type<sc_vector_subcore>, window_params = [{transform_indices = #map}, {transform_indices = #map1}, {transform_indices = #map}, {transform_indices = #map}, {transform_indices = #map1}, {transform_indices = #map1}]} {
    %mul3A = arith.constant 16 : i32
    %mul3A_0 = arith.muli %arg0, %mul3A : i32
    %add3A = arith.addi %mul3A_0, %arg1 : i32
    %mul3A_1 = arith.constant 8192 : i32
    %mul3A_2 = arith.muli %add3A, %mul3A_1 : i32
    %iota3A = tpu.iota {dimensions = array<i32: 0>} : vector<16xi32>
    %jit3A = arith.constant 4 : i32
    %div3A = vector.broadcast %jit3A : i32 to vector<16xi32>
    %div3A_3 = arith.divsi %iota3A, %div3A : vector<16xi32>
    %sign3A = arith.constant 0 : i32
    %sign3A_4 = vector.broadcast %sign3A : i32 to vector<16xi32>
    %sign3A_5 = arith.cmpi sgt, %iota3A, %sign3A_4 : vector<16xi32>
    %sign3A_6 = arith.extui %sign3A_5 : vector<16xi1> to vector<16xi32>
    %sign3A_7 = arith.constant 0 : i32
    %sign3A_8 = vector.broadcast %sign3A_7 : i32 to vector<16xi32>
    %sign3A_9 = arith.cmpi slt, %iota3A, %sign3A_8 : vector<16xi32>
    %sign3A_10 = arith.extui %sign3A_9 : vector<16xi1> to vector<16xi32>
    %sign3A_11 = arith.subi %sign3A_6, %sign3A_10 : vector<16xi32>
    %sign3A_12 = arith.constant 0 : i32
    %sign3A_13 = arith.cmpi sgt, %jit3A, %sign3A_12 : i32
    %sign3A_14 = arith.extui %sign3A_13 : i1 to i32
    %sign3A_15 = arith.constant 0 : i32
    %sign3A_16 = arith.cmpi slt, %jit3A, %sign3A_15 : i32
    %sign3A_17 = arith.extui %sign3A_16 : i1 to i32
    %sign3A_18 = arith.subi %sign3A_14, %sign3A_17 : i32
    %ne3A = vector.broadcast %sign3A_18 : i32 to vector<16xi32>
    %ne3A_19 = arith.cmpi ne, %sign3A_11, %ne3A : vector<16xi32>
    %rem3A = vector.broadcast %jit3A : i32 to vector<16xi32>
    %rem3A_20 = arith.remsi %iota3A, %rem3A : vector<16xi32>
    %ne3A_21 = arith.constant 0 : i32
    %ne3A_22 = vector.broadcast %ne3A_21 : i32 to vector<16xi32>
    %ne3A_23 = arith.cmpi ne, %rem3A_20, %ne3A_22 : vector<16xi32>
    %and3A = arith.andi %ne3A_19, %ne3A_23 : vector<16xi1>
    %sub3A = arith.constant 1 : i32
    %sub3A_24 = vector.broadcast %sub3A : i32 to vector<16xi32>
    %sub3A_25 = arith.subi %div3A_3, %sub3A_24 : vector<16xi32>
    %select_n3A = arith.select %and3A, %sub3A_25, %div3A_3 : vector<16xi1>, vector<16xi32>
    %jit3A_26 = arith.constant 4 : i32
    %eq3A = arith.constant 0 : i32
    %eq3A_27 = arith.cmpi eq, %jit3A_26, %eq3A : i32
    %jit3A_28 = arith.constant 1 : i32
    %select_n3A_29 = arith.select %eq3A_27, %jit3A_28, %jit3A_26 : i32
    %rem3A_30 = vector.broadcast %select_n3A_29 : i32 to vector<16xi32>
    %rem3A_31 = arith.remsi %iota3A, %rem3A_30 : vector<16xi32>
    %ne3A_32 = arith.constant 0 : i32
    %ne3A_33 = vector.broadcast %ne3A_32 : i32 to vector<16xi32>
    %ne3A_34 = arith.cmpi ne, %rem3A_31, %ne3A_33 : vector<16xi32>
    %lt3A = arith.constant 0 : i32
    %lt3A_35 = vector.broadcast %lt3A : i32 to vector<16xi32>
    %lt3A_36 = arith.cmpi slt, %rem3A_31, %lt3A_35 : vector<16xi32>
    %lt3A_37 = arith.constant 0 : i32
    %lt3A_38 = arith.cmpi slt, %select_n3A_29, %lt3A_37 : i32
    %ne3A_39 = vector.broadcast %lt3A_38 : i1 to vector<16xi1>
    %ne3A_40 = vector.broadcast %ne3A_39 : vector<16xi1> to vector<16xi1>
    %ne3A_41 = arith.xori %lt3A_36, %ne3A_40 : vector<16xi1>
    %and3A_42 = arith.andi %ne3A_41, %ne3A_34 : vector<16xi1>
    %add3A_43 = vector.broadcast %select_n3A_29 : i32 to vector<16xi32>
    %add3A_44 = arith.addi %rem3A_31, %add3A_43 : vector<16xi32>
    %select_n3A_45 = arith.select %and3A_42, %add3A_44, %rem3A_31 : vector<16xi1>, vector<16xi32>
    %mul3A_46 = arith.constant 4 : i32
    %mul3A_47 = vector.broadcast %mul3A_46 : i32 to vector<16xi32>
    %mul3A_48 = arith.muli %select_n3A_45, %mul3A_47 : vector<16xi32>
    %broadcast_in_dim3A = arith.constant 0 : i32
    %broadcast_in_dim3A_49 = vector.broadcast %broadcast_in_dim3A : i32 to vector<16xi32>
    %mul3A_50 = arith.constant 200000 : i32
    %mul3A_51 = arith.muli %arg0, %mul3A_50 : i32
    %scan3A = arith.constant 0 : i32
    %scan3A_52 = arith.constant 0 : i32
    %scan3A_53 = arith.constant 512 : i32
    %scan3A_54 = arith.addi %scan3A_52, %scan3A_53 : i32
    %scan3A_55 = arith.constant 1 : i32
    %scan3A_56 = scf.for %scan3A_101 = %scan3A_52 to %scan3A_54 step %scan3A_55 iter_args(%scan3A_102 = %scan3A) -> (i32)  : i32 {
      %mul3A_103 = arith.constant 16 : i32
      %mul3A_104 = arith.muli %scan3A_101, %mul3A_103 : i32
      %swap3A_105 = arith.index_cast %mul3A_104 : i32 to index
      %swap3A_106 = tpu.vector_load %arg12[%swap3A_105] {strides = array<i32>} : memref<8192xi32, #tpu.memory_space<vmem>>, vector<16xi32>,
      tpu.vector_store %arg12[%swap3A_105], %broadcast_in_dim3A_49 {strides = array<i32>} : memref<8192xi32, #tpu.memory_space<vmem>>, vector<16xi32>,
      %mul3A_107 = arith.constant 16 : i32
      %mul3A_108 = arith.muli %scan3A_101, %mul3A_107 : i32
      %swap3A_109 = arith.index_cast %mul3A_108 : i32 to index
      %swap3A_110 = tpu.vector_load %arg13[%swap3A_109] {strides = array<i32>} : memref<8192xi32, #tpu.memory_space<vmem>>, vector<16xi32>,
      tpu.vector_store %arg13[%swap3A_109], %broadcast_in_dim3A_49 {strides = array<i32>} : memref<8192xi32, #tpu.memory_space<vmem>>, vector<16xi32>,
      %scan3A_111 = arith.constant 0 : i32
      scf.yield %scan3A_111 : i32
    }
    %scan3A_57 = arith.constant 512 : i32
    %lt3A_58 = arith.constant 2 : i32
    %lt3A_59 = arith.cmpi slt, %arg1, %lt3A_58 : i32
    %convert_element_type3A = arith.extui %lt3A_59 : i1 to i32
    %add3A_60 = arith.constant 3 : i32
    %add3A_61 = arith.addi %add3A_60, %convert_element_type3A : i32
    %while3A = arith.constant 0 : i32
    %while3A_62 = arith.constant 0 : i32
    %while3A_63 = arith.subi %add3A_61, %while3A : i32
    %while3A_64 = arith.addi %while3A, %while3A_63 : i32
    %while3A_65 = arith.constant 1 : i32
    %while3A_66 = arith.divsi %while3A_63, %while3A_65 : i32
    %while3A_67 = arith.muli %while3A_66, %while3A_65 : i32
    %while3A_68 = arith.addi %while3A, %while3A_67 : i32
    %while3A_69 = arith.constant 1 : i32
    %while3A_70 = scf.for %while3A_101 = %while3A to %while3A_68 step %while3A_69 iter_args(%while3A_102 = %while3A_62) -> (i32)  : i32 {
      %mul3A_103 = arith.constant 16 : i32
      %mul3A_104 = arith.muli %mul3A_103, %while3A_101 : i32
      %add3A_105 = arith.addi %arg1, %mul3A_104 : i32
      %mul3A_106 = arith.constant 1000 : i32
      %mul3A_107 = arith.muli %add3A_105, %mul3A_106 : i32
      "tpu.region"() ({
        %run_scoped3A = tpu.sem_alloc : memref<!tpu.dma_semaphore, #tpu.memory_space<semaphore_mem>>
        %dma_start3A_121 = arith.constant 0 : i32
        %dma_start3A_122 = tpu.memref_slice %arg2[%mul3A_107, %dma_start3A_121] : memref<50000x16xf32, #tpu.memory_space<hbm>> -> memref<1000x16xf32, #tpu.memory_space<hbm>>
        %dma_start3A_123 = arith.constant 0 : i32
        %dma_start3A_124 = tpu.memref_slice %arg2[%mul3A_107, %dma_start3A_123] : memref<50000x16xf32, #tpu.memory_space<hbm>> -> memref<1000x16xf32, #tpu.memory_space<hbm>>
        tpu.enqueue_dma source(%dma_start3A_124 : memref<1000x16xf32, #tpu.memory_space<hbm>>) target(%arg8 : memref<1000x16xf32, #tpu.memory_space<vmem>>) target_semaphore(%run_scoped3A : memref<!tpu.dma_semaphore, #tpu.memory_space<semaphore_mem>>)
        %dma_wait3A = arith.constant 0 : i32
        %dma_wait3A_125 = tpu.memref_slice %arg2[%mul3A_107, %dma_wait3A] : memref<50000x16xf32, #tpu.memory_space<hbm>> -> memref<1000x16xf32, #tpu.memory_space<hbm>>
        %dma_wait3A_126 = arith.constant 0 : i32
        %dma_wait3A_127 = tpu.memref_slice %arg2[%mul3A_107, %dma_wait3A_126] : memref<50000x16xf32, #tpu.memory_space<hbm>> -> memref<1000x16xf32, #tpu.memory_space<hbm>>
        tpu.wait_dma2 semaphore(%run_scoped3A : memref<!tpu.dma_semaphore, #tpu.memory_space<semaphore_mem>>) src(%dma_wait3A_127 : memref<1000x16xf32, #tpu.memory_space<hbm>>) dst(%arg8 : memref<1000x16xf32, #tpu.memory_space<vmem>>)
        tpu.yield
      }) : () -> ()
      %mul3A_108 = arith.constant 4000 : i32
      %mul3A_109 = arith.muli %add3A_105, %mul3A_108 : i32
      "tpu.region"() ({
        %run_scoped3A = tpu.sem_alloc : memref<!tpu.dma_semaphore, #tpu.memory_space<semaphore_mem>>
        %dma_start3A_121 = tpu.memref_slice %arg3[%mul3A_109] : memref<200000xi32, #tpu.memory_space<hbm>> -> memref<4000xi32, #tpu.memory_space<hbm>>
        %dma_start3A_122 = tpu.memref_slice %arg3[%mul3A_109] : memref<200000xi32, #tpu.memory_space<hbm>> -> memref<4000xi32, #tpu.memory_space<hbm>>
        tpu.enqueue_dma source(%dma_start3A_122 : memref<4000xi32, #tpu.memory_space<hbm>>) target(%arg9 : memref<4000xi32, #tpu.memory_space<vmem>>) target_semaphore(%run_scoped3A : memref<!tpu.dma_semaphore, #tpu.memory_space<semaphore_mem>>)
        %dma_wait3A = tpu.memref_slice %arg3[%mul3A_109] : memref<200000xi32, #tpu.memory_space<hbm>> -> memref<4000xi32, #tpu.memory_space<hbm>>
        %dma_wait3A_123 = tpu.memref_slice %arg3[%mul3A_109] : memref<200000xi32, #tpu.memory_space<hbm>> -> memref<4000xi32, #tpu.memory_space<hbm>>
        tpu.wait_dma2 semaphore(%run_scoped3A : memref<!tpu.dma_semaphore, #tpu.memory_space<semaphore_mem>>) src(%dma_wait3A_123 : memref<4000xi32, #tpu.memory_space<hbm>>) dst(%arg9 : memref<4000xi32, #tpu.memory_space<vmem>>)
        tpu.yield
      }) : () -> ()
      %scan3A_110 = arith.constant 0 : i32
      %scan3A_111 = arith.constant 0 : i32
      %scan3A_112 = arith.constant 250 : i32
      %scan3A_113 = arith.addi %scan3A_111, %scan3A_112 : i32
      %scan3A_114 = arith.constant 1 : i32
      %scan3A_115 = scf.for %scan3A_121 = %scan3A_111 to %scan3A_113 step %scan3A_114 iter_args(%scan3A_122 = %scan3A_110) -> (i32)  : i32 {
        %mul3A_123 = arith.constant 4 : i32
        %mul3A_124 = arith.muli %mul3A_123, %scan3A_121 : i32
        %add3A_125 = vector.broadcast %mul3A_124 : i32 to vector<16xi32>
        %add3A_126 = arith.addi %add3A_125, %select_n3A : vector<16xi32>
        %gather3A = tpu.vector_load_idx %arg8[%add3A_126, %mul3A_48] : memref<1000x16xf32, #tpu.memory_space<vmem>>[vector<16xi32>, vector<16xi32>], vector<16xf32>,
        %add3A_127 = arith.constant 1 : i32
        %add3A_128 = vector.broadcast %add3A_127 : i32 to vector<16xi32>
        %add3A_129 = arith.addi %mul3A_48, %add3A_128 : vector<16xi32>
        %gather3A_130 = tpu.vector_load_idx %arg8[%add3A_126, %add3A_129] : memref<1000x16xf32, #tpu.memory_space<vmem>>[vector<16xi32>, vector<16xi32>], vector<16xf32>,
        %mul3A_131 = arith.constant 16 : i32
        %mul3A_132 = arith.muli %scan3A_121, %mul3A_131 : i32
        %get3A = arith.index_cast %mul3A_132 : i32 to index
        %get3A_133 = tpu.vector_load %arg9[%get3A] {strides = array<i32>} : memref<4000xi32, #tpu.memory_space<vmem>>, vector<16xi32>,
        %div3A_134 = arith.constant 4.000000e-03 : f32
        %div3A_135 = vector.broadcast %div3A_134 : f32 to vector<16xf32>
        %div3A_136 = arith.divf %gather3A, %div3A_135 : vector<16xf32>
        %convert_element_type3A_137 = arith.fptosi %div3A_136 : vector<16xf32> to vector<16xi32>
        %div3A_138 = arith.constant 4.000000e-03 : f32
        %div3A_139 = vector.broadcast %div3A_138 : f32 to vector<16xf32>
        %div3A_140 = arith.divf %gather3A_130, %div3A_139 : vector<16xf32>
        %convert_element_type3A_141 = arith.fptosi %div3A_140 : vector<16xf32> to vector<16xi32>
        %shift_left3A = arith.constant 16 : i32
        %shift_left3A_142 = vector.broadcast %shift_left3A : i32 to vector<16xi32>
        %shift_left3A_143 = arith.shli %get3A_133, %shift_left3A_142 : vector<16xi32>
        %shift_left3A_144 = arith.constant 8 : i32
        %shift_left3A_145 = vector.broadcast %shift_left3A_144 : i32 to vector<16xi32>
        %shift_left3A_146 = arith.shli %convert_element_type3A_137, %shift_left3A_145 : vector<16xi32>
        %add3A_147 = arith.addi %shift_left3A_143, %shift_left3A_146 : vector<16xi32>
        %add3A_148 = arith.addi %add3A_147, %convert_element_type3A_141 : vector<16xi32>
        %mul3A_149 = arith.constant 16 : i32
        %mul3A_150 = arith.muli %scan3A_121, %mul3A_149 : i32
        %swap3A_151 = arith.index_cast %mul3A_150 : i32 to index
        %swap3A_152 = tpu.vector_load %arg10[%swap3A_151] {strides = array<i32>} : memref<4000xi32, #tpu.memory_space<vmem>>, vector<16xi32>,
        tpu.vector_store %arg10[%swap3A_151], %add3A_148 {strides = array<i32>} : memref<4000xi32, #tpu.memory_space<vmem>>, vector<16xi32>,
        %scan3A_153 = arith.constant 0 : i32
        scf.yield %scan3A_153 : i32
      }
      %scan3A_116 = arith.constant 250 : i32
      %mul3A_117 = arith.constant 4000 : i32
      %mul3A_118 = arith.muli %add3A_105, %mul3A_117 : i32
      %add3A_119 = arith.addi %mul3A_51, %mul3A_118 : i32
      "tpu.region"() ({
        %run_scoped3A = tpu.sem_alloc : memref<!tpu.dma_semaphore, #tpu.memory_space<semaphore_mem>>
        %dma_start3A_121 = tpu.memref_slice %arg7[%add3A_119] : memref<400000xi32, #tpu.memory_space<hbm>> -> memref<4000xi32, #tpu.memory_space<hbm>>
        %dma_start3A_122 = tpu.memref_slice %arg7[%add3A_119] : memref<400000xi32, #tpu.memory_space<hbm>> -> memref<4000xi32, #tpu.memory_space<hbm>>
        tpu.enqueue_dma source(%arg10 : memref<4000xi32, #tpu.memory_space<vmem>>) target(%dma_start3A_122 : memref<4000xi32, #tpu.memory_space<hbm>>) target_semaphore(%run_scoped3A : memref<!tpu.dma_semaphore, #tpu.memory_space<semaphore_mem>>)
        %dma_wait3A = tpu.memref_slice %arg7[%add3A_119] : memref<400000xi32, #tpu.memory_space<hbm>> -> memref<4000xi32, #tpu.memory_space<hbm>>
        %dma_wait3A_123 = tpu.memref_slice %arg7[%add3A_119] : memref<400000xi32, #tpu.memory_space<hbm>> -> memref<4000xi32, #tpu.memory_space<hbm>>
        tpu.wait_dma2 semaphore(%run_scoped3A : memref<!tpu.dma_semaphore, #tpu.memory_space<semaphore_mem>>) src(%arg10 : memref<4000xi32, #tpu.memory_space<vmem>>) dst(%dma_wait3A_123 : memref<4000xi32, #tpu.memory_space<hbm>>)
        tpu.yield
      }) : () -> ()
      %while3A_120 = arith.constant 0 : i32
      scf.yield %while3A_120 : i32
    }
    %while3A_71 = arith.constant 1 : i32
    %while3A_72 = scf.for %while3A_101 = %while3A_68 to %while3A_64 step %while3A_71 iter_args(%while3A_102 = %while3A_70) -> (i32)  : i32 {
      %mul3A_103 = arith.constant 16 : i32
      %mul3A_104 = arith.muli %mul3A_103, %while3A_101 : i32
      %add3A_105 = arith.addi %arg1, %mul3A_104 : i32
      %mul3A_106 = arith.constant 1000 : i32
      %mul3A_107 = arith.muli %add3A_105, %mul3A_106 : i32
      "tpu.region"() ({
        %run_scoped3A = tpu.sem_alloc : memref<!tpu.dma_semaphore, #tpu.memory_space<semaphore_mem>>
        %dma_start3A_121 = arith.constant 0 : i32
        %dma_start3A_122 = tpu.memref_slice %arg2[%mul3A_107, %dma_start3A_121] : memref<50000x16xf32, #tpu.memory_space<hbm>> -> memref<1000x16xf32, #tpu.memory_space<hbm>>
        %dma_start3A_123 = arith.constant 0 : i32
        %dma_start3A_124 = tpu.memref_slice %arg2[%mul3A_107, %dma_start3A_123] : memref<50000x16xf32, #tpu.memory_space<hbm>> -> memref<1000x16xf32, #tpu.memory_space<hbm>>
        tpu.enqueue_dma source(%dma_start3A_124 : memref<1000x16xf32, #tpu.memory_space<hbm>>) target(%arg8 : memref<1000x16xf32, #tpu.memory_space<vmem>>) target_semaphore(%run_scoped3A : memref<!tpu.dma_semaphore, #tpu.memory_space<semaphore_mem>>)
        %dma_wait3A = arith.constant 0 : i32
        %dma_wait3A_125 = tpu.memref_slice %arg2[%mul3A_107, %dma_wait3A] : memref<50000x16xf32, #tpu.memory_space<hbm>> -> memref<1000x16xf32, #tpu.memory_space<hbm>>
        %dma_wait3A_126 = arith.constant 0 : i32
        %dma_wait3A_127 = tpu.memref_slice %arg2[%mul3A_107, %dma_wait3A_126] : memref<50000x16xf32, #tpu.memory_space<hbm>> -> memref<1000x16xf32, #tpu.memory_space<hbm>>
        tpu.wait_dma2 semaphore(%run_scoped3A : memref<!tpu.dma_semaphore, #tpu.memory_space<semaphore_mem>>) src(%dma_wait3A_127 : memref<1000x16xf32, #tpu.memory_space<hbm>>) dst(%arg8 : memref<1000x16xf32, #tpu.memory_space<vmem>>)
        tpu.yield
      }) : () -> ()
      %mul3A_108 = arith.constant 4000 : i32
      %mul3A_109 = arith.muli %add3A_105, %mul3A_108 : i32
      "tpu.region"() ({
        %run_scoped3A = tpu.sem_alloc : memref<!tpu.dma_semaphore, #tpu.memory_space<semaphore_mem>>
        %dma_start3A_121 = tpu.memref_slice %arg3[%mul3A_109] : memref<200000xi32, #tpu.memory_space<hbm>> -> memref<4000xi32, #tpu.memory_space<hbm>>
        %dma_start3A_122 = tpu.memref_slice %arg3[%mul3A_109] : memref<200000xi32, #tpu.memory_space<hbm>> -> memref<4000xi32, #tpu.memory_space<hbm>>
        tpu.enqueue_dma source(%dma_start3A_122 : memref<4000xi32, #tpu.memory_space<hbm>>) target(%arg9 : memref<4000xi32, #tpu.memory_space<vmem>>) target_semaphore(%run_scoped3A : memref<!tpu.dma_semaphore, #tpu.memory_space<semaphore_mem>>)
        %dma_wait3A = tpu.memref_slice %arg3[%mul3A_109] : memref<200000xi32, #tpu.memory_space<hbm>> -> memref<4000xi32, #tpu.memory_space<hbm>>
        %dma_wait3A_123 = tpu.memref_slice %arg3[%mul3A_109] : memref<200000xi32, #tpu.memory_space<hbm>> -> memref<4000xi32, #tpu.memory_space<hbm>>
        tpu.wait_dma2 semaphore(%run_scoped3A : memref<!tpu.dma_semaphore, #tpu.memory_space<semaphore_mem>>) src(%dma_wait3A_123 : memref<4000xi32, #tpu.memory_space<hbm>>) dst(%arg9 : memref<4000xi32, #tpu.memory_space<vmem>>)
        tpu.yield
      }) : () -> ()
      %scan3A_110 = arith.constant 0 : i32
      %scan3A_111 = arith.constant 0 : i32
      %scan3A_112 = arith.constant 250 : i32
      %scan3A_113 = arith.addi %scan3A_111, %scan3A_112 : i32
      %scan3A_114 = arith.constant 1 : i32
      %scan3A_115 = scf.for %scan3A_121 = %scan3A_111 to %scan3A_113 step %scan3A_114 iter_args(%scan3A_122 = %scan3A_110) -> (i32)  : i32 {
        %mul3A_123 = arith.constant 4 : i32
        %mul3A_124 = arith.muli %mul3A_123, %scan3A_121 : i32
        %add3A_125 = vector.broadcast %mul3A_124 : i32 to vector<16xi32>
        %add3A_126 = arith.addi %add3A_125, %select_n3A : vector<16xi32>
        %gather3A = tpu.vector_load_idx %arg8[%add3A_126, %mul3A_48] : memref<1000x16xf32, #tpu.memory_space<vmem>>[vector<16xi32>, vector<16xi32>], vector<16xf32>,
        %add3A_127 = arith.constant 1 : i32
        %add3A_128 = vector.broadcast %add3A_127 : i32 to vector<16xi32>
        %add3A_129 = arith.addi %mul3A_48, %add3A_128 : vector<16xi32>
        %gather3A_130 = tpu.vector_load_idx %arg8[%add3A_126, %add3A_129] : memref<1000x16xf32, #tpu.memory_space<vmem>>[vector<16xi32>, vector<16xi32>], vector<16xf32>,
        %mul3A_131 = arith.constant 16 : i32
        %mul3A_132 = arith.muli %scan3A_121, %mul3A_131 : i32
        %get3A = arith.index_cast %mul3A_132 : i32 to index
        %get3A_133 = tpu.vector_load %arg9[%get3A] {strides = array<i32>} : memref<4000xi32, #tpu.memory_space<vmem>>, vector<16xi32>,
        %div3A_134 = arith.constant 4.000000e-03 : f32
        %div3A_135 = vector.broadcast %div3A_134 : f32 to vector<16xf32>
        %div3A_136 = arith.divf %gather3A, %div3A_135 : vector<16xf32>
        %convert_element_type3A_137 = arith.fptosi %div3A_136 : vector<16xf32> to vector<16xi32>
        %div3A_138 = arith.constant 4.000000e-03 : f32
        %div3A_139 = vector.broadcast %div3A_138 : f32 to vector<16xf32>
        %div3A_140 = arith.divf %gather3A_130, %div3A_139 : vector<16xf32>
        %convert_element_type3A_141 = arith.fptosi %div3A_140 : vector<16xf32> to vector<16xi32>
        %shift_left3A = arith.constant 16 : i32
        %shift_left3A_142 = vector.broadcast %shift_left3A : i32 to vector<16xi32>
        %shift_left3A_143 = arith.shli %get3A_133, %shift_left3A_142 : vector<16xi32>
        %shift_left3A_144 = arith.constant 8 : i32
        %shift_left3A_145 = vector.broadcast %shift_left3A_144 : i32 to vector<16xi32>
        %shift_left3A_146 = arith.shli %convert_element_type3A_137, %shift_left3A_145 : vector<16xi32>
        %add3A_147 = arith.addi %shift_left3A_143, %shift_left3A_146 : vector<16xi32>
        %add3A_148 = arith.addi %add3A_147, %convert_element_type3A_141 : vector<16xi32>
        %mul3A_149 = arith.constant 16 : i32
        %mul3A_150 = arith.muli %scan3A_121, %mul3A_149 : i32
        %swap3A_151 = arith.index_cast %mul3A_150 : i32 to index
        %swap3A_152 = tpu.vector_load %arg10[%swap3A_151] {strides = array<i32>} : memref<4000xi32, #tpu.memory_space<vmem>>, vector<16xi32>,
        tpu.vector_store %arg10[%swap3A_151], %add3A_148 {strides = array<i32>} : memref<4000xi32, #tpu.memory_space<vmem>>, vector<16xi32>,
        %scan3A_153 = arith.constant 0 : i32
        scf.yield %scan3A_153 : i32
      }
      %scan3A_116 = arith.constant 250 : i32
      %mul3A_117 = arith.constant 4000 : i32
      %mul3A_118 = arith.muli %add3A_105, %mul3A_117 : i32
      %add3A_119 = arith.addi %mul3A_51, %mul3A_118 : i32
      "tpu.region"() ({
        %run_scoped3A = tpu.sem_alloc : memref<!tpu.dma_semaphore, #tpu.memory_space<semaphore_mem>>
        %dma_start3A_121 = tpu.memref_slice %arg7[%add3A_119] : memref<400000xi32, #tpu.memory_space<hbm>> -> memref<4000xi32, #tpu.memory_space<hbm>>
        %dma_start3A_122 = tpu.memref_slice %arg7[%add3A_119] : memref<400000xi32, #tpu.memory_space<hbm>> -> memref<4000xi32, #tpu.memory_space<hbm>>
        tpu.enqueue_dma source(%arg10 : memref<4000xi32, #tpu.memory_space<vmem>>) target(%dma_start3A_122 : memref<4000xi32, #tpu.memory_space<hbm>>) target_semaphore(%run_scoped3A : memref<!tpu.dma_semaphore, #tpu.memory_space<semaphore_mem>>)
        %dma_wait3A = tpu.memref_slice %arg7[%add3A_119] : memref<400000xi32, #tpu.memory_space<hbm>> -> memref<4000xi32, #tpu.memory_space<hbm>>
        %dma_wait3A_123 = tpu.memref_slice %arg7[%add3A_119] : memref<400000xi32, #tpu.memory_space<hbm>> -> memref<4000xi32, #tpu.memory_space<hbm>>
        tpu.wait_dma2 semaphore(%run_scoped3A : memref<!tpu.dma_semaphore, #tpu.memory_space<semaphore_mem>>) src(%arg10 : memref<4000xi32, #tpu.memory_space<vmem>>) dst(%dma_wait3A_123 : memref<4000xi32, #tpu.memory_space<hbm>>)
        tpu.yield
      }) : () -> ()
      %while3A_120 = arith.constant 0 : i32
      scf.yield %while3A_120 : i32
    }
    %barrier3A = arith.constant 0 : index
    tpu.barrier barrier_id(%barrier3A)
    %add3A_73 = arith.constant 0 : i32
    %add3A_74 = arith.addi %mul3A_51, %add3A_73 : i32
    %dma_start3A = arith.constant 0 : i32
    %dma_start3A_75 = arith.constant 0 : i32
    %dma_start3A_76 = tpu.memref_slice %arg11[%dma_start3A, %dma_start3A_75] : memref<2x10000xi32, #tpu.memory_space<vmem>> -> memref<1x10000xi32, #tpu.memory_space<vmem>>
    %dma_start3A_77 = tpu.memref_squeeze %dma_start3A_76 : memref<1x10000xi32, #tpu.memory_space<vmem>> -> memref<10000xi32, #tpu.memory_space<vmem>>
    %dma_start3A_78 = tpu.memref_slice %arg7[%add3A_74] : memref<400000xi32, #tpu.memory_space<hbm>> -> memref<10000xi32, #tpu.memory_space<hbm>>
    %dma_start3A_79 = arith.constant 0 : i32
    %dma_start3A_80 = tpu.memref_slice %arg11[%dma_start3A, %dma_start3A_79] : memref<2x10000xi32, #tpu.memory_space<vmem>> -> memref<1x10000xi32, #tpu.memory_space<vmem>>
    %dma_start3A_81 = tpu.memref_squeeze %dma_start3A_80 : memref<1x10000xi32, #tpu.memory_space<vmem>> -> memref<10000xi32, #tpu.memory_space<vmem>>
    %dma_start3A_82 = tpu.memref_slice %arg7[%add3A_74] : memref<400000xi32, #tpu.memory_space<hbm>> -> memref<10000xi32, #tpu.memory_space<hbm>>
    tpu.enqueue_dma source(%dma_start3A_82 : memref<10000xi32, #tpu.memory_space<hbm>>) target(%dma_start3A_81 : memref<10000xi32, #tpu.memory_space<vmem>>) target_semaphore(%arg15 : memref<!tpu.dma_semaphore, #tpu.memory_space<semaphore_mem>>)
    %scan3A_83 = arith.constant 0 : i32
    %scan3A_84 = arith.constant 0 : i32
    %scan3A_85 = arith.constant 10 : i32
    %scan3A_86 = arith.addi %scan3A_84, %scan3A_85 : i32
    %scan3A_87 = arith.constant 1 : i32
    %scan3A_88 = scf.for %scan3A_101 = %scan3A_84 to %scan3A_86 step %scan3A_87 iter_args(%scan3A_102 = %scan3A_83) -> (i32)  : i32 {
      %mul3A_103 = arith.constant 2 : i32
      %mul3A_104 = arith.muli %mul3A_103, %scan3A_101 : i32
      %add3A_105 = arith.constant 0 : i32
      %add3A_106 = arith.addi %mul3A_104, %add3A_105 : i32
      %mul3A_107 = arith.constant 10000 : i32
      %mul3A_108 = arith.muli %add3A_106, %mul3A_107 : i32
      %add3A_109 = arith.addi %mul3A_51, %mul3A_108 : i32
      %dma_wait3A = arith.constant 0 : i32
      %dma_wait3A_110 = arith.constant 0 : i32
      %dma_wait3A_111 = tpu.memref_slice %arg11[%dma_wait3A, %dma_wait3A_110] : memref<2x10000xi32, #tpu.memory_space<vmem>> -> memref<1x10000xi32, #tpu.memory_space<vmem>>
      %dma_wait3A_112 = tpu.memref_squeeze %dma_wait3A_111 : memref<1x10000xi32, #tpu.memory_space<vmem>> -> memref<10000xi32, #tpu.memory_space<vmem>>
      %dma_wait3A_113 = tpu.memref_slice %arg7[%add3A_109] : memref<400000xi32, #tpu.memory_space<hbm>> -> memref<10000xi32, #tpu.memory_space<hbm>>
      %dma_wait3A_114 = arith.constant 0 : i32
      %dma_wait3A_115 = tpu.memref_slice %arg11[%dma_wait3A, %dma_wait3A_114] : memref<2x10000xi32, #tpu.memory_space<vmem>> -> memref<1x10000xi32, #tpu.memory_space<vmem>>
      %dma_wait3A_116 = tpu.memref_squeeze %dma_wait3A_115 : memref<1x10000xi32, #tpu.memory_space<vmem>> -> memref<10000xi32, #tpu.memory_space<vmem>>
      %dma_wait3A_117 = tpu.memref_slice %arg7[%add3A_109] : memref<400000xi32, #tpu.memory_space<hbm>> -> memref<10000xi32, #tpu.memory_space<hbm>>
      tpu.wait_dma2 semaphore(%arg15 : memref<!tpu.dma_semaphore, #tpu.memory_space<semaphore_mem>>) src(%dma_wait3A_117 : memref<10000xi32, #tpu.memory_space<hbm>>) dst(%dma_wait3A_116 : memref<10000xi32, #tpu.memory_space<vmem>>)
      %add3A_118 = arith.constant 1 : i32
      %add3A_119 = arith.addi %add3A_106, %add3A_118 : i32
      %lt3A_120 = arith.constant 20 : i32
      %lt3A_121 = arith.cmpi slt, %add3A_119, %lt3A_120 : i32
      %convert_element_type3A_122 = arith.extui %lt3A_121 : i1 to i32
      %cond3A = arith.constant 0 : i32
      %cond3A_123 = arith.cmpi ne, %convert_element_type3A_122, %cond3A : i32
      scf.if %cond3A_123 {
        %add3A_162 = arith.constant 1 : i32
        %add3A_163 = arith.addi %add3A_106, %add3A_162 : i32
        %mul3A_164 = arith.constant 10000 : i32
        %mul3A_165 = arith.muli %add3A_163, %mul3A_164 : i32
        %add3A_166 = arith.addi %mul3A_51, %mul3A_165 : i32
        %dma_start3A_167 = arith.constant 1 : i32
        %dma_start3A_168 = arith.constant 0 : i32
        %dma_start3A_169 = tpu.memref_slice %arg11[%dma_start3A_167, %dma_start3A_168] : memref<2x10000xi32, #tpu.memory_space<vmem>> -> memref<1x10000xi32, #tpu.memory_space<vmem>>
        %dma_start3A_170 = tpu.memref_squeeze %dma_start3A_169 : memref<1x10000xi32, #tpu.memory_space<vmem>> -> memref<10000xi32, #tpu.memory_space<vmem>>
        %dma_start3A_171 = tpu.memref_slice %arg7[%add3A_166] : memref<400000xi32, #tpu.memory_space<hbm>> -> memref<10000xi32, #tpu.memory_space<hbm>>
        %dma_start3A_172 = arith.constant 0 : i32
        %dma_start3A_173 = tpu.memref_slice %arg11[%dma_start3A_167, %dma_start3A_172] : memref<2x10000xi32, #tpu.memory_space<vmem>> -> memref<1x10000xi32, #tpu.memory_space<vmem>>
        %dma_start3A_174 = tpu.memref_squeeze %dma_start3A_173 : memref<1x10000xi32, #tpu.memory_space<vmem>> -> memref<10000xi32, #tpu.memory_space<vmem>>
        %dma_start3A_175 = tpu.memref_slice %arg7[%add3A_166] : memref<400000xi32, #tpu.memory_space<hbm>> -> memref<10000xi32, #tpu.memory_space<hbm>>
        tpu.enqueue_dma source(%dma_start3A_175 : memref<10000xi32, #tpu.memory_space<hbm>>) target(%dma_start3A_174 : memref<10000xi32, #tpu.memory_space<vmem>>) target_semaphore(%arg16 : memref<!tpu.dma_semaphore, #tpu.memory_space<semaphore_mem>>)
      } else {
      }
      %scan3A_124 = arith.constant 0 : i32
      %scan3A_125 = arith.constant 0 : i32
      %scan3A_126 = arith.constant 625 : i32
      %scan3A_127 = arith.addi %scan3A_125, %scan3A_126 : i32
      %scan3A_128 = arith.constant 1 : i32
      %scan3A_129 = scf.for %scan3A_162 = %scan3A_125 to %scan3A_127 step %scan3A_128 iter_args(%scan3A_163 = %scan3A_124) -> (i32)  : i32 {
        %mul3A_164 = arith.constant 16 : i32
        %mul3A_165 = arith.muli %scan3A_162, %mul3A_164 : i32
        %get3A = arith.constant 0 : i32
        %get3A_166 = arith.index_cast %get3A : i32 to index
        %get3A_167 = arith.index_cast %mul3A_165 : i32 to index
        %get3A_168 = tpu.vector_load %arg11[%get3A_166, %get3A_167] {strides = array<i32>} : memref<2x10000xi32, #tpu.memory_space<vmem>>, vector<16xi32>,
        %sub3A_169 = vector.broadcast %mul3A_2 : i32 to vector<16xi32>
        %sub3A_170 = arith.subi %get3A_168, %sub3A_169 : vector<16xi32>
        %ge3A = arith.constant 0 : i32
        %ge3A_171 = vector.broadcast %ge3A : i32 to vector<16xi32>
        %ge3A_172 = arith.cmpi sge, %sub3A_170, %ge3A_171 : vector<16xi32>
        %lt3A_173 = arith.constant 8192 : i32
        %lt3A_174 = vector.broadcast %lt3A_173 : i32 to vector<16xi32>
        %lt3A_175 = arith.cmpi slt, %sub3A_170, %lt3A_174 : vector<16xi32>
        %and3A_176 = arith.andi %ge3A_172, %lt3A_175 : vector<16xi1>
        %mul3A_177 = arith.constant 10000 : i32
        %mul3A_178 = arith.muli %add3A_106, %mul3A_177 : i32
        %mul3A_179 = arith.constant 16 : i32
        %mul3A_180 = arith.muli %scan3A_162, %mul3A_179 : i32
        %add3A_181 = arith.addi %mul3A_178, %mul3A_180 : i32
        %add3A_182 = vector.broadcast %add3A_181 : i32 to vector<16xi32>
        %add3A_183 = arith.addi %add3A_182, %iota3A : vector<16xi32>
        %unique3A, %unique3A_184 = tpu.scan_count mask(%and3A_176 : vector<16xi1>) value(%get3A_168 : vector<16xi32>) : vector<16xi1>, vector<16xi32>
        %and3A_185 = arith.andi %unique3A, %and3A_176 : vector<16xi1>
        tpu.vector_store_idx %arg12[%sub3A_170], %unique3A_184 masked %and3A_185 {add = true} : memref<8192xi32, #tpu.memory_space<vmem>>[vector<16xi32>], vector<16xi32>, vector<16xi1>
        tpu.vector_store_idx %arg13[%sub3A_170], %add3A_183 masked %and3A_185 : memref<8192xi32, #tpu.memory_space<vmem>>[vector<16xi32>], vector<16xi32>, vector<16xi1>
        %scan3A_186 = arith.constant 0 : i32
        scf.yield %scan3A_186 : i32
      }
      %scan3A_130 = arith.constant 625 : i32
      %mul3A_131 = arith.constant 2 : i32
      %mul3A_132 = arith.muli %mul3A_131, %scan3A_101 : i32
      %add3A_133 = arith.constant 1 : i32
      %add3A_134 = arith.addi %mul3A_132, %add3A_133 : i32
      %mul3A_135 = arith.constant 10000 : i32
      %mul3A_136 = arith.muli %add3A_134, %mul3A_135 : i32
      %add3A_137 = arith.addi %mul3A_51, %mul3A_136 : i32
      %dma_wait3A_138 = arith.constant 1 : i32
      %dma_wait3A_139 = arith.constant 0 : i32
      %dma_wait3A_140 = tpu.memref_slice %arg11[%dma_wait3A_138, %dma_wait3A_139] : memref<2x10000xi32, #tpu.memory_space<vmem>> -> memref<1x10000xi32, #tpu.memory_space<vmem>>
      %dma_wait3A_141 = tpu.memref_squeeze %dma_wait3A_140 : memref<1x10000xi32, #tpu.memory_space<vmem>> -> memref<10000xi32, #tpu.memory_space<vmem>>
      %dma_wait3A_142 = tpu.memref_slice %arg7[%add3A_137] : memref<400000xi32, #tpu.memory_space<hbm>> -> memref<10000xi32, #tpu.memory_space<hbm>>
      %dma_wait3A_143 = arith.constant 0 : i32
      %dma_wait3A_144 = tpu.memref_slice %arg11[%dma_wait3A_138, %dma_wait3A_143] : memref<2x10000xi32, #tpu.memory_space<vmem>> -> memref<1x10000xi32, #tpu.memory_space<vmem>>
      %dma_wait3A_145 = tpu.memref_squeeze %dma_wait3A_144 : memref<1x10000xi32, #tpu.memory_space<vmem>> -> memref<10000xi32, #tpu.memory_space<vmem>>
      %dma_wait3A_146 = tpu.memref_slice %arg7[%add3A_137] : memref<400000xi32, #tpu.memory_space<hbm>> -> memref<10000xi32, #tpu.memory_space<hbm>>
      tpu.wait_dma2 semaphore(%arg16 : memref<!tpu.dma_semaphore, #tpu.memory_space<semaphore_mem>>) src(%dma_wait3A_146 : memref<10000xi32, #tpu.memory_space<hbm>>) dst(%dma_wait3A_145 : memref<10000xi32, #tpu.memory_space<vmem>>)
      %add3A_147 = arith.constant 1 : i32
      %add3A_148 = arith.addi %add3A_134, %add3A_147 : i32
      %lt3A_149 = arith.constant 20 : i32
      %lt3A_150 = arith.cmpi slt, %add3A_148, %lt3A_149 : i32
      %convert_element_type3A_151 = arith.extui %lt3A_150 : i1 to i32
      %cond3A_152 = arith.constant 0 : i32
      %cond3A_153 = arith.cmpi ne, %convert_element_type3A_151, %cond3A_152 : i32
      scf.if %cond3A_153 {
        %add3A_162 = arith.constant 1 : i32
        %add3A_163 = arith.addi %add3A_134, %add3A_162 : i32
        %mul3A_164 = arith.constant 10000 : i32
        %mul3A_165 = arith.muli %add3A_163, %mul3A_164 : i32
        %add3A_166 = arith.addi %mul3A_51, %mul3A_165 : i32
        %dma_start3A_167 = arith.constant 0 : i32
        %dma_start3A_168 = arith.constant 0 : i32
        %dma_start3A_169 = tpu.memref_slice %arg11[%dma_start3A_167, %dma_start3A_168] : memref<2x10000xi32, #tpu.memory_space<vmem>> -> memref<1x10000xi32, #tpu.memory_space<vmem>>
        %dma_start3A_170 = tpu.memref_squeeze %dma_start3A_169 : memref<1x10000xi32, #tpu.memory_space<vmem>> -> memref<10000xi32, #tpu.memory_space<vmem>>
        %dma_start3A_171 = tpu.memref_slice %arg7[%add3A_166] : memref<400000xi32, #tpu.memory_space<hbm>> -> memref<10000xi32, #tpu.memory_space<hbm>>
        %dma_start3A_172 = arith.constant 0 : i32
        %dma_start3A_173 = tpu.memref_slice %arg11[%dma_start3A_167, %dma_start3A_172] : memref<2x10000xi32, #tpu.memory_space<vmem>> -> memref<1x10000xi32, #tpu.memory_space<vmem>>
        %dma_start3A_174 = tpu.memref_squeeze %dma_start3A_173 : memref<1x10000xi32, #tpu.memory_space<vmem>> -> memref<10000xi32, #tpu.memory_space<vmem>>
        %dma_start3A_175 = tpu.memref_slice %arg7[%add3A_166] : memref<400000xi32, #tpu.memory_space<hbm>> -> memref<10000xi32, #tpu.memory_space<hbm>>
        tpu.enqueue_dma source(%dma_start3A_175 : memref<10000xi32, #tpu.memory_space<hbm>>) target(%dma_start3A_174 : memref<10000xi32, #tpu.memory_space<vmem>>) target_semaphore(%arg15 : memref<!tpu.dma_semaphore, #tpu.memory_space<semaphore_mem>>)
      } else {
      }
      %scan3A_154 = arith.constant 0 : i32
      %scan3A_155 = arith.constant 0 : i32
      %scan3A_156 = arith.constant 625 : i32
      %scan3A_157 = arith.addi %scan3A_155, %scan3A_156 : i32
      %scan3A_158 = arith.constant 1 : i32
      %scan3A_159 = scf.for %scan3A_162 = %scan3A_155 to %scan3A_157 step %scan3A_158 iter_args(%scan3A_163 = %scan3A_154) -> (i32)  : i32 {
        %mul3A_164 = arith.constant 16 : i32
        %mul3A_165 = arith.muli %scan3A_162, %mul3A_164 : i32
        %get3A = arith.constant 1 : i32
        %get3A_166 = arith.index_cast %get3A : i32 to index
        %get3A_167 = arith.index_cast %mul3A_165 : i32 to index
        %get3A_168 = tpu.vector_load %arg11[%get3A_166, %get3A_167] {strides = array<i32>} : memref<2x10000xi32, #tpu.memory_space<vmem>>, vector<16xi32>,
        %sub3A_169 = vector.broadcast %mul3A_2 : i32 to vector<16xi32>
        %sub3A_170 = arith.subi %get3A_168, %sub3A_169 : vector<16xi32>
        %ge3A = arith.constant 0 : i32
        %ge3A_171 = vector.broadcast %ge3A : i32 to vector<16xi32>
        %ge3A_172 = arith.cmpi sge, %sub3A_170, %ge3A_171 : vector<16xi32>
        %lt3A_173 = arith.constant 8192 : i32
        %lt3A_174 = vector.broadcast %lt3A_173 : i32 to vector<16xi32>
        %lt3A_175 = arith.cmpi slt, %sub3A_170, %lt3A_174 : vector<16xi32>
        %and3A_176 = arith.andi %ge3A_172, %lt3A_175 : vector<16xi1>
        %mul3A_177 = arith.constant 10000 : i32
        %mul3A_178 = arith.muli %add3A_134, %mul3A_177 : i32
        %mul3A_179 = arith.constant 16 : i32
        %mul3A_180 = arith.muli %scan3A_162, %mul3A_179 : i32
        %add3A_181 = arith.addi %mul3A_178, %mul3A_180 : i32
        %add3A_182 = vector.broadcast %add3A_181 : i32 to vector<16xi32>
        %add3A_183 = arith.addi %add3A_182, %iota3A : vector<16xi32>
        %unique3A, %unique3A_184 = tpu.scan_count mask(%and3A_176 : vector<16xi1>) value(%get3A_168 : vector<16xi32>) : vector<16xi1>, vector<16xi32>
        %and3A_185 = arith.andi %unique3A, %and3A_176 : vector<16xi1>
        tpu.vector_store_idx %arg12[%sub3A_170], %unique3A_184 masked %and3A_185 {add = true} : memref<8192xi32, #tpu.memory_space<vmem>>[vector<16xi32>], vector<16xi32>, vector<16xi1>
        tpu.vector_store_idx %arg13[%sub3A_170], %add3A_183 masked %and3A_185 : memref<8192xi32, #tpu.memory_space<vmem>>[vector<16xi32>], vector<16xi32>, vector<16xi1>
        %scan3A_186 = arith.constant 0 : i32
        scf.yield %scan3A_186 : i32
      }
      %scan3A_160 = arith.constant 625 : i32
      %scan3A_161 = arith.constant 0 : i32
      scf.yield %scan3A_161 : i32
    }
    %scan3A_89 = arith.constant 10 : i32
    %broadcast_in_dim3A_90 = arith.constant 0 : i32
    %broadcast_in_dim3A_91 = vector.broadcast %broadcast_in_dim3A_90 : i32 to vector<16xi32>
    %scan3A_92 = arith.constant 0 : i32
    %scan3A_93 = arith.constant 512 : i32
    %scan3A_94 = arith.addi %scan3A_92, %scan3A_93 : i32
    %scan3A_95 = arith.constant 1 : i32
    %scan3A_96 = scf.for %scan3A_101 = %scan3A_92 to %scan3A_94 step %scan3A_95 iter_args(%scan3A_102 = %broadcast_in_dim3A_91) -> (vector<16xi32>)  : i32 {
      %mul3A_103 = arith.constant 16 : i32
      %mul3A_104 = arith.muli %scan3A_101, %mul3A_103 : i32
      %get3A = arith.index_cast %mul3A_104 : i32 to index
      %get3A_105 = tpu.vector_load %arg12[%get3A] {strides = array<i32>} : memref<8192xi32, #tpu.memory_space<vmem>>, vector<16xi32>,
      %gt3A = arith.constant 0 : i32
      %gt3A_106 = vector.broadcast %gt3A : i32 to vector<16xi32>
      %gt3A_107 = arith.cmpi sgt, %get3A_105, %gt3A_106 : vector<16xi32>
      %all_reduce_population_count3A = tpu.all_reduce %gt3A_107 {dim = 0 : i64, kind = #tpu.reduction_kind<sum>} : vector<16xi1> -> vector<16xi32>
      %add3A_108 = arith.addi %scan3A_102, %all_reduce_population_count3A : vector<16xi32>
      scf.yield %add3A_108 : vector<16xi32>
    }
    %scan3A_97 = arith.constant 512 : i32
    %swap3A = arith.constant 0 : index
    %swap3A_98 = tpu.vector_load %arg14[%swap3A] {strides = array<i32>} : memref<16xi32, #tpu.memory_space<vmem>>, vector<16xi32>,
    tpu.vector_store %arg14[%swap3A], %scan3A_96 {strides = array<i32>} : memref<16xi32, #tpu.memory_space<vmem>>, vector<16xi32>,
    "tpu.region"() ({
      %run_scoped3A = tpu.sem_alloc : memref<!tpu.dma_semaphore, #tpu.memory_space<semaphore_mem>>
      %dma_start3A_101 = arith.constant 0 : i32
      %dma_start3A_102 = tpu.memref_slice %arg4[%add3A, %dma_start3A_101] : memref<32x8192xi32, #tpu.memory_space<hbm>> -> memref<1x8192xi32, #tpu.memory_space<hbm>>
      %dma_start3A_103 = tpu.memref_squeeze %dma_start3A_102 : memref<1x8192xi32, #tpu.memory_space<hbm>> -> memref<8192xi32, #tpu.memory_space<hbm>>
      %dma_start3A_104 = arith.constant 0 : i32
      %dma_start3A_105 = tpu.memref_slice %arg4[%add3A, %dma_start3A_104] : memref<32x8192xi32, #tpu.memory_space<hbm>> -> memref<1x8192xi32, #tpu.memory_space<hbm>>
      %dma_start3A_106 = tpu.memref_squeeze %dma_start3A_105 : memref<1x8192xi32, #tpu.memory_space<hbm>> -> memref<8192xi32, #tpu.memory_space<hbm>>
      tpu.enqueue_dma source(%arg12 : memref<8192xi32, #tpu.memory_space<vmem>>) target(%dma_start3A_106 : memref<8192xi32, #tpu.memory_space<hbm>>) target_semaphore(%run_scoped3A : memref<!tpu.dma_semaphore, #tpu.memory_space<semaphore_mem>>)
      %dma_wait3A = arith.constant 0 : i32
      %dma_wait3A_107 = tpu.memref_slice %arg4[%add3A, %dma_wait3A] : memref<32x8192xi32, #tpu.memory_space<hbm>> -> memref<1x8192xi32, #tpu.memory_space<hbm>>
      %dma_wait3A_108 = tpu.memref_squeeze %dma_wait3A_107 : memref<1x8192xi32, #tpu.memory_space<hbm>> -> memref<8192xi32, #tpu.memory_space<hbm>>
      %dma_wait3A_109 = arith.constant 0 : i32
      %dma_wait3A_110 = tpu.memref_slice %arg4[%add3A, %dma_wait3A_109] : memref<32x8192xi32, #tpu.memory_space<hbm>> -> memref<1x8192xi32, #tpu.memory_space<hbm>>
      %dma_wait3A_111 = tpu.memref_squeeze %dma_wait3A_110 : memref<1x8192xi32, #tpu.memory_space<hbm>> -> memref<8192xi32, #tpu.memory_space<hbm>>
      tpu.wait_dma2 semaphore(%run_scoped3A : memref<!tpu.dma_semaphore, #tpu.memory_space<semaphore_mem>>) src(%arg12 : memref<8192xi32, #tpu.memory_space<vmem>>) dst(%dma_wait3A_111 : memref<8192xi32, #tpu.memory_space<hbm>>)
      tpu.yield
    }) : () -> ()
    "tpu.region"() ({
      %run_scoped3A = tpu.sem_alloc : memref<!tpu.dma_semaphore, #tpu.memory_space<semaphore_mem>>
      %dma_start3A_101 = arith.constant 0 : i32
      %dma_start3A_102 = tpu.memref_slice %arg5[%add3A, %dma_start3A_101] : memref<32x8192xi32, #tpu.memory_space<hbm>> -> memref<1x8192xi32, #tpu.memory_space<hbm>>
      %dma_start3A_103 = tpu.memref_squeeze %dma_start3A_102 : memref<1x8192xi32, #tpu.memory_space<hbm>> -> memref<8192xi32, #tpu.memory_space<hbm>>
      %dma_start3A_104 = arith.constant 0 : i32
      %dma_start3A_105 = tpu.memref_slice %arg5[%add3A, %dma_start3A_104] : memref<32x8192xi32, #tpu.memory_space<hbm>> -> memref<1x8192xi32, #tpu.memory_space<hbm>>
      %dma_start3A_106 = tpu.memref_squeeze %dma_start3A_105 : memref<1x8192xi32, #tpu.memory_space<hbm>> -> memref<8192xi32, #tpu.memory_space<hbm>>
      tpu.enqueue_dma source(%arg13 : memref<8192xi32, #tpu.memory_space<vmem>>) target(%dma_start3A_106 : memref<8192xi32, #tpu.memory_space<hbm>>) target_semaphore(%run_scoped3A : memref<!tpu.dma_semaphore, #tpu.memory_space<semaphore_mem>>)
      %dma_wait3A = arith.constant 0 : i32
      %dma_wait3A_107 = tpu.memref_slice %arg5[%add3A, %dma_wait3A] : memref<32x8192xi32, #tpu.memory_space<hbm>> -> memref<1x8192xi32, #tpu.memory_space<hbm>>
      %dma_wait3A_108 = tpu.memref_squeeze %dma_wait3A_107 : memref<1x8192xi32, #tpu.memory_space<hbm>> -> memref<8192xi32, #tpu.memory_space<hbm>>
      %dma_wait3A_109 = arith.constant 0 : i32
      %dma_wait3A_110 = tpu.memref_slice %arg5[%add3A, %dma_wait3A_109] : memref<32x8192xi32, #tpu.memory_space<hbm>> -> memref<1x8192xi32, #tpu.memory_space<hbm>>
      %dma_wait3A_111 = tpu.memref_squeeze %dma_wait3A_110 : memref<1x8192xi32, #tpu.memory_space<hbm>> -> memref<8192xi32, #tpu.memory_space<hbm>>
      tpu.wait_dma2 semaphore(%run_scoped3A : memref<!tpu.dma_semaphore, #tpu.memory_space<semaphore_mem>>) src(%arg13 : memref<8192xi32, #tpu.memory_space<vmem>>) dst(%dma_wait3A_111 : memref<8192xi32, #tpu.memory_space<hbm>>)
      tpu.yield
    }) : () -> ()
    %mul3A_99 = arith.constant 16 : i32
    %mul3A_100 = arith.muli %add3A, %mul3A_99 : i32
    "tpu.region"() ({
      %run_scoped3A = tpu.sem_alloc : memref<!tpu.dma_semaphore, #tpu.memory_space<semaphore_mem>>
      %dma_start3A_101 = tpu.memref_slice %arg6[%mul3A_100] : memref<512xi32, #tpu.memory_space<hbm>> -> memref<16xi32, #tpu.memory_space<hbm>>
      %dma_start3A_102 = tpu.memref_slice %arg6[%mul3A_100] : memref<512xi32, #tpu.memory_space<hbm>> -> memref<16xi32, #tpu.memory_space<hbm>>
      tpu.enqueue_dma source(%arg14 : memref<16xi32, #tpu.memory_space<vmem>>) target(%dma_start3A_102 : memref<16xi32, #tpu.memory_space<hbm>>) target_semaphore(%run_scoped3A : memref<!tpu.dma_semaphore, #tpu.memory_space<semaphore_mem>>)
      %dma_wait3A = tpu.memref_slice %arg6[%mul3A_100] : memref<512xi32, #tpu.memory_space<hbm>> -> memref<16xi32, #tpu.memory_space<hbm>>
      %dma_wait3A_103 = tpu.memref_slice %arg6[%mul3A_100] : memref<512xi32, #tpu.memory_space<hbm>> -> memref<16xi32, #tpu.memory_space<hbm>>
      tpu.wait_dma2 semaphore(%run_scoped3A : memref<!tpu.dma_semaphore, #tpu.memory_space<semaphore_mem>>) src(%arg14 : memref<16xi32, #tpu.memory_space<vmem>>) dst(%dma_wait3A_103 : memref<16xi32, #tpu.memory_space<hbm>>)
      tpu.yield
    }) : () -> ()
    return
  }
}

#map = affine_map<(d0, d1) -> (0, 0)>
#map1 = affine_map<(d0, d1) -> (0)>
module attributes {stable_mosaic.version = 14 : i64} {
  func.func @_emit_body(%arg0: i32, %arg1: i32, %arg2: memref<32x8192xi32, #tpu.memory_space<hbm>>, %arg3: memref<32x8192xi32, #tpu.memory_space<hbm>>, %arg4: memref<512xi32, #tpu.memory_space<hbm>>, %arg5: memref<50000x16xf32, #tpu.memory_space<hbm>>, %arg6: memref<262144x80xf32, #tpu.memory_space<hbm>>, %arg7: memref<512xi32, #tpu.memory_space<vmem>>, %arg8: memref<8192xi32, #tpu.memory_space<vmem>>, %arg9: memref<8192xi32, #tpu.memory_space<vmem>>, %arg10: memref<8336xi32, #tpu.memory_space<vmem>>, %arg11: memref<8336xi32, #tpu.memory_space<vmem>>, %arg12: memref<8336xf32, #tpu.memory_space<vmem>>, %arg13: memref<2x128xi32, #tpu.memory_space<vmem>>, %arg14: memref<2x128x16xf32, #tpu.memory_space<vmem>>, %arg15: memref<2x128x80xf32, #tpu.memory_space<vmem>>, %arg16: memref<128x80xf32, #tpu.memory_space<vmem>>, %arg17: memref<!tpu.dma_semaphore, #tpu.memory_space<semaphore_mem>>, %arg18: memref<!tpu.dma_semaphore, #tpu.memory_space<semaphore_mem>>, %arg19: memref<!tpu.dma_semaphore, #tpu.memory_space<semaphore_mem>>, %arg20: memref<!tpu.dma_semaphore, #tpu.memory_space<semaphore_mem>>, %arg21: memref<!tpu.dma_semaphore, #tpu.memory_space<semaphore_mem>>) attributes {dimension_semantics = [#tpu.dimension_semantics<core_parallel>, #tpu.dimension_semantics<subcore_parallel>], iteration_bounds = array<i64: 2, 16>, scalar_prefetch = 0 : i64, scratch_operands = 15 : i64, tpu.core_type = #tpu.core_type<sc_vector_subcore>, window_params = [{transform_indices = #map}, {transform_indices = #map}, {transform_indices = #map1}, {transform_indices = #map}, {transform_indices = #map}]} {
    %mul3A = arith.constant 16 : i32
    %mul3A_0 = arith.muli %arg0, %mul3A : i32
    %add3A = arith.addi %mul3A_0, %arg1 : i32
    %iota3A = tpu.iota {dimensions = array<i32: 0>} : vector<16xi32>
    %and3A = arith.constant 3 : i32
    %and3A_1 = vector.broadcast %and3A : i32 to vector<16xi32>
    %and3A_2 = arith.andi %iota3A, %and3A_1 : vector<16xi32>
    %broadcast_in_dim3A = arith.constant 0 : i32
    %broadcast_in_dim3A_3 = vector.broadcast %broadcast_in_dim3A : i32 to vector<16xi32>
    %broadcast_in_dim3A_4 = arith.constant 0.000000e+00 : f32
    %broadcast_in_dim3A_5 = vector.broadcast %broadcast_in_dim3A_4 : f32 to vector<16xf32>
    "tpu.region"() ({
      %run_scoped3A = tpu.sem_alloc : memref<!tpu.dma_semaphore, #tpu.memory_space<semaphore_mem>>
      tpu.enqueue_dma source(%arg4 : memref<512xi32, #tpu.memory_space<hbm>>) target(%arg7 : memref<512xi32, #tpu.memory_space<vmem>>) target_semaphore(%run_scoped3A : memref<!tpu.dma_semaphore, #tpu.memory_space<semaphore_mem>>)
      tpu.wait_dma2 semaphore(%run_scoped3A : memref<!tpu.dma_semaphore, #tpu.memory_space<semaphore_mem>>) src(%arg4 : memref<512xi32, #tpu.memory_space<hbm>>) dst(%arg7 : memref<512xi32, #tpu.memory_space<vmem>>)
      tpu.yield
    }) : () -> ()
    "tpu.region"() ({
      %run_scoped3A = tpu.sem_alloc : memref<!tpu.dma_semaphore, #tpu.memory_space<semaphore_mem>>
      %dma_start3A = arith.constant 0 : i32
      %dma_start3A_273 = tpu.memref_slice %arg2[%add3A, %dma_start3A] : memref<32x8192xi32, #tpu.memory_space<hbm>> -> memref<1x8192xi32, #tpu.memory_space<hbm>>
      %dma_start3A_274 = tpu.memref_squeeze %dma_start3A_273 : memref<1x8192xi32, #tpu.memory_space<hbm>> -> memref<8192xi32, #tpu.memory_space<hbm>>
      %dma_start3A_275 = arith.constant 0 : i32
      %dma_start3A_276 = tpu.memref_slice %arg2[%add3A, %dma_start3A_275] : memref<32x8192xi32, #tpu.memory_space<hbm>> -> memref<1x8192xi32, #tpu.memory_space<hbm>>
      %dma_start3A_277 = tpu.memref_squeeze %dma_start3A_276 : memref<1x8192xi32, #tpu.memory_space<hbm>> -> memref<8192xi32, #tpu.memory_space<hbm>>
      tpu.enqueue_dma source(%dma_start3A_277 : memref<8192xi32, #tpu.memory_space<hbm>>) target(%arg8 : memref<8192xi32, #tpu.memory_space<vmem>>) target_semaphore(%run_scoped3A : memref<!tpu.dma_semaphore, #tpu.memory_space<semaphore_mem>>)
      %dma_wait3A = arith.constant 0 : i32
      %dma_wait3A_278 = tpu.memref_slice %arg2[%add3A, %dma_wait3A] : memref<32x8192xi32, #tpu.memory_space<hbm>> -> memref<1x8192xi32, #tpu.memory_space<hbm>>
      %dma_wait3A_279 = tpu.memref_squeeze %dma_wait3A_278 : memref<1x8192xi32, #tpu.memory_space<hbm>> -> memref<8192xi32, #tpu.memory_space<hbm>>
      %dma_wait3A_280 = arith.constant 0 : i32
      %dma_wait3A_281 = tpu.memref_slice %arg2[%add3A, %dma_wait3A_280] : memref<32x8192xi32, #tpu.memory_space<hbm>> -> memref<1x8192xi32, #tpu.memory_space<hbm>>
      %dma_wait3A_282 = tpu.memref_squeeze %dma_wait3A_281 : memref<1x8192xi32, #tpu.memory_space<hbm>> -> memref<8192xi32, #tpu.memory_space<hbm>>
      tpu.wait_dma2 semaphore(%run_scoped3A : memref<!tpu.dma_semaphore, #tpu.memory_space<semaphore_mem>>) src(%dma_wait3A_282 : memref<8192xi32, #tpu.memory_space<hbm>>) dst(%arg8 : memref<8192xi32, #tpu.memory_space<vmem>>)
      tpu.yield
    }) : () -> ()
    "tpu.region"() ({
      %run_scoped3A = tpu.sem_alloc : memref<!tpu.dma_semaphore, #tpu.memory_space<semaphore_mem>>
      %dma_start3A = arith.constant 0 : i32
      %dma_start3A_273 = tpu.memref_slice %arg3[%add3A, %dma_start3A] : memref<32x8192xi32, #tpu.memory_space<hbm>> -> memref<1x8192xi32, #tpu.memory_space<hbm>>
      %dma_start3A_274 = tpu.memref_squeeze %dma_start3A_273 : memref<1x8192xi32, #tpu.memory_space<hbm>> -> memref<8192xi32, #tpu.memory_space<hbm>>
      %dma_start3A_275 = arith.constant 0 : i32
      %dma_start3A_276 = tpu.memref_slice %arg3[%add3A, %dma_start3A_275] : memref<32x8192xi32, #tpu.memory_space<hbm>> -> memref<1x8192xi32, #tpu.memory_space<hbm>>
      %dma_start3A_277 = tpu.memref_squeeze %dma_start3A_276 : memref<1x8192xi32, #tpu.memory_space<hbm>> -> memref<8192xi32, #tpu.memory_space<hbm>>
      tpu.enqueue_dma source(%dma_start3A_277 : memref<8192xi32, #tpu.memory_space<hbm>>) target(%arg9 : memref<8192xi32, #tpu.memory_space<vmem>>) target_semaphore(%run_scoped3A : memref<!tpu.dma_semaphore, #tpu.memory_space<semaphore_mem>>)
      %dma_wait3A = arith.constant 0 : i32
      %dma_wait3A_278 = tpu.memref_slice %arg3[%add3A, %dma_wait3A] : memref<32x8192xi32, #tpu.memory_space<hbm>> -> memref<1x8192xi32, #tpu.memory_space<hbm>>
      %dma_wait3A_279 = tpu.memref_squeeze %dma_wait3A_278 : memref<1x8192xi32, #tpu.memory_space<hbm>> -> memref<8192xi32, #tpu.memory_space<hbm>>
      %dma_wait3A_280 = arith.constant 0 : i32
      %dma_wait3A_281 = tpu.memref_slice %arg3[%add3A, %dma_wait3A_280] : memref<32x8192xi32, #tpu.memory_space<hbm>> -> memref<1x8192xi32, #tpu.memory_space<hbm>>
      %dma_wait3A_282 = tpu.memref_squeeze %dma_wait3A_281 : memref<1x8192xi32, #tpu.memory_space<hbm>> -> memref<8192xi32, #tpu.memory_space<hbm>>
      tpu.wait_dma2 semaphore(%run_scoped3A : memref<!tpu.dma_semaphore, #tpu.memory_space<semaphore_mem>>) src(%dma_wait3A_282 : memref<8192xi32, #tpu.memory_space<hbm>>) dst(%arg9 : memref<8192xi32, #tpu.memory_space<vmem>>)
      tpu.yield
    }) : () -> ()
    %mul3A_6 = arith.constant 16 : i32
    %mul3A_7 = vector.broadcast %mul3A_6 : i32 to vector<16xi32>
    %mul3A_8 = arith.muli %iota3A, %mul3A_7 : vector<16xi32>
    %gather3A = tpu.vector_load_idx %arg7[%mul3A_8] : memref<512xi32, #tpu.memory_space<vmem>>[vector<16xi32>], vector<16xi32>,
    %mul3A_9 = arith.constant 16 : i32
    %mul3A_10 = vector.broadcast %mul3A_9 : i32 to vector<16xi32>
    %mul3A_11 = arith.muli %iota3A, %mul3A_10 : vector<16xi32>
    %add3A_12 = arith.constant 256 : i32
    %add3A_13 = vector.broadcast %add3A_12 : i32 to vector<16xi32>
    %add3A_14 = arith.addi %mul3A_11, %add3A_13 : vector<16xi32>
    %gather3A_15 = tpu.vector_load_idx %arg7[%add3A_14] : memref<512xi32, #tpu.memory_space<vmem>>[vector<16xi32>], vector<16xi32>,
    %reduce_sum3A = arith.constant true
    %reduce_sum3A_16 = vector.broadcast %reduce_sum3A : i1 to vector<16xi1>
    %reduce_sum3A_17 = tpu.scan <sum>, %gather3A masked %reduce_sum3A_16 : vector<16xi32>, vector<16xi1> -> vector<16xi32>
    %reduce_sum3A_18 = vector.extract %reduce_sum3A_17[15] : i32 from vector<16xi32>
    %reduce_sum3A_19 = arith.constant true
    %reduce_sum3A_20 = vector.broadcast %reduce_sum3A_19 : i1 to vector<16xi1>
    %reduce_sum3A_21 = tpu.scan <sum>, %gather3A_15 masked %reduce_sum3A_20 : vector<16xi32>, vector<16xi1> -> vector<16xi32>
    %reduce_sum3A_22 = vector.extract %reduce_sum3A_21[15] : i32 from vector<16xi32>
    %add3A_23 = arith.addi %reduce_sum3A_18, %reduce_sum3A_22 : i32
    %lt3A = vector.broadcast %add3A : i32 to vector<16xi32>
    %lt3A_24 = arith.cmpi slt, %iota3A, %lt3A : vector<16xi32>
    %jit3A = arith.constant 0 : i32
    %broadcast_in_dim3A_25 = vector.broadcast %jit3A : i32 to vector<16xi32>
    %select_n3A = arith.select %lt3A_24, %gather3A, %broadcast_in_dim3A_25 : vector<16xi1>, vector<16xi32>
    %reduce_sum3A_26 = arith.constant true
    %reduce_sum3A_27 = vector.broadcast %reduce_sum3A_26 : i1 to vector<16xi1>
    %reduce_sum3A_28 = tpu.scan <sum>, %select_n3A masked %reduce_sum3A_27 : vector<16xi32>, vector<16xi1> -> vector<16xi32>
    %reduce_sum3A_29 = vector.extract %reduce_sum3A_28[15] : i32 from vector<16xi32>
    %add3A_30 = arith.constant 16 : i32
    %add3A_31 = vector.broadcast %add3A_30 : i32 to vector<16xi32>
    %add3A_32 = arith.addi %iota3A, %add3A_31 : vector<16xi32>
    %lt3A_33 = vector.broadcast %add3A : i32 to vector<16xi32>
    %lt3A_34 = arith.cmpi slt, %add3A_32, %lt3A_33 : vector<16xi32>
    %jit3A_35 = arith.constant 0 : i32
    %broadcast_in_dim3A_36 = vector.broadcast %jit3A_35 : i32 to vector<16xi32>
    %select_n3A_37 = arith.select %lt3A_34, %gather3A_15, %broadcast_in_dim3A_36 : vector<16xi1>, vector<16xi32>
    %reduce_sum3A_38 = arith.constant true
    %reduce_sum3A_39 = vector.broadcast %reduce_sum3A_38 : i1 to vector<16xi1>
    %reduce_sum3A_40 = tpu.scan <sum>, %select_n3A_37 masked %reduce_sum3A_39 : vector<16xi32>, vector<16xi1> -> vector<16xi32>
    %reduce_sum3A_41 = vector.extract %reduce_sum3A_40[15] : i32 from vector<16xi32>
    %add3A_42 = arith.addi %reduce_sum3A_29, %reduce_sum3A_41 : i32
    %scan3A = arith.constant 0 : i32
    %scan3A_43 = arith.constant 0 : i32
    %scan3A_44 = arith.constant 512 : i32
    %scan3A_45 = arith.addi %scan3A_43, %scan3A_44 : i32
    %scan3A_46 = arith.constant 1 : i32
    %scan3A_47 = scf.for %scan3A_273 = %scan3A_43 to %scan3A_45 step %scan3A_46 iter_args(%scan3A_274 = %scan3A) -> (i32)  : i32 {
      %mul3A_275 = arith.constant 16 : i32
      %mul3A_276 = arith.muli %scan3A_273, %mul3A_275 : i32
      %get3A = arith.index_cast %mul3A_276 : i32 to index
      %get3A_277 = tpu.vector_load %arg8[%get3A] {strides = array<i32>} : memref<8192xi32, #tpu.memory_space<vmem>>, vector<16xi32>,
      %mul3A_278 = arith.constant 16 : i32
      %mul3A_279 = arith.muli %scan3A_273, %mul3A_278 : i32
      %get3A_280 = arith.index_cast %mul3A_279 : i32 to index
      %get3A_281 = tpu.vector_load %arg9[%get3A_280] {strides = array<i32>} : memref<8192xi32, #tpu.memory_space<vmem>>, vector<16xi32>,
      %gt3A_282 = arith.constant 0 : i32
      %gt3A_283 = vector.broadcast %gt3A_282 : i32 to vector<16xi32>
      %gt3A_284 = arith.cmpi sgt, %get3A_277, %gt3A_283 : vector<16xi32>
      %shift_right_arithmetic3A = arith.constant 2 : i32
      %shift_right_arithmetic3A_285 = vector.broadcast %shift_right_arithmetic3A : i32 to vector<16xi32>
      %shift_right_arithmetic3A_286 = arith.shrsi %get3A_281, %shift_right_arithmetic3A_285 : vector<16xi32>
      %swap3A_287 = arith.index_cast %scan3A_274 : i32 to index
      %swap3A_288 = tpu.vector_load %arg10[%swap3A_287] masked %gt3A_284 {strides = array<i32>} : memref<8336xi32, #tpu.memory_space<vmem>>, vector<16xi32>, vector<16xi1>
      tpu.vector_store %arg10[%swap3A_287], %shift_right_arithmetic3A_286 masked %gt3A_284 {strides = array<i32>} : memref<8336xi32, #tpu.memory_space<vmem>>, vector<16xi32>, vector<16xi1>
      %and3A_289 = arith.constant 3 : i32
      %and3A_290 = vector.broadcast %and3A_289 : i32 to vector<16xi32>
      %and3A_291 = arith.andi %get3A_281, %and3A_290 : vector<16xi32>
      %mul3A_292 = arith.constant 4 : i32
      %mul3A_293 = vector.broadcast %mul3A_292 : i32 to vector<16xi32>
      %mul3A_294 = arith.muli %and3A_291, %mul3A_293 : vector<16xi32>
      %swap3A_295 = arith.index_cast %scan3A_274 : i32 to index
      %swap3A_296 = tpu.vector_load %arg11[%swap3A_295] masked %gt3A_284 {strides = array<i32>} : memref<8336xi32, #tpu.memory_space<vmem>>, vector<16xi32>, vector<16xi1>
      tpu.vector_store %arg11[%swap3A_295], %mul3A_294 masked %gt3A_284 {strides = array<i32>} : memref<8336xi32, #tpu.memory_space<vmem>>, vector<16xi32>, vector<16xi1>
      %le3A = arith.constant 20 : i32
      %le3A_297 = vector.broadcast %le3A : i32 to vector<16xi32>
      %le3A_298 = arith.cmpi sle, %get3A_277, %le3A_297 : vector<16xi32>
      %jit3A_299 = arith.constant 1.000000e+00 : f32
      %jit3A_300 = arith.constant 0.000000e+00 : f32
      %broadcast_in_dim3A_301 = vector.broadcast %jit3A_299 : f32 to vector<16xf32>
      %broadcast_in_dim3A_302 = vector.broadcast %jit3A_300 : f32 to vector<16xf32>
      %select_n3A_303 = arith.select %le3A_298, %broadcast_in_dim3A_301, %broadcast_in_dim3A_302 : vector<16xi1>, vector<16xf32>
      %swap3A_304 = arith.index_cast %scan3A_274 : i32 to index
      %swap3A_305 = tpu.vector_load %arg12[%swap3A_304] masked %gt3A_284 {strides = array<i32>} : memref<8336xf32, #tpu.memory_space<vmem>>, vector<16xf32>, vector<16xi1>
      tpu.vector_store %arg12[%swap3A_304], %select_n3A_303 masked %gt3A_284 {strides = array<i32>} : memref<8336xf32, #tpu.memory_space<vmem>>, vector<16xf32>, vector<16xi1>
      %all_reduce_population_count3A = tpu.all_reduce %gt3A_284 {dim = 0 : i64, kind = #tpu.reduction_kind<sum>} : vector<16xi1> -> vector<16xi32>
      %reduce_max3A = arith.constant true
      %reduce_max3A_306 = vector.broadcast %reduce_max3A : i1 to vector<16xi1>
      %reduce_max3A_307 = arith.constant -2147483648 : i32
      %reduce_max3A_308 = vector.broadcast %reduce_max3A_307 : i32 to vector<16xi32>
      %reduce_max3A_309 = arith.xori %all_reduce_population_count3A, %reduce_max3A_308 : vector<16xi32>
      %reduce_max3A_310 = tpu.scan <max>, %reduce_max3A_309 masked %reduce_max3A_306 : vector<16xi32>, vector<16xi1> -> vector<16xi32>
      %reduce_max3A_311 = arith.xori %reduce_max3A_310, %reduce_max3A_308 : vector<16xi32>
      %reduce_max3A_312 = vector.extract %reduce_max3A_311[15] : i32 from vector<16xi32>
      %add3A_313 = arith.addi %scan3A_274, %reduce_max3A_312 : i32
      scf.yield %add3A_313 : i32
    }
    %scan3A_48 = arith.constant 512 : i32
    %add3A_49 = arith.constant 0 : i32
    %add3A_50 = arith.addi %scan3A_47, %add3A_49 : i32
    %swap3A = arith.index_cast %add3A_50 : i32 to index
    %swap3A_51 = tpu.vector_load %arg10[%swap3A] {strides = array<i32>} : memref<8336xi32, #tpu.memory_space<vmem>>, vector<16xi32>,
    tpu.vector_store %arg10[%swap3A], %broadcast_in_dim3A_3 {strides = array<i32>} : memref<8336xi32, #tpu.memory_space<vmem>>, vector<16xi32>,
    %add3A_52 = arith.constant 0 : i32
    %add3A_53 = arith.addi %scan3A_47, %add3A_52 : i32
    %swap3A_54 = arith.index_cast %add3A_53 : i32 to index
    %swap3A_55 = tpu.vector_load %arg11[%swap3A_54] {strides = array<i32>} : memref<8336xi32, #tpu.memory_space<vmem>>, vector<16xi32>,
    tpu.vector_store %arg11[%swap3A_54], %broadcast_in_dim3A_3 {strides = array<i32>} : memref<8336xi32, #tpu.memory_space<vmem>>, vector<16xi32>,
    %add3A_56 = arith.constant 0 : i32
    %add3A_57 = arith.addi %scan3A_47, %add3A_56 : i32
    %swap3A_58 = arith.index_cast %add3A_57 : i32 to index
    %swap3A_59 = tpu.vector_load %arg12[%swap3A_58] {strides = array<i32>} : memref<8336xf32, #tpu.memory_space<vmem>>, vector<16xf32>,
    tpu.vector_store %arg12[%swap3A_58], %broadcast_in_dim3A_5 {strides = array<i32>} : memref<8336xf32, #tpu.memory_space<vmem>>, vector<16xf32>,
    %add3A_60 = arith.constant 16 : i32
    %add3A_61 = arith.addi %scan3A_47, %add3A_60 : i32
    %swap3A_62 = arith.index_cast %add3A_61 : i32 to index
    %swap3A_63 = tpu.vector_load %arg10[%swap3A_62] {strides = array<i32>} : memref<8336xi32, #tpu.memory_space<vmem>>, vector<16xi32>,
    tpu.vector_store %arg10[%swap3A_62], %broadcast_in_dim3A_3 {strides = array<i32>} : memref<8336xi32, #tpu.memory_space<vmem>>, vector<16xi32>,
    %add3A_64 = arith.constant 16 : i32
    %add3A_65 = arith.addi %scan3A_47, %add3A_64 : i32
    %swap3A_66 = arith.index_cast %add3A_65 : i32 to index
    %swap3A_67 = tpu.vector_load %arg11[%swap3A_66] {strides = array<i32>} : memref<8336xi32, #tpu.memory_space<vmem>>, vector<16xi32>,
    tpu.vector_store %arg11[%swap3A_66], %broadcast_in_dim3A_3 {strides = array<i32>} : memref<8336xi32, #tpu.memory_space<vmem>>, vector<16xi32>,
    %add3A_68 = arith.constant 16 : i32
    %add3A_69 = arith.addi %scan3A_47, %add3A_68 : i32
    %swap3A_70 = arith.index_cast %add3A_69 : i32 to index
    %swap3A_71 = tpu.vector_load %arg12[%swap3A_70] {strides = array<i32>} : memref<8336xf32, #tpu.memory_space<vmem>>, vector<16xf32>,
    tpu.vector_store %arg12[%swap3A_70], %broadcast_in_dim3A_5 {strides = array<i32>} : memref<8336xf32, #tpu.memory_space<vmem>>, vector<16xf32>,
    %add3A_72 = arith.constant 32 : i32
    %add3A_73 = arith.addi %scan3A_47, %add3A_72 : i32
    %swap3A_74 = arith.index_cast %add3A_73 : i32 to index
    %swap3A_75 = tpu.vector_load %arg10[%swap3A_74] {strides = array<i32>} : memref<8336xi32, #tpu.memory_space<vmem>>, vector<16xi32>,
    tpu.vector_store %arg10[%swap3A_74], %broadcast_in_dim3A_3 {strides = array<i32>} : memref<8336xi32, #tpu.memory_space<vmem>>, vector<16xi32>,
    %add3A_76 = arith.constant 32 : i32
    %add3A_77 = arith.addi %scan3A_47, %add3A_76 : i32
    %swap3A_78 = arith.index_cast %add3A_77 : i32 to index
    %swap3A_79 = tpu.vector_load %arg11[%swap3A_78] {strides = array<i32>} : memref<8336xi32, #tpu.memory_space<vmem>>, vector<16xi32>,
    tpu.vector_store %arg11[%swap3A_78], %broadcast_in_dim3A_3 {strides = array<i32>} : memref<8336xi32, #tpu.memory_space<vmem>>, vector<16xi32>,
    %add3A_80 = arith.constant 32 : i32
    %add3A_81 = arith.addi %scan3A_47, %add3A_80 : i32
    %swap3A_82 = arith.index_cast %add3A_81 : i32 to index
    %swap3A_83 = tpu.vector_load %arg12[%swap3A_82] {strides = array<i32>} : memref<8336xf32, #tpu.memory_space<vmem>>, vector<16xf32>,
    tpu.vector_store %arg12[%swap3A_82], %broadcast_in_dim3A_5 {strides = array<i32>} : memref<8336xf32, #tpu.memory_space<vmem>>, vector<16xf32>,
    %add3A_84 = arith.constant 48 : i32
    %add3A_85 = arith.addi %scan3A_47, %add3A_84 : i32
    %swap3A_86 = arith.index_cast %add3A_85 : i32 to index
    %swap3A_87 = tpu.vector_load %arg10[%swap3A_86] {strides = array<i32>} : memref<8336xi32, #tpu.memory_space<vmem>>, vector<16xi32>,
    tpu.vector_store %arg10[%swap3A_86], %broadcast_in_dim3A_3 {strides = array<i32>} : memref<8336xi32, #tpu.memory_space<vmem>>, vector<16xi32>,
    %add3A_88 = arith.constant 48 : i32
    %add3A_89 = arith.addi %scan3A_47, %add3A_88 : i32
    %swap3A_90 = arith.index_cast %add3A_89 : i32 to index
    %swap3A_91 = tpu.vector_load %arg11[%swap3A_90] {strides = array<i32>} : memref<8336xi32, #tpu.memory_space<vmem>>, vector<16xi32>,
    tpu.vector_store %arg11[%swap3A_90], %broadcast_in_dim3A_3 {strides = array<i32>} : memref<8336xi32, #tpu.memory_space<vmem>>, vector<16xi32>,
    %add3A_92 = arith.constant 48 : i32
    %add3A_93 = arith.addi %scan3A_47, %add3A_92 : i32
    %swap3A_94 = arith.index_cast %add3A_93 : i32 to index
    %swap3A_95 = tpu.vector_load %arg12[%swap3A_94] {strides = array<i32>} : memref<8336xf32, #tpu.memory_space<vmem>>, vector<16xf32>,
    tpu.vector_store %arg12[%swap3A_94], %broadcast_in_dim3A_5 {strides = array<i32>} : memref<8336xf32, #tpu.memory_space<vmem>>, vector<16xf32>,
    %add3A_96 = arith.constant 64 : i32
    %add3A_97 = arith.addi %scan3A_47, %add3A_96 : i32
    %swap3A_98 = arith.index_cast %add3A_97 : i32 to index
    %swap3A_99 = tpu.vector_load %arg10[%swap3A_98] {strides = array<i32>} : memref<8336xi32, #tpu.memory_space<vmem>>, vector<16xi32>,
    tpu.vector_store %arg10[%swap3A_98], %broadcast_in_dim3A_3 {strides = array<i32>} : memref<8336xi32, #tpu.memory_space<vmem>>, vector<16xi32>,
    %add3A_100 = arith.constant 64 : i32
    %add3A_101 = arith.addi %scan3A_47, %add3A_100 : i32
    %swap3A_102 = arith.index_cast %add3A_101 : i32 to index
    %swap3A_103 = tpu.vector_load %arg11[%swap3A_102] {strides = array<i32>} : memref<8336xi32, #tpu.memory_space<vmem>>, vector<16xi32>,
    tpu.vector_store %arg11[%swap3A_102], %broadcast_in_dim3A_3 {strides = array<i32>} : memref<8336xi32, #tpu.memory_space<vmem>>, vector<16xi32>,
    %add3A_104 = arith.constant 64 : i32
    %add3A_105 = arith.addi %scan3A_47, %add3A_104 : i32
    %swap3A_106 = arith.index_cast %add3A_105 : i32 to index
    %swap3A_107 = tpu.vector_load %arg12[%swap3A_106] {strides = array<i32>} : memref<8336xf32, #tpu.memory_space<vmem>>, vector<16xf32>,
    tpu.vector_store %arg12[%swap3A_106], %broadcast_in_dim3A_5 {strides = array<i32>} : memref<8336xf32, #tpu.memory_space<vmem>>, vector<16xf32>,
    %add3A_108 = arith.constant 80 : i32
    %add3A_109 = arith.addi %scan3A_47, %add3A_108 : i32
    %swap3A_110 = arith.index_cast %add3A_109 : i32 to index
    %swap3A_111 = tpu.vector_load %arg10[%swap3A_110] {strides = array<i32>} : memref<8336xi32, #tpu.memory_space<vmem>>, vector<16xi32>,
    tpu.vector_store %arg10[%swap3A_110], %broadcast_in_dim3A_3 {strides = array<i32>} : memref<8336xi32, #tpu.memory_space<vmem>>, vector<16xi32>,
    %add3A_112 = arith.constant 80 : i32
    %add3A_113 = arith.addi %scan3A_47, %add3A_112 : i32
    %swap3A_114 = arith.index_cast %add3A_113 : i32 to index
    %swap3A_115 = tpu.vector_load %arg11[%swap3A_114] {strides = array<i32>} : memref<8336xi32, #tpu.memory_space<vmem>>, vector<16xi32>,
    tpu.vector_store %arg11[%swap3A_114], %broadcast_in_dim3A_3 {strides = array<i32>} : memref<8336xi32, #tpu.memory_space<vmem>>, vector<16xi32>,
    %add3A_116 = arith.constant 80 : i32
    %add3A_117 = arith.addi %scan3A_47, %add3A_116 : i32
    %swap3A_118 = arith.index_cast %add3A_117 : i32 to index
    %swap3A_119 = tpu.vector_load %arg12[%swap3A_118] {strides = array<i32>} : memref<8336xf32, #tpu.memory_space<vmem>>, vector<16xf32>,
    tpu.vector_store %arg12[%swap3A_118], %broadcast_in_dim3A_5 {strides = array<i32>} : memref<8336xf32, #tpu.memory_space<vmem>>, vector<16xf32>,
    %add3A_120 = arith.constant 96 : i32
    %add3A_121 = arith.addi %scan3A_47, %add3A_120 : i32
    %swap3A_122 = arith.index_cast %add3A_121 : i32 to index
    %swap3A_123 = tpu.vector_load %arg10[%swap3A_122] {strides = array<i32>} : memref<8336xi32, #tpu.memory_space<vmem>>, vector<16xi32>,
    tpu.vector_store %arg10[%swap3A_122], %broadcast_in_dim3A_3 {strides = array<i32>} : memref<8336xi32, #tpu.memory_space<vmem>>, vector<16xi32>,
    %add3A_124 = arith.constant 96 : i32
    %add3A_125 = arith.addi %scan3A_47, %add3A_124 : i32
    %swap3A_126 = arith.index_cast %add3A_125 : i32 to index
    %swap3A_127 = tpu.vector_load %arg11[%swap3A_126] {strides = array<i32>} : memref<8336xi32, #tpu.memory_space<vmem>>, vector<16xi32>,
    tpu.vector_store %arg11[%swap3A_126], %broadcast_in_dim3A_3 {strides = array<i32>} : memref<8336xi32, #tpu.memory_space<vmem>>, vector<16xi32>,
    %add3A_128 = arith.constant 96 : i32
    %add3A_129 = arith.addi %scan3A_47, %add3A_128 : i32
    %swap3A_130 = arith.index_cast %add3A_129 : i32 to index
    %swap3A_131 = tpu.vector_load %arg12[%swap3A_130] {strides = array<i32>} : memref<8336xf32, #tpu.memory_space<vmem>>, vector<16xf32>,
    tpu.vector_store %arg12[%swap3A_130], %broadcast_in_dim3A_5 {strides = array<i32>} : memref<8336xf32, #tpu.memory_space<vmem>>, vector<16xf32>,
    %add3A_132 = arith.constant 112 : i32
    %add3A_133 = arith.addi %scan3A_47, %add3A_132 : i32
    %swap3A_134 = arith.index_cast %add3A_133 : i32 to index
    %swap3A_135 = tpu.vector_load %arg10[%swap3A_134] {strides = array<i32>} : memref<8336xi32, #tpu.memory_space<vmem>>, vector<16xi32>,
    tpu.vector_store %arg10[%swap3A_134], %broadcast_in_dim3A_3 {strides = array<i32>} : memref<8336xi32, #tpu.memory_space<vmem>>, vector<16xi32>,
    %add3A_136 = arith.constant 112 : i32
    %add3A_137 = arith.addi %scan3A_47, %add3A_136 : i32
    %swap3A_138 = arith.index_cast %add3A_137 : i32 to index
    %swap3A_139 = tpu.vector_load %arg11[%swap3A_138] {strides = array<i32>} : memref<8336xi32, #tpu.memory_space<vmem>>, vector<16xi32>,
    tpu.vector_store %arg11[%swap3A_138], %broadcast_in_dim3A_3 {strides = array<i32>} : memref<8336xi32, #tpu.memory_space<vmem>>, vector<16xi32>,
    %add3A_140 = arith.constant 112 : i32
    %add3A_141 = arith.addi %scan3A_47, %add3A_140 : i32
    %swap3A_142 = arith.index_cast %add3A_141 : i32 to index
    %swap3A_143 = tpu.vector_load %arg12[%swap3A_142] {strides = array<i32>} : memref<8336xf32, #tpu.memory_space<vmem>>, vector<16xf32>,
    tpu.vector_store %arg12[%swap3A_142], %broadcast_in_dim3A_5 {strides = array<i32>} : memref<8336xf32, #tpu.memory_space<vmem>>, vector<16xf32>,
    %scan3A_144 = arith.constant 0 : i32
    %scan3A_145 = arith.constant 0 : i32
    %scan3A_146 = arith.constant 128 : i32
    %scan3A_147 = arith.addi %scan3A_145, %scan3A_146 : i32
    %scan3A_148 = arith.constant 1 : i32
    %scan3A_149 = scf.for %scan3A_273 = %scan3A_145 to %scan3A_147 step %scan3A_148 iter_args(%scan3A_274 = %scan3A_144) -> (i32)  : i32 {
      %broadcast_in_dim3A_275 = vector.broadcast %scan3A_273 : i32 to vector<16xi32>
      %add3A_276 = arith.constant 0 : i32
      %add3A_277 = vector.broadcast %add3A_276 : i32 to vector<16xi32>
      %add3A_278 = arith.addi %add3A_277, %iota3A : vector<16xi32>
      tpu.vector_store_idx %arg16[%broadcast_in_dim3A_275, %add3A_278], %broadcast_in_dim3A_5 : memref<128x80xf32, #tpu.memory_space<vmem>>[vector<16xi32>, vector<16xi32>], vector<16xf32>,
      %add3A_279 = arith.constant 16 : i32
      %add3A_280 = vector.broadcast %add3A_279 : i32 to vector<16xi32>
      %add3A_281 = arith.addi %add3A_280, %iota3A : vector<16xi32>
      tpu.vector_store_idx %arg16[%broadcast_in_dim3A_275, %add3A_281], %broadcast_in_dim3A_5 : memref<128x80xf32, #tpu.memory_space<vmem>>[vector<16xi32>, vector<16xi32>], vector<16xf32>,
      %add3A_282 = arith.constant 32 : i32
      %add3A_283 = vector.broadcast %add3A_282 : i32 to vector<16xi32>
      %add3A_284 = arith.addi %add3A_283, %iota3A : vector<16xi32>
      tpu.vector_store_idx %arg16[%broadcast_in_dim3A_275, %add3A_284], %broadcast_in_dim3A_5 : memref<128x80xf32, #tpu.memory_space<vmem>>[vector<16xi32>, vector<16xi32>], vector<16xf32>,
      %add3A_285 = arith.constant 48 : i32
      %add3A_286 = vector.broadcast %add3A_285 : i32 to vector<16xi32>
      %add3A_287 = arith.addi %add3A_286, %iota3A : vector<16xi32>
      tpu.vector_store_idx %arg16[%broadcast_in_dim3A_275, %add3A_287], %broadcast_in_dim3A_5 : memref<128x80xf32, #tpu.memory_space<vmem>>[vector<16xi32>, vector<16xi32>], vector<16xf32>,
      %add3A_288 = arith.constant 64 : i32
      %add3A_289 = vector.broadcast %add3A_288 : i32 to vector<16xi32>
      %add3A_290 = arith.addi %add3A_289, %iota3A : vector<16xi32>
      tpu.vector_store_idx %arg16[%broadcast_in_dim3A_275, %add3A_290], %broadcast_in_dim3A_5 : memref<128x80xf32, #tpu.memory_space<vmem>>[vector<16xi32>, vector<16xi32>], vector<16xf32>,
      %scan3A_291 = arith.constant 0 : i32
      scf.yield %scan3A_291 : i32
    }
    %scan3A_150 = arith.constant 128 : i32
    %add3A_151 = arith.constant 127 : i32
    %add3A_152 = arith.addi %scan3A_47, %add3A_151 : i32
    %jit3A_153 = arith.constant 128 : i32
    %div3A = arith.divsi %add3A_152, %jit3A_153 : i32
    %sign3A = arith.constant 0 : i32
    %sign3A_154 = arith.cmpi sgt, %add3A_152, %sign3A : i32
    %sign3A_155 = arith.extui %sign3A_154 : i1 to i32
    %sign3A_156 = arith.constant 0 : i32
    %sign3A_157 = arith.cmpi slt, %add3A_152, %sign3A_156 : i32
    %sign3A_158 = arith.extui %sign3A_157 : i1 to i32
    %sign3A_159 = arith.subi %sign3A_155, %sign3A_158 : i32
    %sign3A_160 = arith.constant 0 : i32
    %sign3A_161 = arith.cmpi sgt, %jit3A_153, %sign3A_160 : i32
    %sign3A_162 = arith.extui %sign3A_161 : i1 to i32
    %sign3A_163 = arith.constant 0 : i32
    %sign3A_164 = arith.cmpi slt, %jit3A_153, %sign3A_163 : i32
    %sign3A_165 = arith.extui %sign3A_164 : i1 to i32
    %sign3A_166 = arith.subi %sign3A_162, %sign3A_165 : i32
    %ne3A = arith.cmpi ne, %sign3A_159, %sign3A_166 : i32
    %rem3A = arith.remsi %add3A_152, %jit3A_153 : i32
    %ne3A_167 = arith.constant 0 : i32
    %ne3A_168 = arith.cmpi ne, %rem3A, %ne3A_167 : i32
    %and3A_169 = arith.andi %ne3A, %ne3A_168 : i1
    %sub3A = arith.constant 1 : i32
    %sub3A_170 = arith.subi %div3A, %sub3A : i32
    %select_n3A_171 = arith.select %and3A_169, %sub3A_170, %div3A : i32
    %gt3A = arith.constant 0 : i32
    %gt3A_172 = arith.cmpi sgt, %select_n3A_171, %gt3A : i32
    %convert_element_type3A = arith.extui %gt3A_172 : i1 to i32
    %cond3A = arith.constant 0 : i32
    %cond3A_173 = arith.cmpi ne, %convert_element_type3A, %cond3A : i32
    scf.if %cond3A_173 {
      %dma_start3A = arith.constant 0 : i32
      %dma_start3A_273 = arith.constant 0 : i32
      %dma_start3A_274 = arith.constant 0 : i32
      %dma_start3A_275 = tpu.memref_slice %arg14[%dma_start3A, %dma_start3A_273, %dma_start3A_274] : memref<2x128x16xf32, #tpu.memory_space<vmem>> -> memref<1x128x16xf32, #tpu.memory_space<vmem>>
      %dma_start3A_276 = tpu.memref_squeeze %dma_start3A_275 : memref<1x128x16xf32, #tpu.memory_space<vmem>> -> memref<128x16xf32, #tpu.memory_space<vmem>>
      %dma_start3A_277 = arith.constant 0 : i32
      %dma_start3A_278 = tpu.memref_slice %arg10[%dma_start3A_277] : memref<8336xi32, #tpu.memory_space<vmem>> -> memref<128xi32, #tpu.memory_space<vmem>>
      %dma_start3A_279 = arith.constant 0 : i32
      %dma_start3A_280 = arith.constant 0 : i32
      %dma_start3A_281 = tpu.memref_slice %arg5[%dma_start3A_279, %dma_start3A_280] : memref<50000x16xf32, #tpu.memory_space<hbm>> -> memref<50000x16xf32, #tpu.memory_space<hbm>>
      tpu.enqueue_indirect_dma source(%dma_start3A_281 : memref<50000x16xf32, #tpu.memory_space<hbm>>) target(%dma_start3A_276 : memref<128x16xf32, #tpu.memory_space<vmem>>) offsets(%dma_start3A_278 : memref<128xi32, #tpu.memory_space<vmem>>) semaphore(%arg17 : memref<!tpu.dma_semaphore, #tpu.memory_space<semaphore_mem>>)
    } else {
    }
    %add3A_174 = arith.constant 1 : i32
    %add3A_175 = arith.addi %select_n3A_171, %add3A_174 : i32
    %jit3A_176 = arith.constant 2 : i32
    %div3A_177 = arith.divsi %add3A_175, %jit3A_176 : i32
    %sign3A_178 = arith.constant 0 : i32
    %sign3A_179 = arith.cmpi sgt, %add3A_175, %sign3A_178 : i32
    %sign3A_180 = arith.extui %sign3A_179 : i1 to i32
    %sign3A_181 = arith.constant 0 : i32
    %sign3A_182 = arith.cmpi slt, %add3A_175, %sign3A_181 : i32
    %sign3A_183 = arith.extui %sign3A_182 : i1 to i32
    %sign3A_184 = arith.subi %sign3A_180, %sign3A_183 : i32
    %sign3A_185 = arith.constant 0 : i32
    %sign3A_186 = arith.cmpi sgt, %jit3A_176, %sign3A_185 : i32
    %sign3A_187 = arith.extui %sign3A_186 : i1 to i32
    %sign3A_188 = arith.constant 0 : i32
    %sign3A_189 = arith.cmpi slt, %jit3A_176, %sign3A_188 : i32
    %sign3A_190 = arith.extui %sign3A_189 : i1 to i32
    %sign3A_191 = arith.subi %sign3A_187, %sign3A_190 : i32
    %ne3A_192 = arith.cmpi ne, %sign3A_184, %sign3A_191 : i32
    %rem3A_193 = arith.remsi %add3A_175, %jit3A_176 : i32
    %ne3A_194 = arith.constant 0 : i32
    %ne3A_195 = arith.cmpi ne, %rem3A_193, %ne3A_194 : i32
    %and3A_196 = arith.andi %ne3A_192, %ne3A_195 : i1
    %sub3A_197 = arith.constant 1 : i32
    %sub3A_198 = arith.subi %div3A_177, %sub3A_197 : i32
    %select_n3A_199 = arith.select %and3A_196, %sub3A_198, %div3A_177 : i32
    %while3A = arith.constant 0 : i32
    %while3A_200 = arith.constant 0 : i32
    %while3A_201 = arith.subi %select_n3A_199, %while3A : i32
    %while3A_202 = arith.addi %while3A, %while3A_201 : i32
    %while3A_203 = arith.constant 1 : i32
    %while3A_204 = arith.divsi %while3A_201, %while3A_203 : i32
    %while3A_205 = arith.muli %while3A_204, %while3A_203 : i32
    %while3A_206 = arith.addi %while3A, %while3A_205 : i32
    %while3A_207 = arith.constant 1 : i32
    %while3A_208 = scf.for %while3A_273 = %while3A to %while3A_206 step %while3A_207 iter_args(%while3A_274 = %while3A_200) -> (i32)  : i32 {
      %mul3A_275 = arith.constant 2 : i32
      %mul3A_276 = arith.muli %mul3A_275, %while3A_273 : i32
      %add3A_277 = arith.constant 0 : i32
      %add3A_278 = arith.addi %mul3A_276, %add3A_277 : i32
      %lt3A_279 = arith.cmpi slt, %add3A_278, %select_n3A_171 : i32
      %convert_element_type3A_280 = arith.extui %lt3A_279 : i1 to i32
      %cond3A_281 = arith.constant 0 : i32
      %cond3A_282 = arith.cmpi ne, %convert_element_type3A_280, %cond3A_281 : i32
      scf.if %cond3A_282 {
        %mul3A_292 = arith.constant 128 : i32
        %mul3A_293 = arith.muli %add3A_278, %mul3A_292 : i32
        %mul3A_294 = arith.constant 128 : i32
        %mul3A_295 = arith.muli %add3A_278, %mul3A_294 : i32
        %dma_wait3A = arith.constant 0 : i32
        %dma_wait3A_296 = arith.constant 0 : i32
        %dma_wait3A_297 = arith.constant 0 : i32
        %dma_wait3A_298 = tpu.memref_slice %arg14[%dma_wait3A, %dma_wait3A_296, %dma_wait3A_297] : memref<2x128x16xf32, #tpu.memory_space<vmem>> -> memref<1x128x16xf32, #tpu.memory_space<vmem>>
        %dma_wait3A_299 = tpu.memref_squeeze %dma_wait3A_298 : memref<1x128x16xf32, #tpu.memory_space<vmem>> -> memref<128x16xf32, #tpu.memory_space<vmem>>
        %dma_wait3A_300 = tpu.memref_slice %arg10[%mul3A_295] : memref<8336xi32, #tpu.memory_space<vmem>> -> memref<128xi32, #tpu.memory_space<vmem>>
        %dma_wait3A_301 = arith.constant 0 : i32
        %dma_wait3A_302 = arith.constant 0 : i32
        %dma_wait3A_303 = tpu.memref_slice %arg5[%dma_wait3A_301, %dma_wait3A_302] : memref<50000x16xf32, #tpu.memory_space<hbm>> -> memref<50000x16xf32, #tpu.memory_space<hbm>>
        tpu.wait_indirect_dma semaphore(%arg17 : memref<!tpu.dma_semaphore, #tpu.memory_space<semaphore_mem>>) src(%dma_wait3A_303 : memref<50000x16xf32, #tpu.memory_space<hbm>>) dst(%dma_wait3A_299 : memref<128x16xf32, #tpu.memory_space<vmem>>)
        %add3A_304 = arith.constant 1 : i32
        %add3A_305 = arith.addi %add3A_278, %add3A_304 : i32
        %lt3A_306 = arith.cmpi slt, %add3A_305, %select_n3A_171 : i32
        %convert_element_type3A_307 = arith.extui %lt3A_306 : i1 to i32
        %cond3A_308 = arith.constant 0 : i32
        %cond3A_309 = arith.cmpi ne, %convert_element_type3A_307, %cond3A_308 : i32
        scf.if %cond3A_309 {
          %add3A_452 = arith.constant 1 : i32
          %add3A_453 = arith.addi %add3A_278, %add3A_452 : i32
          %mul3A_454 = arith.constant 128 : i32
          %mul3A_455 = arith.muli %add3A_453, %mul3A_454 : i32
          %dma_start3A_456 = arith.constant 1 : i32
          %dma_start3A_457 = arith.constant 0 : i32
          %dma_start3A_458 = arith.constant 0 : i32
          %dma_start3A_459 = tpu.memref_slice %arg14[%dma_start3A_456, %dma_start3A_457, %dma_start3A_458] : memref<2x128x16xf32, #tpu.memory_space<vmem>> -> memref<1x128x16xf32, #tpu.memory_space<vmem>>
          %dma_start3A_460 = tpu.memref_squeeze %dma_start3A_459 : memref<1x128x16xf32, #tpu.memory_space<vmem>> -> memref<128x16xf32, #tpu.memory_space<vmem>>
          %dma_start3A_461 = tpu.memref_slice %arg10[%mul3A_455] : memref<8336xi32, #tpu.memory_space<vmem>> -> memref<128xi32, #tpu.memory_space<vmem>>
          %dma_start3A_462 = arith.constant 0 : i32
          %dma_start3A_463 = arith.constant 0 : i32
          %dma_start3A_464 = tpu.memref_slice %arg5[%dma_start3A_462, %dma_start3A_463] : memref<50000x16xf32, #tpu.memory_space<hbm>> -> memref<50000x16xf32, #tpu.memory_space<hbm>>
          tpu.enqueue_indirect_dma source(%dma_start3A_464 : memref<50000x16xf32, #tpu.memory_space<hbm>>) target(%dma_start3A_460 : memref<128x16xf32, #tpu.memory_space<vmem>>) offsets(%dma_start3A_461 : memref<128xi32, #tpu.memory_space<vmem>>) semaphore(%arg18 : memref<!tpu.dma_semaphore, #tpu.memory_space<semaphore_mem>>)
        } else {
        }
        %ge3A = arith.constant 2 : i32
        %ge3A_310 = arith.cmpi sge, %add3A_278, %ge3A : i32
        %convert_element_type3A_311 = arith.extui %ge3A_310 : i1 to i32
        %cond3A_312 = arith.constant 0 : i32
        %cond3A_313 = arith.cmpi ne, %convert_element_type3A_311, %cond3A_312 : i32
        scf.if %cond3A_313 {
          %dma_wait3A_452 = arith.constant 0 : i32
          %dma_wait3A_453 = arith.constant 0 : i32
          %dma_wait3A_454 = arith.constant 0 : i32
          %dma_wait3A_455 = arith.constant 0 : i32
          %dma_wait3A_456 = tpu.memref_slice %arg15[%dma_wait3A_452, %dma_wait3A_454, %dma_wait3A_455] : memref<2x128x80xf32, #tpu.memory_space<vmem>> -> memref<1x128x80xf32, #tpu.memory_space<vmem>>
          %dma_wait3A_457 = tpu.memref_squeeze %dma_wait3A_456 : memref<1x128x80xf32, #tpu.memory_space<vmem>> -> memref<128x80xf32, #tpu.memory_space<vmem>>
          %dma_wait3A_458 = arith.constant 0 : i32
          %dma_wait3A_459 = tpu.memref_slice %arg13[%dma_wait3A_453, %dma_wait3A_458] : memref<2x128xi32, #tpu.memory_space<vmem>> -> memref<1x128xi32, #tpu.memory_space<vmem>>
          %dma_wait3A_460 = tpu.memref_squeeze %dma_wait3A_459 : memref<1x128xi32, #tpu.memory_space<vmem>> -> memref<128xi32, #tpu.memory_space<vmem>>
          %dma_wait3A_461 = arith.constant 0 : i32
          %dma_wait3A_462 = arith.constant 0 : i32
          %dma_wait3A_463 = tpu.memref_slice %arg6[%dma_wait3A_461, %dma_wait3A_462] : memref<262144x80xf32, #tpu.memory_space<hbm>> -> memref<262144x80xf32, #tpu.memory_space<hbm>>
          tpu.wait_indirect_dma semaphore(%arg19 : memref<!tpu.dma_semaphore, #tpu.memory_space<semaphore_mem>>) src(%dma_wait3A_457 : memref<128x80xf32, #tpu.memory_space<vmem>>) dst(%dma_wait3A_463 : memref<262144x80xf32, #tpu.memory_space<hbm>>)
        } else {
        }
        %add3A_314 = arith.constant 0 : i32
        %add3A_315 = arith.addi %mul3A_293, %add3A_314 : i32
        %add3A_316 = vector.broadcast %add3A_315 : i32 to vector<16xi32>
        %add3A_317 = arith.addi %add3A_316, %iota3A : vector<16xi32>
        %lt3A_318 = vector.broadcast %scan3A_47 : i32 to vector<16xi32>
        %lt3A_319 = arith.cmpi slt, %add3A_317, %lt3A_318 : vector<16xi32>
        %add3A_320 = vector.broadcast %add3A_42 : i32 to vector<16xi32>
        %add3A_321 = arith.addi %add3A_320, %add3A_317 : vector<16xi32>
        %jit3A_322 = arith.constant 262143 : i32
        %broadcast_in_dim3A_323 = vector.broadcast %jit3A_322 : i32 to vector<16xi32>
        %select_n3A_324 = arith.select %lt3A_319, %add3A_321, %broadcast_in_dim3A_323 : vector<16xi1>, vector<16xi32>
        %swap3A_325 = arith.constant 0 : i32
        %swap3A_326 = arith.index_cast %swap3A_325 : i32 to index
        %swap3A_327 = arith.constant 0 : index
        %swap3A_328 = tpu.vector_load %arg13[%swap3A_326, %swap3A_327] {strides = array<i32>} : memref<2x128xi32, #tpu.memory_space<vmem>>, vector<16xi32>,
        tpu.vector_store %arg13[%swap3A_326, %swap3A_327], %select_n3A_324 {strides = array<i32>} : memref<2x128xi32, #tpu.memory_space<vmem>>, vector<16xi32>,
        %add3A_329 = arith.constant 16 : i32
        %add3A_330 = arith.addi %mul3A_293, %add3A_329 : i32
        %add3A_331 = vector.broadcast %add3A_330 : i32 to vector<16xi32>
        %add3A_332 = arith.addi %add3A_331, %iota3A : vector<16xi32>
        %lt3A_333 = vector.broadcast %scan3A_47 : i32 to vector<16xi32>
        %lt3A_334 = arith.cmpi slt, %add3A_332, %lt3A_333 : vector<16xi32>
        %add3A_335 = vector.broadcast %add3A_42 : i32 to vector<16xi32>
        %add3A_336 = arith.addi %add3A_335, %add3A_332 : vector<16xi32>
        %jit3A_337 = arith.constant 262143 : i32
        %broadcast_in_dim3A_338 = vector.broadcast %jit3A_337 : i32 to vector<16xi32>
        %select_n3A_339 = arith.select %lt3A_334, %add3A_336, %broadcast_in_dim3A_338 : vector<16xi1>, vector<16xi32>
        %swap3A_340 = arith.constant 0 : i32
        %swap3A_341 = arith.index_cast %swap3A_340 : i32 to index
        %swap3A_342 = arith.constant 16 : index
        %swap3A_343 = tpu.vector_load %arg13[%swap3A_341, %swap3A_342] {strides = array<i32>} : memref<2x128xi32, #tpu.memory_space<vmem>>, vector<16xi32>,
        tpu.vector_store %arg13[%swap3A_341, %swap3A_342], %select_n3A_339 {strides = array<i32>} : memref<2x128xi32, #tpu.memory_space<vmem>>, vector<16xi32>,
        %add3A_344 = arith.constant 32 : i32
        %add3A_345 = arith.addi %mul3A_293, %add3A_344 : i32
        %add3A_346 = vector.broadcast %add3A_345 : i32 to vector<16xi32>
        %add3A_347 = arith.addi %add3A_346, %iota3A : vector<16xi32>
        %lt3A_348 = vector.broadcast %scan3A_47 : i32 to vector<16xi32>
        %lt3A_349 = arith.cmpi slt, %add3A_347, %lt3A_348 : vector<16xi32>
        %add3A_350 = vector.broadcast %add3A_42 : i32 to vector<16xi32>
        %add3A_351 = arith.addi %add3A_350, %add3A_347 : vector<16xi32>
        %jit3A_352 = arith.constant 262143 : i32
        %broadcast_in_dim3A_353 = vector.broadcast %jit3A_352 : i32 to vector<16xi32>
        %select_n3A_354 = arith.select %lt3A_349, %add3A_351, %broadcast_in_dim3A_353 : vector<16xi1>, vector<16xi32>
        %swap3A_355 = arith.constant 0 : i32
        %swap3A_356 = arith.index_cast %swap3A_355 : i32 to index
        %swap3A_357 = arith.constant 32 : index
        %swap3A_358 = tpu.vector_load %arg13[%swap3A_356, %swap3A_357] {strides = array<i32>} : memref<2x128xi32, #tpu.memory_space<vmem>>, vector<16xi32>,
        tpu.vector_store %arg13[%swap3A_356, %swap3A_357], %select_n3A_354 {strides = array<i32>} : memref<2x128xi32, #tpu.memory_space<vmem>>, vector<16xi32>,
        %add3A_359 = arith.constant 48 : i32
        %add3A_360 = arith.addi %mul3A_293, %add3A_359 : i32
        %add3A_361 = vector.broadcast %add3A_360 : i32 to vector<16xi32>
        %add3A_362 = arith.addi %add3A_361, %iota3A : vector<16xi32>
        %lt3A_363 = vector.broadcast %scan3A_47 : i32 to vector<16xi32>
        %lt3A_364 = arith.cmpi slt, %add3A_362, %lt3A_363 : vector<16xi32>
        %add3A_365 = vector.broadcast %add3A_42 : i32 to vector<16xi32>
        %add3A_366 = arith.addi %add3A_365, %add3A_362 : vector<16xi32>
        %jit3A_367 = arith.constant 262143 : i32
        %broadcast_in_dim3A_368 = vector.broadcast %jit3A_367 : i32 to vector<16xi32>
        %select_n3A_369 = arith.select %lt3A_364, %add3A_366, %broadcast_in_dim3A_368 : vector<16xi1>, vector<16xi32>
        %swap3A_370 = arith.constant 0 : i32
        %swap3A_371 = arith.index_cast %swap3A_370 : i32 to index
        %swap3A_372 = arith.constant 48 : index
        %swap3A_373 = tpu.vector_load %arg13[%swap3A_371, %swap3A_372] {strides = array<i32>} : memref<2x128xi32, #tpu.memory_space<vmem>>, vector<16xi32>,
        tpu.vector_store %arg13[%swap3A_371, %swap3A_372], %select_n3A_369 {strides = array<i32>} : memref<2x128xi32, #tpu.memory_space<vmem>>, vector<16xi32>,
        %add3A_374 = arith.constant 64 : i32
        %add3A_375 = arith.addi %mul3A_293, %add3A_374 : i32
        %add3A_376 = vector.broadcast %add3A_375 : i32 to vector<16xi32>
        %add3A_377 = arith.addi %add3A_376, %iota3A : vector<16xi32>
        %lt3A_378 = vector.broadcast %scan3A_47 : i32 to vector<16xi32>
        %lt3A_379 = arith.cmpi slt, %add3A_377, %lt3A_378 : vector<16xi32>
        %add3A_380 = vector.broadcast %add3A_42 : i32 to vector<16xi32>
        %add3A_381 = arith.addi %add3A_380, %add3A_377 : vector<16xi32>
        %jit3A_382 = arith.constant 262143 : i32
        %broadcast_in_dim3A_383 = vector.broadcast %jit3A_382 : i32 to vector<16xi32>
        %select_n3A_384 = arith.select %lt3A_379, %add3A_381, %broadcast_in_dim3A_383 : vector<16xi1>, vector<16xi32>
        %swap3A_385 = arith.constant 0 : i32
        %swap3A_386 = arith.index_cast %swap3A_385 : i32 to index
        %swap3A_387 = arith.constant 64 : index
        %swap3A_388 = tpu.vector_load %arg13[%swap3A_386, %swap3A_387] {strides = array<i32>} : memref<2x128xi32, #tpu.memory_space<vmem>>, vector<16xi32>,
        tpu.vector_store %arg13[%swap3A_386, %swap3A_387], %select_n3A_384 {strides = array<i32>} : memref<2x128xi32, #tpu.memory_space<vmem>>, vector<16xi32>,
        %add3A_389 = arith.constant 80 : i32
        %add3A_390 = arith.addi %mul3A_293, %add3A_389 : i32
        %add3A_391 = vector.broadcast %add3A_390 : i32 to vector<16xi32>
        %add3A_392 = arith.addi %add3A_391, %iota3A : vector<16xi32>
        %lt3A_393 = vector.broadcast %scan3A_47 : i32 to vector<16xi32>
        %lt3A_394 = arith.cmpi slt, %add3A_392, %lt3A_393 : vector<16xi32>
        %add3A_395 = vector.broadcast %add3A_42 : i32 to vector<16xi32>
        %add3A_396 = arith.addi %add3A_395, %add3A_392 : vector<16xi32>
        %jit3A_397 = arith.constant 262143 : i32
        %broadcast_in_dim3A_398 = vector.broadcast %jit3A_397 : i32 to vector<16xi32>
        %select_n3A_399 = arith.select %lt3A_394, %add3A_396, %broadcast_in_dim3A_398 : vector<16xi1>, vector<16xi32>
        %swap3A_400 = arith.constant 0 : i32
        %swap3A_401 = arith.index_cast %swap3A_400 : i32 to index
        %swap3A_402 = arith.constant 80 : index
        %swap3A_403 = tpu.vector_load %arg13[%swap3A_401, %swap3A_402] {strides = array<i32>} : memref<2x128xi32, #tpu.memory_space<vmem>>, vector<16xi32>,
        tpu.vector_store %arg13[%swap3A_401, %swap3A_402], %select_n3A_399 {strides = array<i32>} : memref<2x128xi32, #tpu.memory_space<vmem>>, vector<16xi32>,
        %add3A_404 = arith.constant 96 : i32
        %add3A_405 = arith.addi %mul3A_293, %add3A_404 : i32
        %add3A_406 = vector.broadcast %add3A_405 : i32 to vector<16xi32>
        %add3A_407 = arith.addi %add3A_406, %iota3A : vector<16xi32>
        %lt3A_408 = vector.broadcast %scan3A_47 : i32 to vector<16xi32>
        %lt3A_409 = arith.cmpi slt, %add3A_407, %lt3A_408 : vector<16xi32>
        %add3A_410 = vector.broadcast %add3A_42 : i32 to vector<16xi32>
        %add3A_411 = arith.addi %add3A_410, %add3A_407 : vector<16xi32>
        %jit3A_412 = arith.constant 262143 : i32
        %broadcast_in_dim3A_413 = vector.broadcast %jit3A_412 : i32 to vector<16xi32>
        %select_n3A_414 = arith.select %lt3A_409, %add3A_411, %broadcast_in_dim3A_413 : vector<16xi1>, vector<16xi32>
        %swap3A_415 = arith.constant 0 : i32
        %swap3A_416 = arith.index_cast %swap3A_415 : i32 to index
        %swap3A_417 = arith.constant 96 : index
        %swap3A_418 = tpu.vector_load %arg13[%swap3A_416, %swap3A_417] {strides = array<i32>} : memref<2x128xi32, #tpu.memory_space<vmem>>, vector<16xi32>,
        tpu.vector_store %arg13[%swap3A_416, %swap3A_417], %select_n3A_414 {strides = array<i32>} : memref<2x128xi32, #tpu.memory_space<vmem>>, vector<16xi32>,
        %add3A_419 = arith.constant 112 : i32
        %add3A_420 = arith.addi %mul3A_293, %add3A_419 : i32
        %add3A_421 = vector.broadcast %add3A_420 : i32 to vector<16xi32>
        %add3A_422 = arith.addi %add3A_421, %iota3A : vector<16xi32>
        %lt3A_423 = vector.broadcast %scan3A_47 : i32 to vector<16xi32>
        %lt3A_424 = arith.cmpi slt, %add3A_422, %lt3A_423 : vector<16xi32>
        %add3A_425 = vector.broadcast %add3A_42 : i32 to vector<16xi32>
        %add3A_426 = arith.addi %add3A_425, %add3A_422 : vector<16xi32>
        %jit3A_427 = arith.constant 262143 : i32
        %broadcast_in_dim3A_428 = vector.broadcast %jit3A_427 : i32 to vector<16xi32>
        %select_n3A_429 = arith.select %lt3A_424, %add3A_426, %broadcast_in_dim3A_428 : vector<16xi1>, vector<16xi32>
        %swap3A_430 = arith.constant 0 : i32
        %swap3A_431 = arith.index_cast %swap3A_430 : i32 to index
        %swap3A_432 = arith.constant 112 : index
        %swap3A_433 = tpu.vector_load %arg13[%swap3A_431, %swap3A_432] {strides = array<i32>} : memref<2x128xi32, #tpu.memory_space<vmem>>, vector<16xi32>,
        tpu.vector_store %arg13[%swap3A_431, %swap3A_432], %select_n3A_429 {strides = array<i32>} : memref<2x128xi32, #tpu.memory_space<vmem>>, vector<16xi32>,
        %scan3A_434 = arith.constant 0 : i32
        %scan3A_435 = arith.constant 0 : i32
        %scan3A_436 = arith.constant 128 : i32
        %scan3A_437 = arith.addi %scan3A_435, %scan3A_436 : i32
        %scan3A_438 = arith.constant 1 : i32
        %scan3A_439 = scf.for %scan3A_452 = %scan3A_435 to %scan3A_437 step %scan3A_438 iter_args(%scan3A_453 = %scan3A_434) -> (i32)  : i32 {
          %add3A_454 = arith.addi %mul3A_293, %scan3A_452 : i32
          %get3A = arith.index_cast %add3A_454 : i32 to index
          %get3A_455 = tpu.vector_load %arg11[%get3A] {strides = array<i32>} : memref<8336xi32, #tpu.memory_space<vmem>>, vector<16xi32>,
          %slice3A = vector.extract_strided_slice %get3A_455 {offsets = [0], sizes = [1], strides = [1]} : vector<16xi32> to vector<1xi32>
          %squeeze3A = vector.extract %slice3A[0] : i32 from vector<1xi32>
          %add3A_456 = arith.addi %mul3A_293, %scan3A_452 : i32
          %get3A_457 = arith.index_cast %add3A_456 : i32 to index
          %get3A_458 = tpu.vector_load %arg12[%get3A_457] {strides = array<i32>} : memref<8336xf32, #tpu.memory_space<vmem>>, vector<16xf32>,
          %slice3A_459 = vector.extract_strided_slice %get3A_458 {offsets = [0], sizes = [1], strides = [1]} : vector<16xf32> to vector<1xf32>
          %squeeze3A_460 = vector.extract %slice3A_459[0] : f32 from vector<1xf32>
          %broadcast_in_dim3A_461 = vector.broadcast %scan3A_452 : i32 to vector<16xi32>
          %add3A_462 = vector.broadcast %squeeze3A : i32 to vector<16xi32>
          %add3A_463 = arith.addi %add3A_462, %and3A_2 : vector<16xi32>
          %gather3A_464 = arith.constant 0 : i32
          %gather3A_465 = arith.constant 0 : i32
          %gather3A_466 = arith.constant 0 : i32
          %gather3A_467 = tpu.memref_slice %arg14[%gather3A_464, %gather3A_465, %gather3A_466] : memref<2x128x16xf32, #tpu.memory_space<vmem>> -> memref<1x128x16xf32, #tpu.memory_space<vmem>>
          %gather3A_468 = tpu.memref_squeeze %gather3A_467 : memref<1x128x16xf32, #tpu.memory_space<vmem>> -> memref<128x16xf32, #tpu.memory_space<vmem>>
          %gather3A_469 = tpu.vector_load_idx %gather3A_468[%broadcast_in_dim3A_461, %add3A_463] : memref<128x16xf32, #tpu.memory_space<vmem>>[vector<16xi32>, vector<16xi32>], vector<16xf32>,
          %mul3A_470 = vector.broadcast %squeeze3A_460 : f32 to vector<16xf32>
          %mul3A_471 = arith.mulf %gather3A_469, %mul3A_470 : vector<16xf32>
          %add3A_472 = arith.constant 0 : i32
          %add3A_473 = vector.broadcast %add3A_472 : i32 to vector<16xi32>
          %add3A_474 = arith.addi %add3A_473, %iota3A : vector<16xi32>
          %scatter3A = arith.constant 0 : i32
          %scatter3A_475 = arith.constant 0 : i32
          %scatter3A_476 = arith.constant 0 : i32
          %scatter3A_477 = tpu.memref_slice %arg15[%scatter3A, %scatter3A_475, %scatter3A_476] : memref<2x128x80xf32, #tpu.memory_space<vmem>> -> memref<1x128x80xf32, #tpu.memory_space<vmem>>
          %scatter3A_478 = tpu.memref_squeeze %scatter3A_477 : memref<1x128x80xf32, #tpu.memory_space<vmem>> -> memref<128x80xf32, #tpu.memory_space<vmem>>
          tpu.vector_store_idx %scatter3A_478[%broadcast_in_dim3A_461, %add3A_474], %mul3A_471 : memref<128x80xf32, #tpu.memory_space<vmem>>[vector<16xi32>, vector<16xi32>], vector<16xf32>,
          %add3A_479 = arith.constant 16 : i32
          %add3A_480 = vector.broadcast %add3A_479 : i32 to vector<16xi32>
          %add3A_481 = arith.addi %add3A_480, %iota3A : vector<16xi32>
          %scatter3A_482 = arith.constant 0 : i32
          %scatter3A_483 = arith.constant 0 : i32
          %scatter3A_484 = arith.constant 0 : i32
          %scatter3A_485 = tpu.memref_slice %arg15[%scatter3A_482, %scatter3A_483, %scatter3A_484] : memref<2x128x80xf32, #tpu.memory_space<vmem>> -> memref<1x128x80xf32, #tpu.memory_space<vmem>>
          %scatter3A_486 = tpu.memref_squeeze %scatter3A_485 : memref<1x128x80xf32, #tpu.memory_space<vmem>> -> memref<128x80xf32, #tpu.memory_space<vmem>>
          tpu.vector_store_idx %scatter3A_486[%broadcast_in_dim3A_461, %add3A_481], %mul3A_471 : memref<128x80xf32, #tpu.memory_space<vmem>>[vector<16xi32>, vector<16xi32>], vector<16xf32>,
          %add3A_487 = arith.constant 32 : i32
          %add3A_488 = vector.broadcast %add3A_487 : i32 to vector<16xi32>
          %add3A_489 = arith.addi %add3A_488, %iota3A : vector<16xi32>
          %scatter3A_490 = arith.constant 0 : i32
          %scatter3A_491 = arith.constant 0 : i32
          %scatter3A_492 = arith.constant 0 : i32
          %scatter3A_493 = tpu.memref_slice %arg15[%scatter3A_490, %scatter3A_491, %scatter3A_492] : memref<2x128x80xf32, #tpu.memory_space<vmem>> -> memref<1x128x80xf32, #tpu.memory_space<vmem>>
          %scatter3A_494 = tpu.memref_squeeze %scatter3A_493 : memref<1x128x80xf32, #tpu.memory_space<vmem>> -> memref<128x80xf32, #tpu.memory_space<vmem>>
          tpu.vector_store_idx %scatter3A_494[%broadcast_in_dim3A_461, %add3A_489], %mul3A_471 : memref<128x80xf32, #tpu.memory_space<vmem>>[vector<16xi32>, vector<16xi32>], vector<16xf32>,
          %add3A_495 = arith.constant 48 : i32
          %add3A_496 = vector.broadcast %add3A_495 : i32 to vector<16xi32>
          %add3A_497 = arith.addi %add3A_496, %iota3A : vector<16xi32>
          %scatter3A_498 = arith.constant 0 : i32
          %scatter3A_499 = arith.constant 0 : i32
          %scatter3A_500 = arith.constant 0 : i32
          %scatter3A_501 = tpu.memref_slice %arg15[%scatter3A_498, %scatter3A_499, %scatter3A_500] : memref<2x128x80xf32, #tpu.memory_space<vmem>> -> memref<1x128x80xf32, #tpu.memory_space<vmem>>
          %scatter3A_502 = tpu.memref_squeeze %scatter3A_501 : memref<1x128x80xf32, #tpu.memory_space<vmem>> -> memref<128x80xf32, #tpu.memory_space<vmem>>
          tpu.vector_store_idx %scatter3A_502[%broadcast_in_dim3A_461, %add3A_497], %mul3A_471 : memref<128x80xf32, #tpu.memory_space<vmem>>[vector<16xi32>, vector<16xi32>], vector<16xf32>,
          %add3A_503 = arith.constant 64 : i32
          %add3A_504 = vector.broadcast %add3A_503 : i32 to vector<16xi32>
          %add3A_505 = arith.addi %add3A_504, %iota3A : vector<16xi32>
          %scatter3A_506 = arith.constant 0 : i32
          %scatter3A_507 = arith.constant 0 : i32
          %scatter3A_508 = arith.constant 0 : i32
          %scatter3A_509 = tpu.memref_slice %arg15[%scatter3A_506, %scatter3A_507, %scatter3A_508] : memref<2x128x80xf32, #tpu.memory_space<vmem>> -> memref<1x128x80xf32, #tpu.memory_space<vmem>>
          %scatter3A_510 = tpu.memref_squeeze %scatter3A_509 : memref<1x128x80xf32, #tpu.memory_space<vmem>> -> memref<128x80xf32, #tpu.memory_space<vmem>>
          tpu.vector_store_idx %scatter3A_510[%broadcast_in_dim3A_461, %add3A_505], %mul3A_471 : memref<128x80xf32, #tpu.memory_space<vmem>>[vector<16xi32>, vector<16xi32>], vector<16xf32>,
          %scan3A_511 = arith.constant 0 : i32
          scf.yield %scan3A_511 : i32
        }
        %scan3A_440 = arith.constant 128 : i32
        %dma_start3A = arith.constant 0 : i32
        %dma_start3A_441 = arith.constant 0 : i32
        %dma_start3A_442 = arith.constant 0 : i32
        %dma_start3A_443 = arith.constant 0 : i32
        %dma_start3A_444 = tpu.memref_slice %arg15[%dma_start3A, %dma_start3A_442, %dma_start3A_443] : memref<2x128x80xf32, #tpu.memory_space<vmem>> -> memref<1x128x80xf32, #tpu.memory_space<vmem>>
        %dma_start3A_445 = tpu.memref_squeeze %dma_start3A_444 : memref<1x128x80xf32, #tpu.memory_space<vmem>> -> memref<128x80xf32, #tpu.memory_space<vmem>>
        %dma_start3A_446 = arith.constant 0 : i32
        %dma_start3A_447 = tpu.memref_slice %arg13[%dma_start3A_441, %dma_start3A_446] : memref<2x128xi32, #tpu.memory_space<vmem>> -> memref<1x128xi32, #tpu.memory_space<vmem>>
        %dma_start3A_448 = tpu.memref_squeeze %dma_start3A_447 : memref<1x128xi32, #tpu.memory_space<vmem>> -> memref<128xi32, #tpu.memory_space<vmem>>
        %dma_start3A_449 = arith.constant 0 : i32
        %dma_start3A_450 = arith.constant 0 : i32
        %dma_start3A_451 = tpu.memref_slice %arg6[%dma_start3A_449, %dma_start3A_450] : memref<262144x80xf32, #tpu.memory_space<hbm>> -> memref<262144x80xf32, #tpu.memory_space<hbm>>
        tpu.enqueue_indirect_dma source(%dma_start3A_445 : memref<128x80xf32, #tpu.memory_space<vmem>>) target(%dma_start3A_451 : memref<262144x80xf32, #tpu.memory_space<hbm>>) offsets(%dma_start3A_448 : memref<128xi32, #tpu.memory_space<vmem>>) semaphore(%arg19 : memref<!tpu.dma_semaphore, #tpu.memory_space<semaphore_mem>>)
      } else {
      }
      %mul3A_283 = arith.constant 2 : i32
      %mul3A_284 = arith.muli %mul3A_283, %while3A_273 : i32
      %add3A_285 = arith.constant 1 : i32
      %add3A_286 = arith.addi %mul3A_284, %add3A_285 : i32
      %lt3A_287 = arith.cmpi slt, %add3A_286, %select_n3A_171 : i32
      %convert_element_type3A_288 = arith.extui %lt3A_287 : i1 to i32
      %cond3A_289 = arith.constant 0 : i32
      %cond3A_290 = arith.cmpi ne, %convert_element_type3A_288, %cond3A_289 : i32
      scf.if %cond3A_290 {
        %mul3A_292 = arith.constant 128 : i32
        %mul3A_293 = arith.muli %add3A_286, %mul3A_292 : i32
        %mul3A_294 = arith.constant 128 : i32
        %mul3A_295 = arith.muli %add3A_286, %mul3A_294 : i32
        %dma_wait3A = arith.constant 1 : i32
        %dma_wait3A_296 = arith.constant 0 : i32
        %dma_wait3A_297 = arith.constant 0 : i32
        %dma_wait3A_298 = tpu.memref_slice %arg14[%dma_wait3A, %dma_wait3A_296, %dma_wait3A_297] : memref<2x128x16xf32, #tpu.memory_space<vmem>> -> memref<1x128x16xf32, #tpu.memory_space<vmem>>
        %dma_wait3A_299 = tpu.memref_squeeze %dma_wait3A_298 : memref<1x128x16xf32, #tpu.memory_space<vmem>> -> memref<128x16xf32, #tpu.memory_space<vmem>>
        %dma_wait3A_300 = tpu.memref_slice %arg10[%mul3A_295] : memref<8336xi32, #tpu.memory_space<vmem>> -> memref<128xi32, #tpu.memory_space<vmem>>
        %dma_wait3A_301 = arith.constant 0 : i32
        %dma_wait3A_302 = arith.constant 0 : i32
        %dma_wait3A_303 = tpu.memref_slice %arg5[%dma_wait3A_301, %dma_wait3A_302] : memref<50000x16xf32, #tpu.memory_space<hbm>> -> memref<50000x16xf32, #tpu.memory_space<hbm>>
        tpu.wait_indirect_dma semaphore(%arg18 : memref<!tpu.dma_semaphore, #tpu.memory_space<semaphore_mem>>) src(%dma_wait3A_303 : memref<50000x16xf32, #tpu.memory_space<hbm>>) dst(%dma_wait3A_299 : memref<128x16xf32, #tpu.memory_space<vmem>>)
        %add3A_304 = arith.constant 1 : i32
        %add3A_305 = arith.addi %add3A_286, %add3A_304 : i32
        %lt3A_306 = arith.cmpi slt, %add3A_305, %select_n3A_171 : i32
        %convert_element_type3A_307 = arith.extui %lt3A_306 : i1 to i32
        %cond3A_308 = arith.constant 0 : i32
        %cond3A_309 = arith.cmpi ne, %convert_element_type3A_307, %cond3A_308 : i32
        scf.if %cond3A_309 {
          %add3A_452 = arith.constant 1 : i32
          %add3A_453 = arith.addi %add3A_286, %add3A_452 : i32
          %mul3A_454 = arith.constant 128 : i32
          %mul3A_455 = arith.muli %add3A_453, %mul3A_454 : i32
          %dma_start3A_456 = arith.constant 0 : i32
          %dma_start3A_457 = arith.constant 0 : i32
          %dma_start3A_458 = arith.constant 0 : i32
          %dma_start3A_459 = tpu.memref_slice %arg14[%dma_start3A_456, %dma_start3A_457, %dma_start3A_458] : memref<2x128x16xf32, #tpu.memory_space<vmem>> -> memref<1x128x16xf32, #tpu.memory_space<vmem>>
          %dma_start3A_460 = tpu.memref_squeeze %dma_start3A_459 : memref<1x128x16xf32, #tpu.memory_space<vmem>> -> memref<128x16xf32, #tpu.memory_space<vmem>>
          %dma_start3A_461 = tpu.memref_slice %arg10[%mul3A_455] : memref<8336xi32, #tpu.memory_space<vmem>> -> memref<128xi32, #tpu.memory_space<vmem>>
          %dma_start3A_462 = arith.constant 0 : i32
          %dma_start3A_463 = arith.constant 0 : i32
          %dma_start3A_464 = tpu.memref_slice %arg5[%dma_start3A_462, %dma_start3A_463] : memref<50000x16xf32, #tpu.memory_space<hbm>> -> memref<50000x16xf32, #tpu.memory_space<hbm>>
          tpu.enqueue_indirect_dma source(%dma_start3A_464 : memref<50000x16xf32, #tpu.memory_space<hbm>>) target(%dma_start3A_460 : memref<128x16xf32, #tpu.memory_space<vmem>>) offsets(%dma_start3A_461 : memref<128xi32, #tpu.memory_space<vmem>>) semaphore(%arg17 : memref<!tpu.dma_semaphore, #tpu.memory_space<semaphore_mem>>)
        } else {
        }
        %ge3A = arith.constant 2 : i32
        %ge3A_310 = arith.cmpi sge, %add3A_286, %ge3A : i32
        %convert_element_type3A_311 = arith.extui %ge3A_310 : i1 to i32
        %cond3A_312 = arith.constant 0 : i32
        %cond3A_313 = arith.cmpi ne, %convert_element_type3A_311, %cond3A_312 : i32
        scf.if %cond3A_313 {
          %dma_wait3A_452 = arith.constant 1 : i32
          %dma_wait3A_453 = arith.constant 1 : i32
          %dma_wait3A_454 = arith.constant 0 : i32
          %dma_wait3A_455 = arith.constant 0 : i32
          %dma_wait3A_456 = tpu.memref_slice %arg15[%dma_wait3A_452, %dma_wait3A_454, %dma_wait3A_455] : memref<2x128x80xf32, #tpu.memory_space<vmem>> -> memref<1x128x80xf32, #tpu.memory_space<vmem>>
          %dma_wait3A_457 = tpu.memref_squeeze %dma_wait3A_456 : memref<1x128x80xf32, #tpu.memory_space<vmem>> -> memref<128x80xf32, #tpu.memory_space<vmem>>
          %dma_wait3A_458 = arith.constant 0 : i32
          %dma_wait3A_459 = tpu.memref_slice %arg13[%dma_wait3A_453, %dma_wait3A_458] : memref<2x128xi32, #tpu.memory_space<vmem>> -> memref<1x128xi32, #tpu.memory_space<vmem>>
          %dma_wait3A_460 = tpu.memref_squeeze %dma_wait3A_459 : memref<1x128xi32, #tpu.memory_space<vmem>> -> memref<128xi32, #tpu.memory_space<vmem>>
          %dma_wait3A_461 = arith.constant 0 : i32
          %dma_wait3A_462 = arith.constant 0 : i32
          %dma_wait3A_463 = tpu.memref_slice %arg6[%dma_wait3A_461, %dma_wait3A_462] : memref<262144x80xf32, #tpu.memory_space<hbm>> -> memref<262144x80xf32, #tpu.memory_space<hbm>>
          tpu.wait_indirect_dma semaphore(%arg20 : memref<!tpu.dma_semaphore, #tpu.memory_space<semaphore_mem>>) src(%dma_wait3A_457 : memref<128x80xf32, #tpu.memory_space<vmem>>) dst(%dma_wait3A_463 : memref<262144x80xf32, #tpu.memory_space<hbm>>)
        } else {
        }
        %add3A_314 = arith.constant 0 : i32
        %add3A_315 = arith.addi %mul3A_293, %add3A_314 : i32
        %add3A_316 = vector.broadcast %add3A_315 : i32 to vector<16xi32>
        %add3A_317 = arith.addi %add3A_316, %iota3A : vector<16xi32>
        %lt3A_318 = vector.broadcast %scan3A_47 : i32 to vector<16xi32>
        %lt3A_319 = arith.cmpi slt, %add3A_317, %lt3A_318 : vector<16xi32>
        %add3A_320 = vector.broadcast %add3A_42 : i32 to vector<16xi32>
        %add3A_321 = arith.addi %add3A_320, %add3A_317 : vector<16xi32>
        %jit3A_322 = arith.constant 262143 : i32
        %broadcast_in_dim3A_323 = vector.broadcast %jit3A_322 : i32 to vector<16xi32>
        %select_n3A_324 = arith.select %lt3A_319, %add3A_321, %broadcast_in_dim3A_323 : vector<16xi1>, vector<16xi32>
        %swap3A_325 = arith.constant 1 : i32
        %swap3A_326 = arith.index_cast %swap3A_325 : i32 to index
        %swap3A_327 = arith.constant 0 : index
        %swap3A_328 = tpu.vector_load %arg13[%swap3A_326, %swap3A_327] {strides = array<i32>} : memref<2x128xi32, #tpu.memory_space<vmem>>, vector<16xi32>,
        tpu.vector_store %arg13[%swap3A_326, %swap3A_327], %select_n3A_324 {strides = array<i32>} : memref<2x128xi32, #tpu.memory_space<vmem>>, vector<16xi32>,
        %add3A_329 = arith.constant 16 : i32
        %add3A_330 = arith.addi %mul3A_293, %add3A_329 : i32
        %add3A_331 = vector.broadcast %add3A_330 : i32 to vector<16xi32>
        %add3A_332 = arith.addi %add3A_331, %iota3A : vector<16xi32>
        %lt3A_333 = vector.broadcast %scan3A_47 : i32 to vector<16xi32>
        %lt3A_334 = arith.cmpi slt, %add3A_332, %lt3A_333 : vector<16xi32>
        %add3A_335 = vector.broadcast %add3A_42 : i32 to vector<16xi32>
        %add3A_336 = arith.addi %add3A_335, %add3A_332 : vector<16xi32>
        %jit3A_337 = arith.constant 262143 : i32
        %broadcast_in_dim3A_338 = vector.broadcast %jit3A_337 : i32 to vector<16xi32>
        %select_n3A_339 = arith.select %lt3A_334, %add3A_336, %broadcast_in_dim3A_338 : vector<16xi1>, vector<16xi32>
        %swap3A_340 = arith.constant 1 : i32
        %swap3A_341 = arith.index_cast %swap3A_340 : i32 to index
        %swap3A_342 = arith.constant 16 : index
        %swap3A_343 = tpu.vector_load %arg13[%swap3A_341, %swap3A_342] {strides = array<i32>} : memref<2x128xi32, #tpu.memory_space<vmem>>, vector<16xi32>,
        tpu.vector_store %arg13[%swap3A_341, %swap3A_342], %select_n3A_339 {strides = array<i32>} : memref<2x128xi32, #tpu.memory_space<vmem>>, vector<16xi32>,
        %add3A_344 = arith.constant 32 : i32
        %add3A_345 = arith.addi %mul3A_293, %add3A_344 : i32
        %add3A_346 = vector.broadcast %add3A_345 : i32 to vector<16xi32>
        %add3A_347 = arith.addi %add3A_346, %iota3A : vector<16xi32>
        %lt3A_348 = vector.broadcast %scan3A_47 : i32 to vector<16xi32>
        %lt3A_349 = arith.cmpi slt, %add3A_347, %lt3A_348 : vector<16xi32>
        %add3A_350 = vector.broadcast %add3A_42 : i32 to vector<16xi32>
        %add3A_351 = arith.addi %add3A_350, %add3A_347 : vector<16xi32>
        %jit3A_352 = arith.constant 262143 : i32
        %broadcast_in_dim3A_353 = vector.broadcast %jit3A_352 : i32 to vector<16xi32>
        %select_n3A_354 = arith.select %lt3A_349, %add3A_351, %broadcast_in_dim3A_353 : vector<16xi1>, vector<16xi32>
        %swap3A_355 = arith.constant 1 : i32
        %swap3A_356 = arith.index_cast %swap3A_355 : i32 to index
        %swap3A_357 = arith.constant 32 : index
        %swap3A_358 = tpu.vector_load %arg13[%swap3A_356, %swap3A_357] {strides = array<i32>} : memref<2x128xi32, #tpu.memory_space<vmem>>, vector<16xi32>,
        tpu.vector_store %arg13[%swap3A_356, %swap3A_357], %select_n3A_354 {strides = array<i32>} : memref<2x128xi32, #tpu.memory_space<vmem>>, vector<16xi32>,
        %add3A_359 = arith.constant 48 : i32
        %add3A_360 = arith.addi %mul3A_293, %add3A_359 : i32
        %add3A_361 = vector.broadcast %add3A_360 : i32 to vector<16xi32>
        %add3A_362 = arith.addi %add3A_361, %iota3A : vector<16xi32>
        %lt3A_363 = vector.broadcast %scan3A_47 : i32 to vector<16xi32>
        %lt3A_364 = arith.cmpi slt, %add3A_362, %lt3A_363 : vector<16xi32>
        %add3A_365 = vector.broadcast %add3A_42 : i32 to vector<16xi32>
        %add3A_366 = arith.addi %add3A_365, %add3A_362 : vector<16xi32>
        %jit3A_367 = arith.constant 262143 : i32
        %broadcast_in_dim3A_368 = vector.broadcast %jit3A_367 : i32 to vector<16xi32>
        %select_n3A_369 = arith.select %lt3A_364, %add3A_366, %broadcast_in_dim3A_368 : vector<16xi1>, vector<16xi32>
        %swap3A_370 = arith.constant 1 : i32
        %swap3A_371 = arith.index_cast %swap3A_370 : i32 to index
        %swap3A_372 = arith.constant 48 : index
        %swap3A_373 = tpu.vector_load %arg13[%swap3A_371, %swap3A_372] {strides = array<i32>} : memref<2x128xi32, #tpu.memory_space<vmem>>, vector<16xi32>,
        tpu.vector_store %arg13[%swap3A_371, %swap3A_372], %select_n3A_369 {strides = array<i32>} : memref<2x128xi32, #tpu.memory_space<vmem>>, vector<16xi32>,
        %add3A_374 = arith.constant 64 : i32
        %add3A_375 = arith.addi %mul3A_293, %add3A_374 : i32
        %add3A_376 = vector.broadcast %add3A_375 : i32 to vector<16xi32>
        %add3A_377 = arith.addi %add3A_376, %iota3A : vector<16xi32>
        %lt3A_378 = vector.broadcast %scan3A_47 : i32 to vector<16xi32>
        %lt3A_379 = arith.cmpi slt, %add3A_377, %lt3A_378 : vector<16xi32>
        %add3A_380 = vector.broadcast %add3A_42 : i32 to vector<16xi32>
        %add3A_381 = arith.addi %add3A_380, %add3A_377 : vector<16xi32>
        %jit3A_382 = arith.constant 262143 : i32
        %broadcast_in_dim3A_383 = vector.broadcast %jit3A_382 : i32 to vector<16xi32>
        %select_n3A_384 = arith.select %lt3A_379, %add3A_381, %broadcast_in_dim3A_383 : vector<16xi1>, vector<16xi32>
        %swap3A_385 = arith.constant 1 : i32
        %swap3A_386 = arith.index_cast %swap3A_385 : i32 to index
        %swap3A_387 = arith.constant 64 : index
        %swap3A_388 = tpu.vector_load %arg13[%swap3A_386, %swap3A_387] {strides = array<i32>} : memref<2x128xi32, #tpu.memory_space<vmem>>, vector<16xi32>,
        tpu.vector_store %arg13[%swap3A_386, %swap3A_387], %select_n3A_384 {strides = array<i32>} : memref<2x128xi32, #tpu.memory_space<vmem>>, vector<16xi32>,
        %add3A_389 = arith.constant 80 : i32
        %add3A_390 = arith.addi %mul3A_293, %add3A_389 : i32
        %add3A_391 = vector.broadcast %add3A_390 : i32 to vector<16xi32>
        %add3A_392 = arith.addi %add3A_391, %iota3A : vector<16xi32>
        %lt3A_393 = vector.broadcast %scan3A_47 : i32 to vector<16xi32>
        %lt3A_394 = arith.cmpi slt, %add3A_392, %lt3A_393 : vector<16xi32>
        %add3A_395 = vector.broadcast %add3A_42 : i32 to vector<16xi32>
        %add3A_396 = arith.addi %add3A_395, %add3A_392 : vector<16xi32>
        %jit3A_397 = arith.constant 262143 : i32
        %broadcast_in_dim3A_398 = vector.broadcast %jit3A_397 : i32 to vector<16xi32>
        %select_n3A_399 = arith.select %lt3A_394, %add3A_396, %broadcast_in_dim3A_398 : vector<16xi1>, vector<16xi32>
        %swap3A_400 = arith.constant 1 : i32
        %swap3A_401 = arith.index_cast %swap3A_400 : i32 to index
        %swap3A_402 = arith.constant 80 : index
        %swap3A_403 = tpu.vector_load %arg13[%swap3A_401, %swap3A_402] {strides = array<i32>} : memref<2x128xi32, #tpu.memory_space<vmem>>, vector<16xi32>,
        tpu.vector_store %arg13[%swap3A_401, %swap3A_402], %select_n3A_399 {strides = array<i32>} : memref<2x128xi32, #tpu.memory_space<vmem>>, vector<16xi32>,
        %add3A_404 = arith.constant 96 : i32
        %add3A_405 = arith.addi %mul3A_293, %add3A_404 : i32
        %add3A_406 = vector.broadcast %add3A_405 : i32 to vector<16xi32>
        %add3A_407 = arith.addi %add3A_406, %iota3A : vector<16xi32>
        %lt3A_408 = vector.broadcast %scan3A_47 : i32 to vector<16xi32>
        %lt3A_409 = arith.cmpi slt, %add3A_407, %lt3A_408 : vector<16xi32>
        %add3A_410 = vector.broadcast %add3A_42 : i32 to vector<16xi32>
        %add3A_411 = arith.addi %add3A_410, %add3A_407 : vector<16xi32>
        %jit3A_412 = arith.constant 262143 : i32
        %broadcast_in_dim3A_413 = vector.broadcast %jit3A_412 : i32 to vector<16xi32>
        %select_n3A_414 = arith.select %lt3A_409, %add3A_411, %broadcast_in_dim3A_413 : vector<16xi1>, vector<16xi32>
        %swap3A_415 = arith.constant 1 : i32
        %swap3A_416 = arith.index_cast %swap3A_415 : i32 to index
        %swap3A_417 = arith.constant 96 : index
        %swap3A_418 = tpu.vector_load %arg13[%swap3A_416, %swap3A_417] {strides = array<i32>} : memref<2x128xi32, #tpu.memory_space<vmem>>, vector<16xi32>,
        tpu.vector_store %arg13[%swap3A_416, %swap3A_417], %select_n3A_414 {strides = array<i32>} : memref<2x128xi32, #tpu.memory_space<vmem>>, vector<16xi32>,
        %add3A_419 = arith.constant 112 : i32
        %add3A_420 = arith.addi %mul3A_293, %add3A_419 : i32
        %add3A_421 = vector.broadcast %add3A_420 : i32 to vector<16xi32>
        %add3A_422 = arith.addi %add3A_421, %iota3A : vector<16xi32>
        %lt3A_423 = vector.broadcast %scan3A_47 : i32 to vector<16xi32>
        %lt3A_424 = arith.cmpi slt, %add3A_422, %lt3A_423 : vector<16xi32>
        %add3A_425 = vector.broadcast %add3A_42 : i32 to vector<16xi32>
        %add3A_426 = arith.addi %add3A_425, %add3A_422 : vector<16xi32>
        %jit3A_427 = arith.constant 262143 : i32
        %broadcast_in_dim3A_428 = vector.broadcast %jit3A_427 : i32 to vector<16xi32>
        %select_n3A_429 = arith.select %lt3A_424, %add3A_426, %broadcast_in_dim3A_428 : vector<16xi1>, vector<16xi32>
        %swap3A_430 = arith.constant 1 : i32
        %swap3A_431 = arith.index_cast %swap3A_430 : i32 to index
        %swap3A_432 = arith.constant 112 : index
        %swap3A_433 = tpu.vector_load %arg13[%swap3A_431, %swap3A_432] {strides = array<i32>} : memref<2x128xi32, #tpu.memory_space<vmem>>, vector<16xi32>,
        tpu.vector_store %arg13[%swap3A_431, %swap3A_432], %select_n3A_429 {strides = array<i32>} : memref<2x128xi32, #tpu.memory_space<vmem>>, vector<16xi32>,
        %scan3A_434 = arith.constant 0 : i32
        %scan3A_435 = arith.constant 0 : i32
        %scan3A_436 = arith.constant 128 : i32
        %scan3A_437 = arith.addi %scan3A_435, %scan3A_436 : i32
        %scan3A_438 = arith.constant 1 : i32
        %scan3A_439 = scf.for %scan3A_452 = %scan3A_435 to %scan3A_437 step %scan3A_438 iter_args(%scan3A_453 = %scan3A_434) -> (i32)  : i32 {
          %add3A_454 = arith.addi %mul3A_293, %scan3A_452 : i32
          %get3A = arith.index_cast %add3A_454 : i32 to index
          %get3A_455 = tpu.vector_load %arg11[%get3A] {strides = array<i32>} : memref<8336xi32, #tpu.memory_space<vmem>>, vector<16xi32>,
          %slice3A = vector.extract_strided_slice %get3A_455 {offsets = [0], sizes = [1], strides = [1]} : vector<16xi32> to vector<1xi32>
          %squeeze3A = vector.extract %slice3A[0] : i32 from vector<1xi32>
          %add3A_456 = arith.addi %mul3A_293, %scan3A_452 : i32
          %get3A_457 = arith.index_cast %add3A_456 : i32 to index
          %get3A_458 = tpu.vector_load %arg12[%get3A_457] {strides = array<i32>} : memref<8336xf32, #tpu.memory_space<vmem>>, vector<16xf32>,
          %slice3A_459 = vector.extract_strided_slice %get3A_458 {offsets = [0], sizes = [1], strides = [1]} : vector<16xf32> to vector<1xf32>
          %squeeze3A_460 = vector.extract %slice3A_459[0] : f32 from vector<1xf32>
          %broadcast_in_dim3A_461 = vector.broadcast %scan3A_452 : i32 to vector<16xi32>
          %add3A_462 = vector.broadcast %squeeze3A : i32 to vector<16xi32>
          %add3A_463 = arith.addi %add3A_462, %and3A_2 : vector<16xi32>
          %gather3A_464 = arith.constant 1 : i32
          %gather3A_465 = arith.constant 0 : i32
          %gather3A_466 = arith.constant 0 : i32
          %gather3A_467 = tpu.memref_slice %arg14[%gather3A_464, %gather3A_465, %gather3A_466] : memref<2x128x16xf32, #tpu.memory_space<vmem>> -> memref<1x128x16xf32, #tpu.memory_space<vmem>>
          %gather3A_468 = tpu.memref_squeeze %gather3A_467 : memref<1x128x16xf32, #tpu.memory_space<vmem>> -> memref<128x16xf32, #tpu.memory_space<vmem>>
          %gather3A_469 = tpu.vector_load_idx %gather3A_468[%broadcast_in_dim3A_461, %add3A_463] : memref<128x16xf32, #tpu.memory_space<vmem>>[vector<16xi32>, vector<16xi32>], vector<16xf32>,
          %mul3A_470 = vector.broadcast %squeeze3A_460 : f32 to vector<16xf32>
          %mul3A_471 = arith.mulf %gather3A_469, %mul3A_470 : vector<16xf32>
          %add3A_472 = arith.constant 0 : i32
          %add3A_473 = vector.broadcast %add3A_472 : i32 to vector<16xi32>
          %add3A_474 = arith.addi %add3A_473, %iota3A : vector<16xi32>
          %scatter3A = arith.constant 1 : i32
          %scatter3A_475 = arith.constant 0 : i32
          %scatter3A_476 = arith.constant 0 : i32
          %scatter3A_477 = tpu.memref_slice %arg15[%scatter3A, %scatter3A_475, %scatter3A_476] : memref<2x128x80xf32, #tpu.memory_space<vmem>> -> memref<1x128x80xf32, #tpu.memory_space<vmem>>
          %scatter3A_478 = tpu.memref_squeeze %scatter3A_477 : memref<1x128x80xf32, #tpu.memory_space<vmem>> -> memref<128x80xf32, #tpu.memory_space<vmem>>
          tpu.vector_store_idx %scatter3A_478[%broadcast_in_dim3A_461, %add3A_474], %mul3A_471 : memref<128x80xf32, #tpu.memory_space<vmem>>[vector<16xi32>, vector<16xi32>], vector<16xf32>,
          %add3A_479 = arith.constant 16 : i32
          %add3A_480 = vector.broadcast %add3A_479 : i32 to vector<16xi32>
          %add3A_481 = arith.addi %add3A_480, %iota3A : vector<16xi32>
          %scatter3A_482 = arith.constant 1 : i32
          %scatter3A_483 = arith.constant 0 : i32
          %scatter3A_484 = arith.constant 0 : i32
          %scatter3A_485 = tpu.memref_slice %arg15[%scatter3A_482, %scatter3A_483, %scatter3A_484] : memref<2x128x80xf32, #tpu.memory_space<vmem>> -> memref<1x128x80xf32, #tpu.memory_space<vmem>>
          %scatter3A_486 = tpu.memref_squeeze %scatter3A_485 : memref<1x128x80xf32, #tpu.memory_space<vmem>> -> memref<128x80xf32, #tpu.memory_space<vmem>>
          tpu.vector_store_idx %scatter3A_486[%broadcast_in_dim3A_461, %add3A_481], %mul3A_471 : memref<128x80xf32, #tpu.memory_space<vmem>>[vector<16xi32>, vector<16xi32>], vector<16xf32>,
          %add3A_487 = arith.constant 32 : i32
          %add3A_488 = vector.broadcast %add3A_487 : i32 to vector<16xi32>
          %add3A_489 = arith.addi %add3A_488, %iota3A : vector<16xi32>
          %scatter3A_490 = arith.constant 1 : i32
          %scatter3A_491 = arith.constant 0 : i32
          %scatter3A_492 = arith.constant 0 : i32
          %scatter3A_493 = tpu.memref_slice %arg15[%scatter3A_490, %scatter3A_491, %scatter3A_492] : memref<2x128x80xf32, #tpu.memory_space<vmem>> -> memref<1x128x80xf32, #tpu.memory_space<vmem>>
          %scatter3A_494 = tpu.memref_squeeze %scatter3A_493 : memref<1x128x80xf32, #tpu.memory_space<vmem>> -> memref<128x80xf32, #tpu.memory_space<vmem>>
          tpu.vector_store_idx %scatter3A_494[%broadcast_in_dim3A_461, %add3A_489], %mul3A_471 : memref<128x80xf32, #tpu.memory_space<vmem>>[vector<16xi32>, vector<16xi32>], vector<16xf32>,
          %add3A_495 = arith.constant 48 : i32
          %add3A_496 = vector.broadcast %add3A_495 : i32 to vector<16xi32>
          %add3A_497 = arith.addi %add3A_496, %iota3A : vector<16xi32>
          %scatter3A_498 = arith.constant 1 : i32
          %scatter3A_499 = arith.constant 0 : i32
          %scatter3A_500 = arith.constant 0 : i32
          %scatter3A_501 = tpu.memref_slice %arg15[%scatter3A_498, %scatter3A_499, %scatter3A_500] : memref<2x128x80xf32, #tpu.memory_space<vmem>> -> memref<1x128x80xf32, #tpu.memory_space<vmem>>
          %scatter3A_502 = tpu.memref_squeeze %scatter3A_501 : memref<1x128x80xf32, #tpu.memory_space<vmem>> -> memref<128x80xf32, #tpu.memory_space<vmem>>
          tpu.vector_store_idx %scatter3A_502[%broadcast_in_dim3A_461, %add3A_497], %mul3A_471 : memref<128x80xf32, #tpu.memory_space<vmem>>[vector<16xi32>, vector<16xi32>], vector<16xf32>,
          %add3A_503 = arith.constant 64 : i32
          %add3A_504 = vector.broadcast %add3A_503 : i32 to vector<16xi32>
          %add3A_505 = arith.addi %add3A_504, %iota3A : vector<16xi32>
          %scatter3A_506 = arith.constant 1 : i32
          %scatter3A_507 = arith.constant 0 : i32
          %scatter3A_508 = arith.constant 0 : i32
          %scatter3A_509 = tpu.memref_slice %arg15[%scatter3A_506, %scatter3A_507, %scatter3A_508] : memref<2x128x80xf32, #tpu.memory_space<vmem>> -> memref<1x128x80xf32, #tpu.memory_space<vmem>>
          %scatter3A_510 = tpu.memref_squeeze %scatter3A_509 : memref<1x128x80xf32, #tpu.memory_space<vmem>> -> memref<128x80xf32, #tpu.memory_space<vmem>>
          tpu.vector_store_idx %scatter3A_510[%broadcast_in_dim3A_461, %add3A_505], %mul3A_471 : memref<128x80xf32, #tpu.memory_space<vmem>>[vector<16xi32>, vector<16xi32>], vector<16xf32>,
          %scan3A_511 = arith.constant 0 : i32
          scf.yield %scan3A_511 : i32
        }
        %scan3A_440 = arith.constant 128 : i32
        %dma_start3A = arith.constant 1 : i32
        %dma_start3A_441 = arith.constant 1 : i32
        %dma_start3A_442 = arith.constant 0 : i32
        %dma_start3A_443 = arith.constant 0 : i32
        %dma_start3A_444 = tpu.memref_slice %arg15[%dma_start3A, %dma_start3A_442, %dma_start3A_443] : memref<2x128x80xf32, #tpu.memory_space<vmem>> -> memref<1x128x80xf32, #tpu.memory_space<vmem>>
        %dma_start3A_445 = tpu.memref_squeeze %dma_start3A_444 : memref<1x128x80xf32, #tpu.memory_space<vmem>> -> memref<128x80xf32, #tpu.memory_space<vmem>>
        %dma_start3A_446 = arith.constant 0 : i32
        %dma_start3A_447 = tpu.memref_slice %arg13[%dma_start3A_441, %dma_start3A_446] : memref<2x128xi32, #tpu.memory_space<vmem>> -> memref<1x128xi32, #tpu.memory_space<vmem>>
        %dma_start3A_448 = tpu.memref_squeeze %dma_start3A_447 : memref<1x128xi32, #tpu.memory_space<vmem>> -> memref<128xi32, #tpu.memory_space<vmem>>
        %dma_start3A_449 = arith.constant 0 : i32
        %dma_start3A_450 = arith.constant 0 : i32
        %dma_start3A_451 = tpu.memref_slice %arg6[%dma_start3A_449, %dma_start3A_450] : memref<262144x80xf32, #tpu.memory_space<hbm>> -> memref<262144x80xf32, #tpu.memory_space<hbm>>
        tpu.enqueue_indirect_dma source(%dma_start3A_445 : memref<128x80xf32, #tpu.memory_space<vmem>>) target(%dma_start3A_451 : memref<262144x80xf32, #tpu.memory_space<hbm>>) offsets(%dma_start3A_448 : memref<128xi32, #tpu.memory_space<vmem>>) semaphore(%arg20 : memref<!tpu.dma_semaphore, #tpu.memory_space<semaphore_mem>>)
      } else {
      }
      %while3A_291 = arith.constant 0 : i32
      scf.yield %while3A_291 : i32
    }
    %while3A_209 = arith.constant 1 : i32
    %while3A_210 = scf.for %while3A_273 = %while3A_206 to %while3A_202 step %while3A_209 iter_args(%while3A_274 = %while3A_208) -> (i32)  : i32 {
      %mul3A_275 = arith.constant 2 : i32
      %mul3A_276 = arith.muli %mul3A_275, %while3A_273 : i32
      %add3A_277 = arith.constant 0 : i32
      %add3A_278 = arith.addi %mul3A_276, %add3A_277 : i32
      %lt3A_279 = arith.cmpi slt, %add3A_278, %select_n3A_171 : i32
      %convert_element_type3A_280 = arith.extui %lt3A_279 : i1 to i32
      %cond3A_281 = arith.constant 0 : i32
      %cond3A_282 = arith.cmpi ne, %convert_element_type3A_280, %cond3A_281 : i32
      scf.if %cond3A_282 {
        %mul3A_292 = arith.constant 128 : i32
        %mul3A_293 = arith.muli %add3A_278, %mul3A_292 : i32
        %mul3A_294 = arith.constant 128 : i32
        %mul3A_295 = arith.muli %add3A_278, %mul3A_294 : i32
        %dma_wait3A = arith.constant 0 : i32
        %dma_wait3A_296 = arith.constant 0 : i32
        %dma_wait3A_297 = arith.constant 0 : i32
        %dma_wait3A_298 = tpu.memref_slice %arg14[%dma_wait3A, %dma_wait3A_296, %dma_wait3A_297] : memref<2x128x16xf32, #tpu.memory_space<vmem>> -> memref<1x128x16xf32, #tpu.memory_space<vmem>>
        %dma_wait3A_299 = tpu.memref_squeeze %dma_wait3A_298 : memref<1x128x16xf32, #tpu.memory_space<vmem>> -> memref<128x16xf32, #tpu.memory_space<vmem>>
        %dma_wait3A_300 = tpu.memref_slice %arg10[%mul3A_295] : memref<8336xi32, #tpu.memory_space<vmem>> -> memref<128xi32, #tpu.memory_space<vmem>>
        %dma_wait3A_301 = arith.constant 0 : i32
        %dma_wait3A_302 = arith.constant 0 : i32
        %dma_wait3A_303 = tpu.memref_slice %arg5[%dma_wait3A_301, %dma_wait3A_302] : memref<50000x16xf32, #tpu.memory_space<hbm>> -> memref<50000x16xf32, #tpu.memory_space<hbm>>
        tpu.wait_indirect_dma semaphore(%arg17 : memref<!tpu.dma_semaphore, #tpu.memory_space<semaphore_mem>>) src(%dma_wait3A_303 : memref<50000x16xf32, #tpu.memory_space<hbm>>) dst(%dma_wait3A_299 : memref<128x16xf32, #tpu.memory_space<vmem>>)
        %add3A_304 = arith.constant 1 : i32
        %add3A_305 = arith.addi %add3A_278, %add3A_304 : i32
        %lt3A_306 = arith.cmpi slt, %add3A_305, %select_n3A_171 : i32
        %convert_element_type3A_307 = arith.extui %lt3A_306 : i1 to i32
        %cond3A_308 = arith.constant 0 : i32
        %cond3A_309 = arith.cmpi ne, %convert_element_type3A_307, %cond3A_308 : i32
        scf.if %cond3A_309 {
          %add3A_452 = arith.constant 1 : i32
          %add3A_453 = arith.addi %add3A_278, %add3A_452 : i32
          %mul3A_454 = arith.constant 128 : i32
          %mul3A_455 = arith.muli %add3A_453, %mul3A_454 : i32
          %dma_start3A_456 = arith.constant 1 : i32
          %dma_start3A_457 = arith.constant 0 : i32
          %dma_start3A_458 = arith.constant 0 : i32
          %dma_start3A_459 = tpu.memref_slice %arg14[%dma_start3A_456, %dma_start3A_457, %dma_start3A_458] : memref<2x128x16xf32, #tpu.memory_space<vmem>> -> memref<1x128x16xf32, #tpu.memory_space<vmem>>
          %dma_start3A_460 = tpu.memref_squeeze %dma_start3A_459 : memref<1x128x16xf32, #tpu.memory_space<vmem>> -> memref<128x16xf32, #tpu.memory_space<vmem>>
          %dma_start3A_461 = tpu.memref_slice %arg10[%mul3A_455] : memref<8336xi32, #tpu.memory_space<vmem>> -> memref<128xi32, #tpu.memory_space<vmem>>
          %dma_start3A_462 = arith.constant 0 : i32
          %dma_start3A_463 = arith.constant 0 : i32
          %dma_start3A_464 = tpu.memref_slice %arg5[%dma_start3A_462, %dma_start3A_463] : memref<50000x16xf32, #tpu.memory_space<hbm>> -> memref<50000x16xf32, #tpu.memory_space<hbm>>
          tpu.enqueue_indirect_dma source(%dma_start3A_464 : memref<50000x16xf32, #tpu.memory_space<hbm>>) target(%dma_start3A_460 : memref<128x16xf32, #tpu.memory_space<vmem>>) offsets(%dma_start3A_461 : memref<128xi32, #tpu.memory_space<vmem>>) semaphore(%arg18 : memref<!tpu.dma_semaphore, #tpu.memory_space<semaphore_mem>>)
        } else {
        }
        %ge3A = arith.constant 2 : i32
        %ge3A_310 = arith.cmpi sge, %add3A_278, %ge3A : i32
        %convert_element_type3A_311 = arith.extui %ge3A_310 : i1 to i32
        %cond3A_312 = arith.constant 0 : i32
        %cond3A_313 = arith.cmpi ne, %convert_element_type3A_311, %cond3A_312 : i32
        scf.if %cond3A_313 {
          %dma_wait3A_452 = arith.constant 0 : i32
          %dma_wait3A_453 = arith.constant 0 : i32
          %dma_wait3A_454 = arith.constant 0 : i32
          %dma_wait3A_455 = arith.constant 0 : i32
          %dma_wait3A_456 = tpu.memref_slice %arg15[%dma_wait3A_452, %dma_wait3A_454, %dma_wait3A_455] : memref<2x128x80xf32, #tpu.memory_space<vmem>> -> memref<1x128x80xf32, #tpu.memory_space<vmem>>
          %dma_wait3A_457 = tpu.memref_squeeze %dma_wait3A_456 : memref<1x128x80xf32, #tpu.memory_space<vmem>> -> memref<128x80xf32, #tpu.memory_space<vmem>>
          %dma_wait3A_458 = arith.constant 0 : i32
          %dma_wait3A_459 = tpu.memref_slice %arg13[%dma_wait3A_453, %dma_wait3A_458] : memref<2x128xi32, #tpu.memory_space<vmem>> -> memref<1x128xi32, #tpu.memory_space<vmem>>
          %dma_wait3A_460 = tpu.memref_squeeze %dma_wait3A_459 : memref<1x128xi32, #tpu.memory_space<vmem>> -> memref<128xi32, #tpu.memory_space<vmem>>
          %dma_wait3A_461 = arith.constant 0 : i32
          %dma_wait3A_462 = arith.constant 0 : i32
          %dma_wait3A_463 = tpu.memref_slice %arg6[%dma_wait3A_461, %dma_wait3A_462] : memref<262144x80xf32, #tpu.memory_space<hbm>> -> memref<262144x80xf32, #tpu.memory_space<hbm>>
          tpu.wait_indirect_dma semaphore(%arg19 : memref<!tpu.dma_semaphore, #tpu.memory_space<semaphore_mem>>) src(%dma_wait3A_457 : memref<128x80xf32, #tpu.memory_space<vmem>>) dst(%dma_wait3A_463 : memref<262144x80xf32, #tpu.memory_space<hbm>>)
        } else {
        }
        %add3A_314 = arith.constant 0 : i32
        %add3A_315 = arith.addi %mul3A_293, %add3A_314 : i32
        %add3A_316 = vector.broadcast %add3A_315 : i32 to vector<16xi32>
        %add3A_317 = arith.addi %add3A_316, %iota3A : vector<16xi32>
        %lt3A_318 = vector.broadcast %scan3A_47 : i32 to vector<16xi32>
        %lt3A_319 = arith.cmpi slt, %add3A_317, %lt3A_318 : vector<16xi32>
        %add3A_320 = vector.broadcast %add3A_42 : i32 to vector<16xi32>
        %add3A_321 = arith.addi %add3A_320, %add3A_317 : vector<16xi32>
        %jit3A_322 = arith.constant 262143 : i32
        %broadcast_in_dim3A_323 = vector.broadcast %jit3A_322 : i32 to vector<16xi32>
        %select_n3A_324 = arith.select %lt3A_319, %add3A_321, %broadcast_in_dim3A_323 : vector<16xi1>, vector<16xi32>
        %swap3A_325 = arith.constant 0 : i32
        %swap3A_326 = arith.index_cast %swap3A_325 : i32 to index
        %swap3A_327 = arith.constant 0 : index
        %swap3A_328 = tpu.vector_load %arg13[%swap3A_326, %swap3A_327] {strides = array<i32>} : memref<2x128xi32, #tpu.memory_space<vmem>>, vector<16xi32>,
        tpu.vector_store %arg13[%swap3A_326, %swap3A_327], %select_n3A_324 {strides = array<i32>} : memref<2x128xi32, #tpu.memory_space<vmem>>, vector<16xi32>,
        %add3A_329 = arith.constant 16 : i32
        %add3A_330 = arith.addi %mul3A_293, %add3A_329 : i32
        %add3A_331 = vector.broadcast %add3A_330 : i32 to vector<16xi32>
        %add3A_332 = arith.addi %add3A_331, %iota3A : vector<16xi32>
        %lt3A_333 = vector.broadcast %scan3A_47 : i32 to vector<16xi32>
        %lt3A_334 = arith.cmpi slt, %add3A_332, %lt3A_333 : vector<16xi32>
        %add3A_335 = vector.broadcast %add3A_42 : i32 to vector<16xi32>
        %add3A_336 = arith.addi %add3A_335, %add3A_332 : vector<16xi32>
        %jit3A_337 = arith.constant 262143 : i32
        %broadcast_in_dim3A_338 = vector.broadcast %jit3A_337 : i32 to vector<16xi32>
        %select_n3A_339 = arith.select %lt3A_334, %add3A_336, %broadcast_in_dim3A_338 : vector<16xi1>, vector<16xi32>
        %swap3A_340 = arith.constant 0 : i32
        %swap3A_341 = arith.index_cast %swap3A_340 : i32 to index
        %swap3A_342 = arith.constant 16 : index
        %swap3A_343 = tpu.vector_load %arg13[%swap3A_341, %swap3A_342] {strides = array<i32>} : memref<2x128xi32, #tpu.memory_space<vmem>>, vector<16xi32>,
        tpu.vector_store %arg13[%swap3A_341, %swap3A_342], %select_n3A_339 {strides = array<i32>} : memref<2x128xi32, #tpu.memory_space<vmem>>, vector<16xi32>,
        %add3A_344 = arith.constant 32 : i32
        %add3A_345 = arith.addi %mul3A_293, %add3A_344 : i32
        %add3A_346 = vector.broadcast %add3A_345 : i32 to vector<16xi32>
        %add3A_347 = arith.addi %add3A_346, %iota3A : vector<16xi32>
        %lt3A_348 = vector.broadcast %scan3A_47 : i32 to vector<16xi32>
        %lt3A_349 = arith.cmpi slt, %add3A_347, %lt3A_348 : vector<16xi32>
        %add3A_350 = vector.broadcast %add3A_42 : i32 to vector<16xi32>
        %add3A_351 = arith.addi %add3A_350, %add3A_347 : vector<16xi32>
        %jit3A_352 = arith.constant 262143 : i32
        %broadcast_in_dim3A_353 = vector.broadcast %jit3A_352 : i32 to vector<16xi32>
        %select_n3A_354 = arith.select %lt3A_349, %add3A_351, %broadcast_in_dim3A_353 : vector<16xi1>, vector<16xi32>
        %swap3A_355 = arith.constant 0 : i32
        %swap3A_356 = arith.index_cast %swap3A_355 : i32 to index
        %swap3A_357 = arith.constant 32 : index
        %swap3A_358 = tpu.vector_load %arg13[%swap3A_356, %swap3A_357] {strides = array<i32>} : memref<2x128xi32, #tpu.memory_space<vmem>>, vector<16xi32>,
        tpu.vector_store %arg13[%swap3A_356, %swap3A_357], %select_n3A_354 {strides = array<i32>} : memref<2x128xi32, #tpu.memory_space<vmem>>, vector<16xi32>,
        %add3A_359 = arith.constant 48 : i32
        %add3A_360 = arith.addi %mul3A_293, %add3A_359 : i32
        %add3A_361 = vector.broadcast %add3A_360 : i32 to vector<16xi32>
        %add3A_362 = arith.addi %add3A_361, %iota3A : vector<16xi32>
        %lt3A_363 = vector.broadcast %scan3A_47 : i32 to vector<16xi32>
        %lt3A_364 = arith.cmpi slt, %add3A_362, %lt3A_363 : vector<16xi32>
        %add3A_365 = vector.broadcast %add3A_42 : i32 to vector<16xi32>
        %add3A_366 = arith.addi %add3A_365, %add3A_362 : vector<16xi32>
        %jit3A_367 = arith.constant 262143 : i32
        %broadcast_in_dim3A_368 = vector.broadcast %jit3A_367 : i32 to vector<16xi32>
        %select_n3A_369 = arith.select %lt3A_364, %add3A_366, %broadcast_in_dim3A_368 : vector<16xi1>, vector<16xi32>
        %swap3A_370 = arith.constant 0 : i32
        %swap3A_371 = arith.index_cast %swap3A_370 : i32 to index
        %swap3A_372 = arith.constant 48 : index
        %swap3A_373 = tpu.vector_load %arg13[%swap3A_371, %swap3A_372] {strides = array<i32>} : memref<2x128xi32, #tpu.memory_space<vmem>>, vector<16xi32>,
        tpu.vector_store %arg13[%swap3A_371, %swap3A_372], %select_n3A_369 {strides = array<i32>} : memref<2x128xi32, #tpu.memory_space<vmem>>, vector<16xi32>,
        %add3A_374 = arith.constant 64 : i32
        %add3A_375 = arith.addi %mul3A_293, %add3A_374 : i32
        %add3A_376 = vector.broadcast %add3A_375 : i32 to vector<16xi32>
        %add3A_377 = arith.addi %add3A_376, %iota3A : vector<16xi32>
        %lt3A_378 = vector.broadcast %scan3A_47 : i32 to vector<16xi32>
        %lt3A_379 = arith.cmpi slt, %add3A_377, %lt3A_378 : vector<16xi32>
        %add3A_380 = vector.broadcast %add3A_42 : i32 to vector<16xi32>
        %add3A_381 = arith.addi %add3A_380, %add3A_377 : vector<16xi32>
        %jit3A_382 = arith.constant 262143 : i32
        %broadcast_in_dim3A_383 = vector.broadcast %jit3A_382 : i32 to vector<16xi32>
        %select_n3A_384 = arith.select %lt3A_379, %add3A_381, %broadcast_in_dim3A_383 : vector<16xi1>, vector<16xi32>
        %swap3A_385 = arith.constant 0 : i32
        %swap3A_386 = arith.index_cast %swap3A_385 : i32 to index
        %swap3A_387 = arith.constant 64 : index
        %swap3A_388 = tpu.vector_load %arg13[%swap3A_386, %swap3A_387] {strides = array<i32>} : memref<2x128xi32, #tpu.memory_space<vmem>>, vector<16xi32>,
        tpu.vector_store %arg13[%swap3A_386, %swap3A_387], %select_n3A_384 {strides = array<i32>} : memref<2x128xi32, #tpu.memory_space<vmem>>, vector<16xi32>,
        %add3A_389 = arith.constant 80 : i32
        %add3A_390 = arith.addi %mul3A_293, %add3A_389 : i32
        %add3A_391 = vector.broadcast %add3A_390 : i32 to vector<16xi32>
        %add3A_392 = arith.addi %add3A_391, %iota3A : vector<16xi32>
        %lt3A_393 = vector.broadcast %scan3A_47 : i32 to vector<16xi32>
        %lt3A_394 = arith.cmpi slt, %add3A_392, %lt3A_393 : vector<16xi32>
        %add3A_395 = vector.broadcast %add3A_42 : i32 to vector<16xi32>
        %add3A_396 = arith.addi %add3A_395, %add3A_392 : vector<16xi32>
        %jit3A_397 = arith.constant 262143 : i32
        %broadcast_in_dim3A_398 = vector.broadcast %jit3A_397 : i32 to vector<16xi32>
        %select_n3A_399 = arith.select %lt3A_394, %add3A_396, %broadcast_in_dim3A_398 : vector<16xi1>, vector<16xi32>
        %swap3A_400 = arith.constant 0 : i32
        %swap3A_401 = arith.index_cast %swap3A_400 : i32 to index
        %swap3A_402 = arith.constant 80 : index
        %swap3A_403 = tpu.vector_load %arg13[%swap3A_401, %swap3A_402] {strides = array<i32>} : memref<2x128xi32, #tpu.memory_space<vmem>>, vector<16xi32>,
        tpu.vector_store %arg13[%swap3A_401, %swap3A_402], %select_n3A_399 {strides = array<i32>} : memref<2x128xi32, #tpu.memory_space<vmem>>, vector<16xi32>,
        %add3A_404 = arith.constant 96 : i32
        %add3A_405 = arith.addi %mul3A_293, %add3A_404 : i32
        %add3A_406 = vector.broadcast %add3A_405 : i32 to vector<16xi32>
        %add3A_407 = arith.addi %add3A_406, %iota3A : vector<16xi32>
        %lt3A_408 = vector.broadcast %scan3A_47 : i32 to vector<16xi32>
        %lt3A_409 = arith.cmpi slt, %add3A_407, %lt3A_408 : vector<16xi32>
        %add3A_410 = vector.broadcast %add3A_42 : i32 to vector<16xi32>
        %add3A_411 = arith.addi %add3A_410, %add3A_407 : vector<16xi32>
        %jit3A_412 = arith.constant 262143 : i32
        %broadcast_in_dim3A_413 = vector.broadcast %jit3A_412 : i32 to vector<16xi32>
        %select_n3A_414 = arith.select %lt3A_409, %add3A_411, %broadcast_in_dim3A_413 : vector<16xi1>, vector<16xi32>
        %swap3A_415 = arith.constant 0 : i32
        %swap3A_416 = arith.index_cast %swap3A_415 : i32 to index
        %swap3A_417 = arith.constant 96 : index
        %swap3A_418 = tpu.vector_load %arg13[%swap3A_416, %swap3A_417] {strides = array<i32>} : memref<2x128xi32, #tpu.memory_space<vmem>>, vector<16xi32>,
        tpu.vector_store %arg13[%swap3A_416, %swap3A_417], %select_n3A_414 {strides = array<i32>} : memref<2x128xi32, #tpu.memory_space<vmem>>, vector<16xi32>,
        %add3A_419 = arith.constant 112 : i32
        %add3A_420 = arith.addi %mul3A_293, %add3A_419 : i32
        %add3A_421 = vector.broadcast %add3A_420 : i32 to vector<16xi32>
        %add3A_422 = arith.addi %add3A_421, %iota3A : vector<16xi32>
        %lt3A_423 = vector.broadcast %scan3A_47 : i32 to vector<16xi32>
        %lt3A_424 = arith.cmpi slt, %add3A_422, %lt3A_423 : vector<16xi32>
        %add3A_425 = vector.broadcast %add3A_42 : i32 to vector<16xi32>
        %add3A_426 = arith.addi %add3A_425, %add3A_422 : vector<16xi32>
        %jit3A_427 = arith.constant 262143 : i32
        %broadcast_in_dim3A_428 = vector.broadcast %jit3A_427 : i32 to vector<16xi32>
        %select_n3A_429 = arith.select %lt3A_424, %add3A_426, %broadcast_in_dim3A_428 : vector<16xi1>, vector<16xi32>
        %swap3A_430 = arith.constant 0 : i32
        %swap3A_431 = arith.index_cast %swap3A_430 : i32 to index
        %swap3A_432 = arith.constant 112 : index
        %swap3A_433 = tpu.vector_load %arg13[%swap3A_431, %swap3A_432] {strides = array<i32>} : memref<2x128xi32, #tpu.memory_space<vmem>>, vector<16xi32>,
        tpu.vector_store %arg13[%swap3A_431, %swap3A_432], %select_n3A_429 {strides = array<i32>} : memref<2x128xi32, #tpu.memory_space<vmem>>, vector<16xi32>,
        %scan3A_434 = arith.constant 0 : i32
        %scan3A_435 = arith.constant 0 : i32
        %scan3A_436 = arith.constant 128 : i32
        %scan3A_437 = arith.addi %scan3A_435, %scan3A_436 : i32
        %scan3A_438 = arith.constant 1 : i32
        %scan3A_439 = scf.for %scan3A_452 = %scan3A_435 to %scan3A_437 step %scan3A_438 iter_args(%scan3A_453 = %scan3A_434) -> (i32)  : i32 {
          %add3A_454 = arith.addi %mul3A_293, %scan3A_452 : i32
          %get3A = arith.index_cast %add3A_454 : i32 to index
          %get3A_455 = tpu.vector_load %arg11[%get3A] {strides = array<i32>} : memref<8336xi32, #tpu.memory_space<vmem>>, vector<16xi32>,
          %slice3A = vector.extract_strided_slice %get3A_455 {offsets = [0], sizes = [1], strides = [1]} : vector<16xi32> to vector<1xi32>
          %squeeze3A = vector.extract %slice3A[0] : i32 from vector<1xi32>
          %add3A_456 = arith.addi %mul3A_293, %scan3A_452 : i32
          %get3A_457 = arith.index_cast %add3A_456 : i32 to index
          %get3A_458 = tpu.vector_load %arg12[%get3A_457] {strides = array<i32>} : memref<8336xf32, #tpu.memory_space<vmem>>, vector<16xf32>,
          %slice3A_459 = vector.extract_strided_slice %get3A_458 {offsets = [0], sizes = [1], strides = [1]} : vector<16xf32> to vector<1xf32>
          %squeeze3A_460 = vector.extract %slice3A_459[0] : f32 from vector<1xf32>
          %broadcast_in_dim3A_461 = vector.broadcast %scan3A_452 : i32 to vector<16xi32>
          %add3A_462 = vector.broadcast %squeeze3A : i32 to vector<16xi32>
          %add3A_463 = arith.addi %add3A_462, %and3A_2 : vector<16xi32>
          %gather3A_464 = arith.constant 0 : i32
          %gather3A_465 = arith.constant 0 : i32
          %gather3A_466 = arith.constant 0 : i32
          %gather3A_467 = tpu.memref_slice %arg14[%gather3A_464, %gather3A_465, %gather3A_466] : memref<2x128x16xf32, #tpu.memory_space<vmem>> -> memref<1x128x16xf32, #tpu.memory_space<vmem>>
          %gather3A_468 = tpu.memref_squeeze %gather3A_467 : memref<1x128x16xf32, #tpu.memory_space<vmem>> -> memref<128x16xf32, #tpu.memory_space<vmem>>
          %gather3A_469 = tpu.vector_load_idx %gather3A_468[%broadcast_in_dim3A_461, %add3A_463] : memref<128x16xf32, #tpu.memory_space<vmem>>[vector<16xi32>, vector<16xi32>], vector<16xf32>,
          %mul3A_470 = vector.broadcast %squeeze3A_460 : f32 to vector<16xf32>
          %mul3A_471 = arith.mulf %gather3A_469, %mul3A_470 : vector<16xf32>
          %add3A_472 = arith.constant 0 : i32
          %add3A_473 = vector.broadcast %add3A_472 : i32 to vector<16xi32>
          %add3A_474 = arith.addi %add3A_473, %iota3A : vector<16xi32>
          %scatter3A = arith.constant 0 : i32
          %scatter3A_475 = arith.constant 0 : i32
          %scatter3A_476 = arith.constant 0 : i32
          %scatter3A_477 = tpu.memref_slice %arg15[%scatter3A, %scatter3A_475, %scatter3A_476] : memref<2x128x80xf32, #tpu.memory_space<vmem>> -> memref<1x128x80xf32, #tpu.memory_space<vmem>>
          %scatter3A_478 = tpu.memref_squeeze %scatter3A_477 : memref<1x128x80xf32, #tpu.memory_space<vmem>> -> memref<128x80xf32, #tpu.memory_space<vmem>>
          tpu.vector_store_idx %scatter3A_478[%broadcast_in_dim3A_461, %add3A_474], %mul3A_471 : memref<128x80xf32, #tpu.memory_space<vmem>>[vector<16xi32>, vector<16xi32>], vector<16xf32>,
          %add3A_479 = arith.constant 16 : i32
          %add3A_480 = vector.broadcast %add3A_479 : i32 to vector<16xi32>
          %add3A_481 = arith.addi %add3A_480, %iota3A : vector<16xi32>
          %scatter3A_482 = arith.constant 0 : i32
          %scatter3A_483 = arith.constant 0 : i32
          %scatter3A_484 = arith.constant 0 : i32
          %scatter3A_485 = tpu.memref_slice %arg15[%scatter3A_482, %scatter3A_483, %scatter3A_484] : memref<2x128x80xf32, #tpu.memory_space<vmem>> -> memref<1x128x80xf32, #tpu.memory_space<vmem>>
          %scatter3A_486 = tpu.memref_squeeze %scatter3A_485 : memref<1x128x80xf32, #tpu.memory_space<vmem>> -> memref<128x80xf32, #tpu.memory_space<vmem>>
          tpu.vector_store_idx %scatter3A_486[%broadcast_in_dim3A_461, %add3A_481], %mul3A_471 : memref<128x80xf32, #tpu.memory_space<vmem>>[vector<16xi32>, vector<16xi32>], vector<16xf32>,
          %add3A_487 = arith.constant 32 : i32
          %add3A_488 = vector.broadcast %add3A_487 : i32 to vector<16xi32>
          %add3A_489 = arith.addi %add3A_488, %iota3A : vector<16xi32>
          %scatter3A_490 = arith.constant 0 : i32
          %scatter3A_491 = arith.constant 0 : i32
          %scatter3A_492 = arith.constant 0 : i32
          %scatter3A_493 = tpu.memref_slice %arg15[%scatter3A_490, %scatter3A_491, %scatter3A_492] : memref<2x128x80xf32, #tpu.memory_space<vmem>> -> memref<1x128x80xf32, #tpu.memory_space<vmem>>
          %scatter3A_494 = tpu.memref_squeeze %scatter3A_493 : memref<1x128x80xf32, #tpu.memory_space<vmem>> -> memref<128x80xf32, #tpu.memory_space<vmem>>
          tpu.vector_store_idx %scatter3A_494[%broadcast_in_dim3A_461, %add3A_489], %mul3A_471 : memref<128x80xf32, #tpu.memory_space<vmem>>[vector<16xi32>, vector<16xi32>], vector<16xf32>,
          %add3A_495 = arith.constant 48 : i32
          %add3A_496 = vector.broadcast %add3A_495 : i32 to vector<16xi32>
          %add3A_497 = arith.addi %add3A_496, %iota3A : vector<16xi32>
          %scatter3A_498 = arith.constant 0 : i32
          %scatter3A_499 = arith.constant 0 : i32
          %scatter3A_500 = arith.constant 0 : i32
          %scatter3A_501 = tpu.memref_slice %arg15[%scatter3A_498, %scatter3A_499, %scatter3A_500] : memref<2x128x80xf32, #tpu.memory_space<vmem>> -> memref<1x128x80xf32, #tpu.memory_space<vmem>>
          %scatter3A_502 = tpu.memref_squeeze %scatter3A_501 : memref<1x128x80xf32, #tpu.memory_space<vmem>> -> memref<128x80xf32, #tpu.memory_space<vmem>>
          tpu.vector_store_idx %scatter3A_502[%broadcast_in_dim3A_461, %add3A_497], %mul3A_471 : memref<128x80xf32, #tpu.memory_space<vmem>>[vector<16xi32>, vector<16xi32>], vector<16xf32>,
          %add3A_503 = arith.constant 64 : i32
          %add3A_504 = vector.broadcast %add3A_503 : i32 to vector<16xi32>
          %add3A_505 = arith.addi %add3A_504, %iota3A : vector<16xi32>
          %scatter3A_506 = arith.constant 0 : i32
          %scatter3A_507 = arith.constant 0 : i32
          %scatter3A_508 = arith.constant 0 : i32
          %scatter3A_509 = tpu.memref_slice %arg15[%scatter3A_506, %scatter3A_507, %scatter3A_508] : memref<2x128x80xf32, #tpu.memory_space<vmem>> -> memref<1x128x80xf32, #tpu.memory_space<vmem>>
          %scatter3A_510 = tpu.memref_squeeze %scatter3A_509 : memref<1x128x80xf32, #tpu.memory_space<vmem>> -> memref<128x80xf32, #tpu.memory_space<vmem>>
          tpu.vector_store_idx %scatter3A_510[%broadcast_in_dim3A_461, %add3A_505], %mul3A_471 : memref<128x80xf32, #tpu.memory_space<vmem>>[vector<16xi32>, vector<16xi32>], vector<16xf32>,
          %scan3A_511 = arith.constant 0 : i32
          scf.yield %scan3A_511 : i32
        }
        %scan3A_440 = arith.constant 128 : i32
        %dma_start3A = arith.constant 0 : i32
        %dma_start3A_441 = arith.constant 0 : i32
        %dma_start3A_442 = arith.constant 0 : i32
        %dma_start3A_443 = arith.constant 0 : i32
        %dma_start3A_444 = tpu.memref_slice %arg15[%dma_start3A, %dma_start3A_442, %dma_start3A_443] : memref<2x128x80xf32, #tpu.memory_space<vmem>> -> memref<1x128x80xf32, #tpu.memory_space<vmem>>
        %dma_start3A_445 = tpu.memref_squeeze %dma_start3A_444 : memref<1x128x80xf32, #tpu.memory_space<vmem>> -> memref<128x80xf32, #tpu.memory_space<vmem>>
        %dma_start3A_446 = arith.constant 0 : i32
        %dma_start3A_447 = tpu.memref_slice %arg13[%dma_start3A_441, %dma_start3A_446] : memref<2x128xi32, #tpu.memory_space<vmem>> -> memref<1x128xi32, #tpu.memory_space<vmem>>
        %dma_start3A_448 = tpu.memref_squeeze %dma_start3A_447 : memref<1x128xi32, #tpu.memory_space<vmem>> -> memref<128xi32, #tpu.memory_space<vmem>>
        %dma_start3A_449 = arith.constant 0 : i32
        %dma_start3A_450 = arith.constant 0 : i32
        %dma_start3A_451 = tpu.memref_slice %arg6[%dma_start3A_449, %dma_start3A_450] : memref<262144x80xf32, #tpu.memory_space<hbm>> -> memref<262144x80xf32, #tpu.memory_space<hbm>>
        tpu.enqueue_indirect_dma source(%dma_start3A_445 : memref<128x80xf32, #tpu.memory_space<vmem>>) target(%dma_start3A_451 : memref<262144x80xf32, #tpu.memory_space<hbm>>) offsets(%dma_start3A_448 : memref<128xi32, #tpu.memory_space<vmem>>) semaphore(%arg19 : memref<!tpu.dma_semaphore, #tpu.memory_space<semaphore_mem>>)
      } else {
      }
      %mul3A_283 = arith.constant 2 : i32
      %mul3A_284 = arith.muli %mul3A_283, %while3A_273 : i32
      %add3A_285 = arith.constant 1 : i32
      %add3A_286 = arith.addi %mul3A_284, %add3A_285 : i32
      %lt3A_287 = arith.cmpi slt, %add3A_286, %select_n3A_171 : i32
      %convert_element_type3A_288 = arith.extui %lt3A_287 : i1 to i32
      %cond3A_289 = arith.constant 0 : i32
      %cond3A_290 = arith.cmpi ne, %convert_element_type3A_288, %cond3A_289 : i32
      scf.if %cond3A_290 {
        %mul3A_292 = arith.constant 128 : i32
        %mul3A_293 = arith.muli %add3A_286, %mul3A_292 : i32
        %mul3A_294 = arith.constant 128 : i32
        %mul3A_295 = arith.muli %add3A_286, %mul3A_294 : i32
        %dma_wait3A = arith.constant 1 : i32
        %dma_wait3A_296 = arith.constant 0 : i32
        %dma_wait3A_297 = arith.constant 0 : i32
        %dma_wait3A_298 = tpu.memref_slice %arg14[%dma_wait3A, %dma_wait3A_296, %dma_wait3A_297] : memref<2x128x16xf32, #tpu.memory_space<vmem>> -> memref<1x128x16xf32, #tpu.memory_space<vmem>>
        %dma_wait3A_299 = tpu.memref_squeeze %dma_wait3A_298 : memref<1x128x16xf32, #tpu.memory_space<vmem>> -> memref<128x16xf32, #tpu.memory_space<vmem>>
        %dma_wait3A_300 = tpu.memref_slice %arg10[%mul3A_295] : memref<8336xi32, #tpu.memory_space<vmem>> -> memref<128xi32, #tpu.memory_space<vmem>>
        %dma_wait3A_301 = arith.constant 0 : i32
        %dma_wait3A_302 = arith.constant 0 : i32
        %dma_wait3A_303 = tpu.memref_slice %arg5[%dma_wait3A_301, %dma_wait3A_302] : memref<50000x16xf32, #tpu.memory_space<hbm>> -> memref<50000x16xf32, #tpu.memory_space<hbm>>
        tpu.wait_indirect_dma semaphore(%arg18 : memref<!tpu.dma_semaphore, #tpu.memory_space<semaphore_mem>>) src(%dma_wait3A_303 : memref<50000x16xf32, #tpu.memory_space<hbm>>) dst(%dma_wait3A_299 : memref<128x16xf32, #tpu.memory_space<vmem>>)
        %add3A_304 = arith.constant 1 : i32
        %add3A_305 = arith.addi %add3A_286, %add3A_304 : i32
        %lt3A_306 = arith.cmpi slt, %add3A_305, %select_n3A_171 : i32
        %convert_element_type3A_307 = arith.extui %lt3A_306 : i1 to i32
        %cond3A_308 = arith.constant 0 : i32
        %cond3A_309 = arith.cmpi ne, %convert_element_type3A_307, %cond3A_308 : i32
        scf.if %cond3A_309 {
          %add3A_452 = arith.constant 1 : i32
          %add3A_453 = arith.addi %add3A_286, %add3A_452 : i32
          %mul3A_454 = arith.constant 128 : i32
          %mul3A_455 = arith.muli %add3A_453, %mul3A_454 : i32
          %dma_start3A_456 = arith.constant 0 : i32
          %dma_start3A_457 = arith.constant 0 : i32
          %dma_start3A_458 = arith.constant 0 : i32
          %dma_start3A_459 = tpu.memref_slice %arg14[%dma_start3A_456, %dma_start3A_457, %dma_start3A_458] : memref<2x128x16xf32, #tpu.memory_space<vmem>> -> memref<1x128x16xf32, #tpu.memory_space<vmem>>
          %dma_start3A_460 = tpu.memref_squeeze %dma_start3A_459 : memref<1x128x16xf32, #tpu.memory_space<vmem>> -> memref<128x16xf32, #tpu.memory_space<vmem>>
          %dma_start3A_461 = tpu.memref_slice %arg10[%mul3A_455] : memref<8336xi32, #tpu.memory_space<vmem>> -> memref<128xi32, #tpu.memory_space<vmem>>
          %dma_start3A_462 = arith.constant 0 : i32
          %dma_start3A_463 = arith.constant 0 : i32
          %dma_start3A_464 = tpu.memref_slice %arg5[%dma_start3A_462, %dma_start3A_463] : memref<50000x16xf32, #tpu.memory_space<hbm>> -> memref<50000x16xf32, #tpu.memory_space<hbm>>
          tpu.enqueue_indirect_dma source(%dma_start3A_464 : memref<50000x16xf32, #tpu.memory_space<hbm>>) target(%dma_start3A_460 : memref<128x16xf32, #tpu.memory_space<vmem>>) offsets(%dma_start3A_461 : memref<128xi32, #tpu.memory_space<vmem>>) semaphore(%arg17 : memref<!tpu.dma_semaphore, #tpu.memory_space<semaphore_mem>>)
        } else {
        }
        %ge3A = arith.constant 2 : i32
        %ge3A_310 = arith.cmpi sge, %add3A_286, %ge3A : i32
        %convert_element_type3A_311 = arith.extui %ge3A_310 : i1 to i32
        %cond3A_312 = arith.constant 0 : i32
        %cond3A_313 = arith.cmpi ne, %convert_element_type3A_311, %cond3A_312 : i32
        scf.if %cond3A_313 {
          %dma_wait3A_452 = arith.constant 1 : i32
          %dma_wait3A_453 = arith.constant 1 : i32
          %dma_wait3A_454 = arith.constant 0 : i32
          %dma_wait3A_455 = arith.constant 0 : i32
          %dma_wait3A_456 = tpu.memref_slice %arg15[%dma_wait3A_452, %dma_wait3A_454, %dma_wait3A_455] : memref<2x128x80xf32, #tpu.memory_space<vmem>> -> memref<1x128x80xf32, #tpu.memory_space<vmem>>
          %dma_wait3A_457 = tpu.memref_squeeze %dma_wait3A_456 : memref<1x128x80xf32, #tpu.memory_space<vmem>> -> memref<128x80xf32, #tpu.memory_space<vmem>>
          %dma_wait3A_458 = arith.constant 0 : i32
          %dma_wait3A_459 = tpu.memref_slice %arg13[%dma_wait3A_453, %dma_wait3A_458] : memref<2x128xi32, #tpu.memory_space<vmem>> -> memref<1x128xi32, #tpu.memory_space<vmem>>
          %dma_wait3A_460 = tpu.memref_squeeze %dma_wait3A_459 : memref<1x128xi32, #tpu.memory_space<vmem>> -> memref<128xi32, #tpu.memory_space<vmem>>
          %dma_wait3A_461 = arith.constant 0 : i32
          %dma_wait3A_462 = arith.constant 0 : i32
          %dma_wait3A_463 = tpu.memref_slice %arg6[%dma_wait3A_461, %dma_wait3A_462] : memref<262144x80xf32, #tpu.memory_space<hbm>> -> memref<262144x80xf32, #tpu.memory_space<hbm>>
          tpu.wait_indirect_dma semaphore(%arg20 : memref<!tpu.dma_semaphore, #tpu.memory_space<semaphore_mem>>) src(%dma_wait3A_457 : memref<128x80xf32, #tpu.memory_space<vmem>>) dst(%dma_wait3A_463 : memref<262144x80xf32, #tpu.memory_space<hbm>>)
        } else {
        }
        %add3A_314 = arith.constant 0 : i32
        %add3A_315 = arith.addi %mul3A_293, %add3A_314 : i32
        %add3A_316 = vector.broadcast %add3A_315 : i32 to vector<16xi32>
        %add3A_317 = arith.addi %add3A_316, %iota3A : vector<16xi32>
        %lt3A_318 = vector.broadcast %scan3A_47 : i32 to vector<16xi32>
        %lt3A_319 = arith.cmpi slt, %add3A_317, %lt3A_318 : vector<16xi32>
        %add3A_320 = vector.broadcast %add3A_42 : i32 to vector<16xi32>
        %add3A_321 = arith.addi %add3A_320, %add3A_317 : vector<16xi32>
        %jit3A_322 = arith.constant 262143 : i32
        %broadcast_in_dim3A_323 = vector.broadcast %jit3A_322 : i32 to vector<16xi32>
        %select_n3A_324 = arith.select %lt3A_319, %add3A_321, %broadcast_in_dim3A_323 : vector<16xi1>, vector<16xi32>
        %swap3A_325 = arith.constant 1 : i32
        %swap3A_326 = arith.index_cast %swap3A_325 : i32 to index
        %swap3A_327 = arith.constant 0 : index
        %swap3A_328 = tpu.vector_load %arg13[%swap3A_326, %swap3A_327] {strides = array<i32>} : memref<2x128xi32, #tpu.memory_space<vmem>>, vector<16xi32>,
        tpu.vector_store %arg13[%swap3A_326, %swap3A_327], %select_n3A_324 {strides = array<i32>} : memref<2x128xi32, #tpu.memory_space<vmem>>, vector<16xi32>,
        %add3A_329 = arith.constant 16 : i32
        %add3A_330 = arith.addi %mul3A_293, %add3A_329 : i32
        %add3A_331 = vector.broadcast %add3A_330 : i32 to vector<16xi32>
        %add3A_332 = arith.addi %add3A_331, %iota3A : vector<16xi32>
        %lt3A_333 = vector.broadcast %scan3A_47 : i32 to vector<16xi32>
        %lt3A_334 = arith.cmpi slt, %add3A_332, %lt3A_333 : vector<16xi32>
        %add3A_335 = vector.broadcast %add3A_42 : i32 to vector<16xi32>
        %add3A_336 = arith.addi %add3A_335, %add3A_332 : vector<16xi32>
        %jit3A_337 = arith.constant 262143 : i32
        %broadcast_in_dim3A_338 = vector.broadcast %jit3A_337 : i32 to vector<16xi32>
        %select_n3A_339 = arith.select %lt3A_334, %add3A_336, %broadcast_in_dim3A_338 : vector<16xi1>, vector<16xi32>
        %swap3A_340 = arith.constant 1 : i32
        %swap3A_341 = arith.index_cast %swap3A_340 : i32 to index
        %swap3A_342 = arith.constant 16 : index
        %swap3A_343 = tpu.vector_load %arg13[%swap3A_341, %swap3A_342] {strides = array<i32>} : memref<2x128xi32, #tpu.memory_space<vmem>>, vector<16xi32>,
        tpu.vector_store %arg13[%swap3A_341, %swap3A_342], %select_n3A_339 {strides = array<i32>} : memref<2x128xi32, #tpu.memory_space<vmem>>, vector<16xi32>,
        %add3A_344 = arith.constant 32 : i32
        %add3A_345 = arith.addi %mul3A_293, %add3A_344 : i32
        %add3A_346 = vector.broadcast %add3A_345 : i32 to vector<16xi32>
        %add3A_347 = arith.addi %add3A_346, %iota3A : vector<16xi32>
        %lt3A_348 = vector.broadcast %scan3A_47 : i32 to vector<16xi32>
        %lt3A_349 = arith.cmpi slt, %add3A_347, %lt3A_348 : vector<16xi32>
        %add3A_350 = vector.broadcast %add3A_42 : i32 to vector<16xi32>
        %add3A_351 = arith.addi %add3A_350, %add3A_347 : vector<16xi32>
        %jit3A_352 = arith.constant 262143 : i32
        %broadcast_in_dim3A_353 = vector.broadcast %jit3A_352 : i32 to vector<16xi32>
        %select_n3A_354 = arith.select %lt3A_349, %add3A_351, %broadcast_in_dim3A_353 : vector<16xi1>, vector<16xi32>
        %swap3A_355 = arith.constant 1 : i32
        %swap3A_356 = arith.index_cast %swap3A_355 : i32 to index
        %swap3A_357 = arith.constant 32 : index
        %swap3A_358 = tpu.vector_load %arg13[%swap3A_356, %swap3A_357] {strides = array<i32>} : memref<2x128xi32, #tpu.memory_space<vmem>>, vector<16xi32>,
        tpu.vector_store %arg13[%swap3A_356, %swap3A_357], %select_n3A_354 {strides = array<i32>} : memref<2x128xi32, #tpu.memory_space<vmem>>, vector<16xi32>,
        %add3A_359 = arith.constant 48 : i32
        %add3A_360 = arith.addi %mul3A_293, %add3A_359 : i32
        %add3A_361 = vector.broadcast %add3A_360 : i32 to vector<16xi32>
        %add3A_362 = arith.addi %add3A_361, %iota3A : vector<16xi32>
        %lt3A_363 = vector.broadcast %scan3A_47 : i32 to vector<16xi32>
        %lt3A_364 = arith.cmpi slt, %add3A_362, %lt3A_363 : vector<16xi32>
        %add3A_365 = vector.broadcast %add3A_42 : i32 to vector<16xi32>
        %add3A_366 = arith.addi %add3A_365, %add3A_362 : vector<16xi32>
        %jit3A_367 = arith.constant 262143 : i32
        %broadcast_in_dim3A_368 = vector.broadcast %jit3A_367 : i32 to vector<16xi32>
        %select_n3A_369 = arith.select %lt3A_364, %add3A_366, %broadcast_in_dim3A_368 : vector<16xi1>, vector<16xi32>
        %swap3A_370 = arith.constant 1 : i32
        %swap3A_371 = arith.index_cast %swap3A_370 : i32 to index
        %swap3A_372 = arith.constant 48 : index
        %swap3A_373 = tpu.vector_load %arg13[%swap3A_371, %swap3A_372] {strides = array<i32>} : memref<2x128xi32, #tpu.memory_space<vmem>>, vector<16xi32>,
        tpu.vector_store %arg13[%swap3A_371, %swap3A_372], %select_n3A_369 {strides = array<i32>} : memref<2x128xi32, #tpu.memory_space<vmem>>, vector<16xi32>,
        %add3A_374 = arith.constant 64 : i32
        %add3A_375 = arith.addi %mul3A_293, %add3A_374 : i32
        %add3A_376 = vector.broadcast %add3A_375 : i32 to vector<16xi32>
        %add3A_377 = arith.addi %add3A_376, %iota3A : vector<16xi32>
        %lt3A_378 = vector.broadcast %scan3A_47 : i32 to vector<16xi32>
        %lt3A_379 = arith.cmpi slt, %add3A_377, %lt3A_378 : vector<16xi32>
        %add3A_380 = vector.broadcast %add3A_42 : i32 to vector<16xi32>
        %add3A_381 = arith.addi %add3A_380, %add3A_377 : vector<16xi32>
        %jit3A_382 = arith.constant 262143 : i32
        %broadcast_in_dim3A_383 = vector.broadcast %jit3A_382 : i32 to vector<16xi32>
        %select_n3A_384 = arith.select %lt3A_379, %add3A_381, %broadcast_in_dim3A_383 : vector<16xi1>, vector<16xi32>
        %swap3A_385 = arith.constant 1 : i32
        %swap3A_386 = arith.index_cast %swap3A_385 : i32 to index
        %swap3A_387 = arith.constant 64 : index
        %swap3A_388 = tpu.vector_load %arg13[%swap3A_386, %swap3A_387] {strides = array<i32>} : memref<2x128xi32, #tpu.memory_space<vmem>>, vector<16xi32>,
        tpu.vector_store %arg13[%swap3A_386, %swap3A_387], %select_n3A_384 {strides = array<i32>} : memref<2x128xi32, #tpu.memory_space<vmem>>, vector<16xi32>,
        %add3A_389 = arith.constant 80 : i32
        %add3A_390 = arith.addi %mul3A_293, %add3A_389 : i32
        %add3A_391 = vector.broadcast %add3A_390 : i32 to vector<16xi32>
        %add3A_392 = arith.addi %add3A_391, %iota3A : vector<16xi32>
        %lt3A_393 = vector.broadcast %scan3A_47 : i32 to vector<16xi32>
        %lt3A_394 = arith.cmpi slt, %add3A_392, %lt3A_393 : vector<16xi32>
        %add3A_395 = vector.broadcast %add3A_42 : i32 to vector<16xi32>
        %add3A_396 = arith.addi %add3A_395, %add3A_392 : vector<16xi32>
        %jit3A_397 = arith.constant 262143 : i32
        %broadcast_in_dim3A_398 = vector.broadcast %jit3A_397 : i32 to vector<16xi32>
        %select_n3A_399 = arith.select %lt3A_394, %add3A_396, %broadcast_in_dim3A_398 : vector<16xi1>, vector<16xi32>
        %swap3A_400 = arith.constant 1 : i32
        %swap3A_401 = arith.index_cast %swap3A_400 : i32 to index
        %swap3A_402 = arith.constant 80 : index
        %swap3A_403 = tpu.vector_load %arg13[%swap3A_401, %swap3A_402] {strides = array<i32>} : memref<2x128xi32, #tpu.memory_space<vmem>>, vector<16xi32>,
        tpu.vector_store %arg13[%swap3A_401, %swap3A_402], %select_n3A_399 {strides = array<i32>} : memref<2x128xi32, #tpu.memory_space<vmem>>, vector<16xi32>,
        %add3A_404 = arith.constant 96 : i32
        %add3A_405 = arith.addi %mul3A_293, %add3A_404 : i32
        %add3A_406 = vector.broadcast %add3A_405 : i32 to vector<16xi32>
        %add3A_407 = arith.addi %add3A_406, %iota3A : vector<16xi32>
        %lt3A_408 = vector.broadcast %scan3A_47 : i32 to vector<16xi32>
        %lt3A_409 = arith.cmpi slt, %add3A_407, %lt3A_408 : vector<16xi32>
        %add3A_410 = vector.broadcast %add3A_42 : i32 to vector<16xi32>
        %add3A_411 = arith.addi %add3A_410, %add3A_407 : vector<16xi32>
        %jit3A_412 = arith.constant 262143 : i32
        %broadcast_in_dim3A_413 = vector.broadcast %jit3A_412 : i32 to vector<16xi32>
        %select_n3A_414 = arith.select %lt3A_409, %add3A_411, %broadcast_in_dim3A_413 : vector<16xi1>, vector<16xi32>
        %swap3A_415 = arith.constant 1 : i32
        %swap3A_416 = arith.index_cast %swap3A_415 : i32 to index
        %swap3A_417 = arith.constant 96 : index
        %swap3A_418 = tpu.vector_load %arg13[%swap3A_416, %swap3A_417] {strides = array<i32>} : memref<2x128xi32, #tpu.memory_space<vmem>>, vector<16xi32>,
        tpu.vector_store %arg13[%swap3A_416, %swap3A_417], %select_n3A_414 {strides = array<i32>} : memref<2x128xi32, #tpu.memory_space<vmem>>, vector<16xi32>,
        %add3A_419 = arith.constant 112 : i32
        %add3A_420 = arith.addi %mul3A_293, %add3A_419 : i32
        %add3A_421 = vector.broadcast %add3A_420 : i32 to vector<16xi32>
        %add3A_422 = arith.addi %add3A_421, %iota3A : vector<16xi32>
        %lt3A_423 = vector.broadcast %scan3A_47 : i32 to vector<16xi32>
        %lt3A_424 = arith.cmpi slt, %add3A_422, %lt3A_423 : vector<16xi32>
        %add3A_425 = vector.broadcast %add3A_42 : i32 to vector<16xi32>
        %add3A_426 = arith.addi %add3A_425, %add3A_422 : vector<16xi32>
        %jit3A_427 = arith.constant 262143 : i32
        %broadcast_in_dim3A_428 = vector.broadcast %jit3A_427 : i32 to vector<16xi32>
        %select_n3A_429 = arith.select %lt3A_424, %add3A_426, %broadcast_in_dim3A_428 : vector<16xi1>, vector<16xi32>
        %swap3A_430 = arith.constant 1 : i32
        %swap3A_431 = arith.index_cast %swap3A_430 : i32 to index
        %swap3A_432 = arith.constant 112 : index
        %swap3A_433 = tpu.vector_load %arg13[%swap3A_431, %swap3A_432] {strides = array<i32>} : memref<2x128xi32, #tpu.memory_space<vmem>>, vector<16xi32>,
        tpu.vector_store %arg13[%swap3A_431, %swap3A_432], %select_n3A_429 {strides = array<i32>} : memref<2x128xi32, #tpu.memory_space<vmem>>, vector<16xi32>,
        %scan3A_434 = arith.constant 0 : i32
        %scan3A_435 = arith.constant 0 : i32
        %scan3A_436 = arith.constant 128 : i32
        %scan3A_437 = arith.addi %scan3A_435, %scan3A_436 : i32
        %scan3A_438 = arith.constant 1 : i32
        %scan3A_439 = scf.for %scan3A_452 = %scan3A_435 to %scan3A_437 step %scan3A_438 iter_args(%scan3A_453 = %scan3A_434) -> (i32)  : i32 {
          %add3A_454 = arith.addi %mul3A_293, %scan3A_452 : i32
          %get3A = arith.index_cast %add3A_454 : i32 to index
          %get3A_455 = tpu.vector_load %arg11[%get3A] {strides = array<i32>} : memref<8336xi32, #tpu.memory_space<vmem>>, vector<16xi32>,
          %slice3A = vector.extract_strided_slice %get3A_455 {offsets = [0], sizes = [1], strides = [1]} : vector<16xi32> to vector<1xi32>
          %squeeze3A = vector.extract %slice3A[0] : i32 from vector<1xi32>
          %add3A_456 = arith.addi %mul3A_293, %scan3A_452 : i32
          %get3A_457 = arith.index_cast %add3A_456 : i32 to index
          %get3A_458 = tpu.vector_load %arg12[%get3A_457] {strides = array<i32>} : memref<8336xf32, #tpu.memory_space<vmem>>, vector<16xf32>,
          %slice3A_459 = vector.extract_strided_slice %get3A_458 {offsets = [0], sizes = [1], strides = [1]} : vector<16xf32> to vector<1xf32>
          %squeeze3A_460 = vector.extract %slice3A_459[0] : f32 from vector<1xf32>
          %broadcast_in_dim3A_461 = vector.broadcast %scan3A_452 : i32 to vector<16xi32>
          %add3A_462 = vector.broadcast %squeeze3A : i32 to vector<16xi32>
          %add3A_463 = arith.addi %add3A_462, %and3A_2 : vector<16xi32>
          %gather3A_464 = arith.constant 1 : i32
          %gather3A_465 = arith.constant 0 : i32
          %gather3A_466 = arith.constant 0 : i32
          %gather3A_467 = tpu.memref_slice %arg14[%gather3A_464, %gather3A_465, %gather3A_466] : memref<2x128x16xf32, #tpu.memory_space<vmem>> -> memref<1x128x16xf32, #tpu.memory_space<vmem>>
          %gather3A_468 = tpu.memref_squeeze %gather3A_467 : memref<1x128x16xf32, #tpu.memory_space<vmem>> -> memref<128x16xf32, #tpu.memory_space<vmem>>
          %gather3A_469 = tpu.vector_load_idx %gather3A_468[%broadcast_in_dim3A_461, %add3A_463] : memref<128x16xf32, #tpu.memory_space<vmem>>[vector<16xi32>, vector<16xi32>], vector<16xf32>,
          %mul3A_470 = vector.broadcast %squeeze3A_460 : f32 to vector<16xf32>
          %mul3A_471 = arith.mulf %gather3A_469, %mul3A_470 : vector<16xf32>
          %add3A_472 = arith.constant 0 : i32
          %add3A_473 = vector.broadcast %add3A_472 : i32 to vector<16xi32>
          %add3A_474 = arith.addi %add3A_473, %iota3A : vector<16xi32>
          %scatter3A = arith.constant 1 : i32
          %scatter3A_475 = arith.constant 0 : i32
          %scatter3A_476 = arith.constant 0 : i32
          %scatter3A_477 = tpu.memref_slice %arg15[%scatter3A, %scatter3A_475, %scatter3A_476] : memref<2x128x80xf32, #tpu.memory_space<vmem>> -> memref<1x128x80xf32, #tpu.memory_space<vmem>>
          %scatter3A_478 = tpu.memref_squeeze %scatter3A_477 : memref<1x128x80xf32, #tpu.memory_space<vmem>> -> memref<128x80xf32, #tpu.memory_space<vmem>>
          tpu.vector_store_idx %scatter3A_478[%broadcast_in_dim3A_461, %add3A_474], %mul3A_471 : memref<128x80xf32, #tpu.memory_space<vmem>>[vector<16xi32>, vector<16xi32>], vector<16xf32>,
          %add3A_479 = arith.constant 16 : i32
          %add3A_480 = vector.broadcast %add3A_479 : i32 to vector<16xi32>
          %add3A_481 = arith.addi %add3A_480, %iota3A : vector<16xi32>
          %scatter3A_482 = arith.constant 1 : i32
          %scatter3A_483 = arith.constant 0 : i32
          %scatter3A_484 = arith.constant 0 : i32
          %scatter3A_485 = tpu.memref_slice %arg15[%scatter3A_482, %scatter3A_483, %scatter3A_484] : memref<2x128x80xf32, #tpu.memory_space<vmem>> -> memref<1x128x80xf32, #tpu.memory_space<vmem>>
          %scatter3A_486 = tpu.memref_squeeze %scatter3A_485 : memref<1x128x80xf32, #tpu.memory_space<vmem>> -> memref<128x80xf32, #tpu.memory_space<vmem>>
          tpu.vector_store_idx %scatter3A_486[%broadcast_in_dim3A_461, %add3A_481], %mul3A_471 : memref<128x80xf32, #tpu.memory_space<vmem>>[vector<16xi32>, vector<16xi32>], vector<16xf32>,
          %add3A_487 = arith.constant 32 : i32
          %add3A_488 = vector.broadcast %add3A_487 : i32 to vector<16xi32>
          %add3A_489 = arith.addi %add3A_488, %iota3A : vector<16xi32>
          %scatter3A_490 = arith.constant 1 : i32
          %scatter3A_491 = arith.constant 0 : i32
          %scatter3A_492 = arith.constant 0 : i32
          %scatter3A_493 = tpu.memref_slice %arg15[%scatter3A_490, %scatter3A_491, %scatter3A_492] : memref<2x128x80xf32, #tpu.memory_space<vmem>> -> memref<1x128x80xf32, #tpu.memory_space<vmem>>
          %scatter3A_494 = tpu.memref_squeeze %scatter3A_493 : memref<1x128x80xf32, #tpu.memory_space<vmem>> -> memref<128x80xf32, #tpu.memory_space<vmem>>
          tpu.vector_store_idx %scatter3A_494[%broadcast_in_dim3A_461, %add3A_489], %mul3A_471 : memref<128x80xf32, #tpu.memory_space<vmem>>[vector<16xi32>, vector<16xi32>], vector<16xf32>,
          %add3A_495 = arith.constant 48 : i32
          %add3A_496 = vector.broadcast %add3A_495 : i32 to vector<16xi32>
          %add3A_497 = arith.addi %add3A_496, %iota3A : vector<16xi32>
          %scatter3A_498 = arith.constant 1 : i32
          %scatter3A_499 = arith.constant 0 : i32
          %scatter3A_500 = arith.constant 0 : i32
          %scatter3A_501 = tpu.memref_slice %arg15[%scatter3A_498, %scatter3A_499, %scatter3A_500] : memref<2x128x80xf32, #tpu.memory_space<vmem>> -> memref<1x128x80xf32, #tpu.memory_space<vmem>>
          %scatter3A_502 = tpu.memref_squeeze %scatter3A_501 : memref<1x128x80xf32, #tpu.memory_space<vmem>> -> memref<128x80xf32, #tpu.memory_space<vmem>>
          tpu.vector_store_idx %scatter3A_502[%broadcast_in_dim3A_461, %add3A_497], %mul3A_471 : memref<128x80xf32, #tpu.memory_space<vmem>>[vector<16xi32>, vector<16xi32>], vector<16xf32>,
          %add3A_503 = arith.constant 64 : i32
          %add3A_504 = vector.broadcast %add3A_503 : i32 to vector<16xi32>
          %add3A_505 = arith.addi %add3A_504, %iota3A : vector<16xi32>
          %scatter3A_506 = arith.constant 1 : i32
          %scatter3A_507 = arith.constant 0 : i32
          %scatter3A_508 = arith.constant 0 : i32
          %scatter3A_509 = tpu.memref_slice %arg15[%scatter3A_506, %scatter3A_507, %scatter3A_508] : memref<2x128x80xf32, #tpu.memory_space<vmem>> -> memref<1x128x80xf32, #tpu.memory_space<vmem>>
          %scatter3A_510 = tpu.memref_squeeze %scatter3A_509 : memref<1x128x80xf32, #tpu.memory_space<vmem>> -> memref<128x80xf32, #tpu.memory_space<vmem>>
          tpu.vector_store_idx %scatter3A_510[%broadcast_in_dim3A_461, %add3A_505], %mul3A_471 : memref<128x80xf32, #tpu.memory_space<vmem>>[vector<16xi32>, vector<16xi32>], vector<16xf32>,
          %scan3A_511 = arith.constant 0 : i32
          scf.yield %scan3A_511 : i32
        }
        %scan3A_440 = arith.constant 128 : i32
        %dma_start3A = arith.constant 1 : i32
        %dma_start3A_441 = arith.constant 1 : i32
        %dma_start3A_442 = arith.constant 0 : i32
        %dma_start3A_443 = arith.constant 0 : i32
        %dma_start3A_444 = tpu.memref_slice %arg15[%dma_start3A, %dma_start3A_442, %dma_start3A_443] : memref<2x128x80xf32, #tpu.memory_space<vmem>> -> memref<1x128x80xf32, #tpu.memory_space<vmem>>
        %dma_start3A_445 = tpu.memref_squeeze %dma_start3A_444 : memref<1x128x80xf32, #tpu.memory_space<vmem>> -> memref<128x80xf32, #tpu.memory_space<vmem>>
        %dma_start3A_446 = arith.constant 0 : i32
        %dma_start3A_447 = tpu.memref_slice %arg13[%dma_start3A_441, %dma_start3A_446] : memref<2x128xi32, #tpu.memory_space<vmem>> -> memref<1x128xi32, #tpu.memory_space<vmem>>
        %dma_start3A_448 = tpu.memref_squeeze %dma_start3A_447 : memref<1x128xi32, #tpu.memory_space<vmem>> -> memref<128xi32, #tpu.memory_space<vmem>>
        %dma_start3A_449 = arith.constant 0 : i32
        %dma_start3A_450 = arith.constant 0 : i32
        %dma_start3A_451 = tpu.memref_slice %arg6[%dma_start3A_449, %dma_start3A_450] : memref<262144x80xf32, #tpu.memory_space<hbm>> -> memref<262144x80xf32, #tpu.memory_space<hbm>>
        tpu.enqueue_indirect_dma source(%dma_start3A_445 : memref<128x80xf32, #tpu.memory_space<vmem>>) target(%dma_start3A_451 : memref<262144x80xf32, #tpu.memory_space<hbm>>) offsets(%dma_start3A_448 : memref<128xi32, #tpu.memory_space<vmem>>) semaphore(%arg20 : memref<!tpu.dma_semaphore, #tpu.memory_space<semaphore_mem>>)
      } else {
      }
      %while3A_291 = arith.constant 0 : i32
      scf.yield %while3A_291 : i32
    }
    %sub3A_211 = arith.constant 262144 : i32
    %sub3A_212 = arith.subi %sub3A_211, %add3A_23 : i32
    %add3A_213 = arith.constant 4095 : i32
    %add3A_214 = arith.addi %sub3A_212, %add3A_213 : i32
    %jit3A_215 = arith.constant 4096 : i32
    %div3A_216 = arith.divsi %add3A_214, %jit3A_215 : i32
    %sign3A_217 = arith.constant 0 : i32
    %sign3A_218 = arith.cmpi sgt, %add3A_214, %sign3A_217 : i32
    %sign3A_219 = arith.extui %sign3A_218 : i1 to i32
    %sign3A_220 = arith.constant 0 : i32
    %sign3A_221 = arith.cmpi slt, %add3A_214, %sign3A_220 : i32
    %sign3A_222 = arith.extui %sign3A_221 : i1 to i32
    %sign3A_223 = arith.subi %sign3A_219, %sign3A_222 : i32
    %sign3A_224 = arith.constant 0 : i32
    %sign3A_225 = arith.cmpi sgt, %jit3A_215, %sign3A_224 : i32
    %sign3A_226 = arith.extui %sign3A_225 : i1 to i32
    %sign3A_227 = arith.constant 0 : i32
    %sign3A_228 = arith.cmpi slt, %jit3A_215, %sign3A_227 : i32
    %sign3A_229 = arith.extui %sign3A_228 : i1 to i32
    %sign3A_230 = arith.subi %sign3A_226, %sign3A_229 : i32
    %ne3A_231 = arith.cmpi ne, %sign3A_223, %sign3A_230 : i32
    %rem3A_232 = arith.remsi %add3A_214, %jit3A_215 : i32
    %ne3A_233 = arith.constant 0 : i32
    %ne3A_234 = arith.cmpi ne, %rem3A_232, %ne3A_233 : i32
    %and3A_235 = arith.andi %ne3A_231, %ne3A_234 : i1
    %sub3A_236 = arith.constant 1 : i32
    %sub3A_237 = arith.subi %div3A_216, %sub3A_236 : i32
    %select_n3A_238 = arith.select %and3A_235, %sub3A_237, %div3A_216 : i32
    %while3A_239 = arith.constant 0 : i32
    %while3A_240 = arith.constant 0 : i32
    %while3A_241 = arith.subi %select_n3A_238, %while3A_239 : i32
    %while3A_242 = arith.addi %while3A_239, %while3A_241 : i32
    %while3A_243 = arith.constant 1 : i32
    %while3A_244 = arith.divsi %while3A_241, %while3A_243 : i32
    %while3A_245 = arith.muli %while3A_244, %while3A_243 : i32
    %while3A_246 = arith.addi %while3A_239, %while3A_245 : i32
    %while3A_247 = arith.constant 1 : i32
    %while3A_248 = scf.for %while3A_273 = %while3A_239 to %while3A_246 step %while3A_247 iter_args(%while3A_274 = %while3A_240) -> (i32)  : i32 {
      %mul3A_275 = arith.muli %add3A, %select_n3A_238 : i32
      %add3A_276 = arith.addi %mul3A_275, %while3A_273 : i32
      %mul3A_277 = arith.constant 128 : i32
      %mul3A_278 = arith.muli %add3A_276, %mul3A_277 : i32
      %add3A_279 = arith.addi %add3A_23, %mul3A_278 : i32
      %min3A = arith.constant 262016 : i32
      %min3A_280 = arith.minsi %add3A_279, %min3A : i32
      %dma_start3A = arith.constant 0 : i32
      %dma_start3A_281 = tpu.memref_slice %arg6[%min3A_280, %dma_start3A] : memref<262144x80xf32, #tpu.memory_space<hbm>> -> memref<128x80xf32, #tpu.memory_space<hbm>>
      %dma_start3A_282 = arith.constant 0 : i32
      %dma_start3A_283 = tpu.memref_slice %arg6[%min3A_280, %dma_start3A_282] : memref<262144x80xf32, #tpu.memory_space<hbm>> -> memref<128x80xf32, #tpu.memory_space<hbm>>
      tpu.enqueue_dma source(%arg16 : memref<128x80xf32, #tpu.memory_space<vmem>>) target(%dma_start3A_283 : memref<128x80xf32, #tpu.memory_space<hbm>>) target_semaphore(%arg21 : memref<!tpu.dma_semaphore, #tpu.memory_space<semaphore_mem>>)
      %while3A_284 = arith.constant 0 : i32
      scf.yield %while3A_284 : i32
    }
    %while3A_249 = arith.constant 1 : i32
    %while3A_250 = scf.for %while3A_273 = %while3A_246 to %while3A_242 step %while3A_249 iter_args(%while3A_274 = %while3A_248) -> (i32)  : i32 {
      %mul3A_275 = arith.muli %add3A, %select_n3A_238 : i32
      %add3A_276 = arith.addi %mul3A_275, %while3A_273 : i32
      %mul3A_277 = arith.constant 128 : i32
      %mul3A_278 = arith.muli %add3A_276, %mul3A_277 : i32
      %add3A_279 = arith.addi %add3A_23, %mul3A_278 : i32
      %min3A = arith.constant 262016 : i32
      %min3A_280 = arith.minsi %add3A_279, %min3A : i32
      %dma_start3A = arith.constant 0 : i32
      %dma_start3A_281 = tpu.memref_slice %arg6[%min3A_280, %dma_start3A] : memref<262144x80xf32, #tpu.memory_space<hbm>> -> memref<128x80xf32, #tpu.memory_space<hbm>>
      %dma_start3A_282 = arith.constant 0 : i32
      %dma_start3A_283 = tpu.memref_slice %arg6[%min3A_280, %dma_start3A_282] : memref<262144x80xf32, #tpu.memory_space<hbm>> -> memref<128x80xf32, #tpu.memory_space<hbm>>
      tpu.enqueue_dma source(%arg16 : memref<128x80xf32, #tpu.memory_space<vmem>>) target(%dma_start3A_283 : memref<128x80xf32, #tpu.memory_space<hbm>>) target_semaphore(%arg21 : memref<!tpu.dma_semaphore, #tpu.memory_space<semaphore_mem>>)
      %while3A_284 = arith.constant 0 : i32
      scf.yield %while3A_284 : i32
    }
    %while3A_251 = arith.constant 0 : i32
    %while3A_252 = arith.constant 0 : i32
    %while3A_253 = arith.subi %select_n3A_238, %while3A_251 : i32
    %while3A_254 = arith.addi %while3A_251, %while3A_253 : i32
    %while3A_255 = arith.constant 1 : i32
    %while3A_256 = arith.divsi %while3A_253, %while3A_255 : i32
    %while3A_257 = arith.muli %while3A_256, %while3A_255 : i32
    %while3A_258 = arith.addi %while3A_251, %while3A_257 : i32
    %while3A_259 = arith.constant 1 : i32
    %while3A_260 = scf.for %while3A_273 = %while3A_251 to %while3A_258 step %while3A_259 iter_args(%while3A_274 = %while3A_252) -> (i32)  : i32 {
      %dma_wait3A = arith.constant 0 : i32
      %dma_wait3A_275 = arith.constant 0 : i32
      %dma_wait3A_276 = tpu.memref_slice %arg6[%dma_wait3A, %dma_wait3A_275] : memref<262144x80xf32, #tpu.memory_space<hbm>> -> memref<128x80xf32, #tpu.memory_space<hbm>>
      %dma_wait3A_277 = arith.constant 0 : i32
      %dma_wait3A_278 = arith.constant 0 : i32
      %dma_wait3A_279 = tpu.memref_slice %arg6[%dma_wait3A_277, %dma_wait3A_278] : memref<262144x80xf32, #tpu.memory_space<hbm>> -> memref<128x80xf32, #tpu.memory_space<hbm>>
      tpu.wait_dma2 semaphore(%arg21 : memref<!tpu.dma_semaphore, #tpu.memory_space<semaphore_mem>>) src(%arg16 : memref<128x80xf32, #tpu.memory_space<vmem>>) dst(%dma_wait3A_279 : memref<128x80xf32, #tpu.memory_space<hbm>>)
      %while3A_280 = arith.constant 0 : i32
      scf.yield %while3A_280 : i32
    }
    %while3A_261 = arith.constant 1 : i32
    %while3A_262 = scf.for %while3A_273 = %while3A_258 to %while3A_254 step %while3A_261 iter_args(%while3A_274 = %while3A_260) -> (i32)  : i32 {
      %dma_wait3A = arith.constant 0 : i32
      %dma_wait3A_275 = arith.constant 0 : i32
      %dma_wait3A_276 = tpu.memref_slice %arg6[%dma_wait3A, %dma_wait3A_275] : memref<262144x80xf32, #tpu.memory_space<hbm>> -> memref<128x80xf32, #tpu.memory_space<hbm>>
      %dma_wait3A_277 = arith.constant 0 : i32
      %dma_wait3A_278 = arith.constant 0 : i32
      %dma_wait3A_279 = tpu.memref_slice %arg6[%dma_wait3A_277, %dma_wait3A_278] : memref<262144x80xf32, #tpu.memory_space<hbm>> -> memref<128x80xf32, #tpu.memory_space<hbm>>
      tpu.wait_dma2 semaphore(%arg21 : memref<!tpu.dma_semaphore, #tpu.memory_space<semaphore_mem>>) src(%arg16 : memref<128x80xf32, #tpu.memory_space<vmem>>) dst(%dma_wait3A_279 : memref<128x80xf32, #tpu.memory_space<hbm>>)
      %while3A_280 = arith.constant 0 : i32
      scf.yield %while3A_280 : i32
    }
    %gt3A_263 = arith.constant 0 : i32
    %gt3A_264 = arith.cmpi sgt, %select_n3A_171, %gt3A_263 : i32
    %convert_element_type3A_265 = arith.extui %gt3A_264 : i1 to i32
    %cond3A_266 = arith.constant 0 : i32
    %cond3A_267 = arith.cmpi ne, %convert_element_type3A_265, %cond3A_266 : i32
    scf.if %cond3A_267 {
      %dma_wait3A = arith.constant 0 : i32
      %dma_wait3A_273 = arith.constant 0 : i32
      %dma_wait3A_274 = arith.constant 0 : i32
      %dma_wait3A_275 = arith.constant 0 : i32
      %dma_wait3A_276 = tpu.memref_slice %arg15[%dma_wait3A, %dma_wait3A_274, %dma_wait3A_275] : memref<2x128x80xf32, #tpu.memory_space<vmem>> -> memref<1x128x80xf32, #tpu.memory_space<vmem>>
      %dma_wait3A_277 = tpu.memref_squeeze %dma_wait3A_276 : memref<1x128x80xf32, #tpu.memory_space<vmem>> -> memref<128x80xf32, #tpu.memory_space<vmem>>
      %dma_wait3A_278 = arith.constant 0 : i32
      %dma_wait3A_279 = tpu.memref_slice %arg13[%dma_wait3A_273, %dma_wait3A_278] : memref<2x128xi32, #tpu.memory_space<vmem>> -> memref<1x128xi32, #tpu.memory_space<vmem>>
      %dma_wait3A_280 = tpu.memref_squeeze %dma_wait3A_279 : memref<1x128xi32, #tpu.memory_space<vmem>> -> memref<128xi32, #tpu.memory_space<vmem>>
      %dma_wait3A_281 = arith.constant 0 : i32
      %dma_wait3A_282 = arith.constant 0 : i32
      %dma_wait3A_283 = tpu.memref_slice %arg6[%dma_wait3A_281, %dma_wait3A_282] : memref<262144x80xf32, #tpu.memory_space<hbm>> -> memref<262144x80xf32, #tpu.memory_space<hbm>>
      tpu.wait_indirect_dma semaphore(%arg19 : memref<!tpu.dma_semaphore, #tpu.memory_space<semaphore_mem>>) src(%dma_wait3A_277 : memref<128x80xf32, #tpu.memory_space<vmem>>) dst(%dma_wait3A_283 : memref<262144x80xf32, #tpu.memory_space<hbm>>)
    } else {
    }
    %gt3A_268 = arith.constant 1 : i32
    %gt3A_269 = arith.cmpi sgt, %select_n3A_171, %gt3A_268 : i32
    %convert_element_type3A_270 = arith.extui %gt3A_269 : i1 to i32
    %cond3A_271 = arith.constant 0 : i32
    %cond3A_272 = arith.cmpi ne, %convert_element_type3A_270, %cond3A_271 : i32
    scf.if %cond3A_272 {
      %dma_wait3A = arith.constant 1 : i32
      %dma_wait3A_273 = arith.constant 1 : i32
      %dma_wait3A_274 = arith.constant 0 : i32
      %dma_wait3A_275 = arith.constant 0 : i32
      %dma_wait3A_276 = tpu.memref_slice %arg15[%dma_wait3A, %dma_wait3A_274, %dma_wait3A_275] : memref<2x128x80xf32, #tpu.memory_space<vmem>> -> memref<1x128x80xf32, #tpu.memory_space<vmem>>
      %dma_wait3A_277 = tpu.memref_squeeze %dma_wait3A_276 : memref<1x128x80xf32, #tpu.memory_space<vmem>> -> memref<128x80xf32, #tpu.memory_space<vmem>>
      %dma_wait3A_278 = arith.constant 0 : i32
      %dma_wait3A_279 = tpu.memref_slice %arg13[%dma_wait3A_273, %dma_wait3A_278] : memref<2x128xi32, #tpu.memory_space<vmem>> -> memref<1x128xi32, #tpu.memory_space<vmem>>
      %dma_wait3A_280 = tpu.memref_squeeze %dma_wait3A_279 : memref<1x128xi32, #tpu.memory_space<vmem>> -> memref<128xi32, #tpu.memory_space<vmem>>
      %dma_wait3A_281 = arith.constant 0 : i32
      %dma_wait3A_282 = arith.constant 0 : i32
      %dma_wait3A_283 = tpu.memref_slice %arg6[%dma_wait3A_281, %dma_wait3A_282] : memref<262144x80xf32, #tpu.memory_space<hbm>> -> memref<262144x80xf32, #tpu.memory_space<hbm>>
      tpu.wait_indirect_dma semaphore(%arg20 : memref<!tpu.dma_semaphore, #tpu.memory_space<semaphore_mem>>) src(%dma_wait3A_277 : memref<128x80xf32, #tpu.memory_space<vmem>>) dst(%dma_wait3A_283 : memref<262144x80xf32, #tpu.memory_space<hbm>>)
    } else {
    }
    return
  }
}

</mosaic_0001>

<sc_bundles>
// kernel: kernel.4.cloned.1.call-start
scs
__scs_entry_jumppad:
0x0: {  	(pc) =	sbr.rel $0x88, $3  }
0x1: {  	(tag) =	ssettag $0x0;
	lr =	simm.s32 $0x1  }
0x2: {  	[smem:$0x3F9F] =	sst lr;
	_ =	strace $0xD0000000  }
0x3: {  	_ = 	snop  }
0x4: {  	_ = 	snop  }
0x5: {  	_ = 	snop  }
0x6: {  	_ = 	snop  }
0x7: {  	_ = 	snop  }
__scs_overlays_trampoline_lowered:
0x8: {  	[smem:$0x3FAE] =	sst s0  }
0x9: {  	[smem:$0x3FAF] =	sst s1  }
0xa: {  	[smem:$0x3FB0] =	sst s2  }
0xb: {  	[smem:$0x3FB1] =	sst s3  }
0xc: {  	[smem:$0x3FB2] =	sst s4  }
0xd: {  	[smem:$0x3FB3] =	sst s5  }
0xe: {  	[smem:$0x3FB4] =	sst s6  }
0xf: {  	[smem:$0x3FB5] =	sst s7  }
0x10: {  	[smem:$0x3FB6] =	sst s8  }
0x11: {  	[smem:$0x3FB7] =	sst s9;
	s0 =	simm.s32 @!p0 $0x0  }
0x12: {  	s1 =	sld [smem:$0x3F9D];
	s0 =	simm.s32 @p0 $0x1  }
0x13: {  	[smem:$0x3FB8] =	sst s0;
	s0 =	simm.s32 @!p1 $0x0  }
0x14: {  	s2 =	sld [smem:$0x3F9C];
	s0 =	simm.s32 @p1 $0x1  }
0x15: {  	[smem:$0x3FB9] =	sst s0;
	s0 =	simm.s32 @!p2 $0x0  }
0x16: {  	s3 =	sld [smem:$0x3FDB];
	s0 =	simm.s32 @p2 $0x1  }
0x17: {  	s4 =	simm.s32 $0x1BF5;
	[smem:$0x3FBB] =	sst s0  }
0x18: {  	s0 =	sld [smem:$0x3F9E];
	_ =	swait.ge [sflag:s4], $0x0  }
0x19: {  	s7 =	sld [smem:$0x3F9F]  }
0x1a: {  	s8 =	sadd.s32 $0xFFFFE003, lr  }
0x1b: {  	s9 =	sadd.s32 $0xFFFFFEF7, lr;
	s5 =	simm.s32 $0xFFFFFFFF;
	p2 =	slt.u32 s8, $0xFFFFF086  }
0x1c: {  	p1 =	slt.u32 s9, $0xF7A;
	s5 =	simm.s32 @!p2 $0x0  }
0x1d: {  	s5 =	simm.s32 @p1 $0x1;
	p0 =	seq.s32 s7, s2  }
0x1e: {  	s7 =	smul.u32 @!p0 $0xF7A, s2;
	p2 =	seq.s32 @!p0 s5, $0x0  }
0x1f: {  	s9 =	smul.u32 $0xF7A, s1;
	s8 =	simm.s32 @!p0 $0x1BF5;
	p2 =	por !p2, p0  }
0x20: {  	[sflag:s8] =	ssyncset.s32 @!p0 $0xFFFFF086;
	s6 =	sadd.s32 @!p0 s3, s7;
	s7 =	simm.s32 @!p0 $0x108  }
0x21: {  	s3 =	sadd.s32 s3, s9;
	s6 =	sadd.s32 @!p0 $0x88, s6;
	s7 =	simm.s32 @p2 $0x1082  }
0x22: {  	[simem:s7], [sflag:s8] =	dma.local @!p0 [hbm:s6], $0xF7A  }
0x23: {  	s9 =	sor.u32 $0xD0000000, s2;
	s6 =	simm.s32 $0x108;
	_ =	swait.ge @!p0 [sflag:s8], $0x0  }
0x24: {  	s3 =	sadd.s32 $0x88, s3;
	s6 =	simm.s32 @!p1 $0x1082;
	[sflag:s4] =	ssyncset.s32 $0xFFFFF086  }
0x25: {  	[simem:s6], [sflag:s4] =	dma.local [hbm:s3], $0xF7A  }
0x26: {  	[smem:$0x3F9F] =	sst s1;
	(tag) =	ssettag s2;
	_ =	strace s9  }
0x27: {  	s1 =	sld [smem:$0x3FAF]  }
0x28: {  	s2 =	sld [smem:$0x3FB0]  }
0x29: {  	s4 =	sld [smem:$0x3FB2]  }
0x2a: {  	p0 =	seq.s32 s5, $0x0;
	s5 =	sld [smem:$0x3FB3]  }
0x2b: {  	s6 =	sld [smem:$0x3FB4]  }
0x2c: {  	s7 =	sld [smem:$0x3FB5]  }
0x2d: {  	s3 =	simm.s32 $0x108;
	s8 =	sld [smem:$0x3FB6]  }
0x2e: {  	s3 =	simm.s32 @!p0 $0x1082;
	s9 =	sld [smem:$0x3FB7]  }
0x2f: {  	lr =	sadd.s32 s0, s3;
	s0 =	sld [smem:$0x3FAE]  }
0x30: {  	s3 =	sld [smem:$0x3FB1]  }
0x31: {  	[smem:$0x3FBA] =	sst s10  }
0x32: {  	s10 =	sld [smem:$0x3FB8];
	_ =	sdelay $0x3  }
0x33: {  	p0 =	seq.s32 s10, $0x1;
	s10 =	sld [smem:$0x3FBA];
	_ =	sdelay $0x3  }
0x34: {  	[smem:$0x3FBA] =	sst s10  }
0x35: {  	s10 =	sld [smem:$0x3FB9];
	_ =	sdelay $0x3  }
0x36: {  	p1 =	seq.s32 s10, $0x1;
	s10 =	sld [smem:$0x3FBA];
	_ =	sdelay $0x3  }
0x37: {  	[smem:$0x3FBA] =	sst s10  }
0x38: {  	s10 =	sld [smem:$0x3FBB]  }
0x39: {  	_ = 	snop;
	(pc) =	sbr.ind lr, $3  }
0x3a: {  	_ = 	snop  }
0x3b: {  	_ = 	snop  }
0x3c: {  	p2 =	seq.s32 s10, $0x1;
	s10 =	sld [smem:$0x3FBA]  }
0x3d: {  	_ =	shalt  }
0x3e: {  	_ =	shalt  }
0x3f: {  	_ =	shalt  }
0x40: {  	_ =	shalt  }
0x41: {  	_ =	shalt  }
0x42: {  	_ =	shalt  }
0x43: {  	_ =	shalt  }
0x44: {  	_ =	shalt  }
0x45: {  	_ =	shalt  }
0x46: {  	_ =	shalt  }
0x47: {  	_ =	shalt  }
0x48: {  	_ =	shalt  }
0x49: {  	_ =	shalt  }
0x4a: {  	_ =	shalt  }
0x4b: {  	_ =	shalt  }
0x4c: {  	_ =	shalt  }
0x4d: {  	_ =	shalt  }
0x4e: {  	_ =	shalt  }
0x4f: {  	_ =	shalt  }
0x50: {  	_ =	shalt  }
0x51: {  	_ =	shalt  }
0x52: {  	_ =	shalt  }
0x53: {  	_ =	shalt  }
0x54: {  	_ =	shalt  }
0x55: {  	_ =	shalt  }
0x56: {  	_ =	shalt  }
0x57: {  	_ =	shalt  }
0x58: {  	_ =	shalt  }
0x59: {  	_ =	shalt  }
0x5a: {  	_ =	shalt  }
0x5b: {  	_ =	shalt  }
0x5c: {  	_ =	shalt  }
0x5d: {  	_ =	shalt  }
0x5e: {  	_ =	shalt  }
0x5f: {  	_ =	shalt  }
0x60: {  	_ =	shalt  }
0x61: {  	_ =	shalt  }
0x62: {  	_ =	shalt  }
0x63: {  	_ =	shalt  }
0x64: {  	_ =	shalt  }
0x65: {  	_ =	shalt  }
0x66: {  	_ =	shalt  }
0x67: {  	_ =	shalt  }
0x68: {  	_ =	shalt  }
0x69: {  	_ =	shalt  }
0x6a: {  	_ =	shalt  }
0x6b: {  	_ =	shalt  }
0x6c: {  	_ =	shalt  }
0x6d: {  	_ =	shalt  }
0x6e: {  	_ =	shalt  }
0x6f: {  	_ =	shalt  }
0x70: {  	_ =	shalt  }
0x71: {  	_ =	shalt  }
0x72: {  	_ =	shalt  }
0x73: {  	_ =	shalt  }
0x74: {  	_ =	shalt  }
0x75: {  	_ =	shalt  }
0x76: {  	_ =	shalt  }
0x77: {  	_ =	shalt  }
0x78: {  	_ =	shalt  }
0x79: {  	_ =	shalt  }
0x7a: {  	_ =	shalt  }
0x7b: {  	_ =	shalt  }
0x7c: {  	_ =	shalt  }
0x7d: {  	_ =	shalt  }
0x7e: {  	_ =	shalt  }
0x7f: {  	_ =	shalt  }
0x80: {  	_ =	shalt  }
0x81: {  	_ =	shalt  }
0x82: {  	_ =	shalt  }
0x83: {  	_ =	shalt  }
0x84: {  	_ =	shalt  }
0x85: {  	_ =	shalt  }
0x86: {  	_ =	shalt  }
0x87: {  	_ =	shalt  }
.Lfunc_end0:
.L_simem_size_0:
called_computation.2_lowered:
.L_overlay_start_0:
0x88: {  	s2 =	sld [smem:$0x3FD9]  }
0x89: {  	s3 =	sld [smem:$0x3FFE];
	_ =	sdelay $0x1  }
0x8a: {  	s1 =	srdreg.scid  }
0x8b: {  	s0 =	sand.u32 $0x1, s1  }
0x8c: {  	s14 =	sshll.u32 s0, $0xA;
	s2 =	sadd.s32 s3, s2  }
0x8d: {  	s2 =	sadd.s32 s2, s14  }
0x8e: {  	[smem:$0x3FC6] =	sst s2  }
0x8f: {  	_ = 	snop  }
0x90: {  	s2 =	sld [smem:$0x3FD0];
	_ =	sdelay $0x2  }
0x91: {  	s4 =	simm.s32 $0xA;
	s5 =	simm.s32 $0x10;
	s15 =	sld [smem:$0x3FC8]  }
0x92: {  	[smem:s5], [sflag:s4] =	dma.local [hbm:s2], $0x1  }
0x93: {  	_ =	swait.eq [sflag:s4], $0x1  }
0x94: {  	[sflag:s4] =	ssyncset.done $0x0  }
0x95: {  	s16 =	sld [smem:$0x10];
	[sflag:s4] =	ssyncadd.s32 $0xFFFFFFFF  }
0x96: {  	s17 =	sld [smem:$0x11];
	(tm) =	ssettm $0x1  }
0x97: {  	s18 =	sld [smem:$0x3FFB];
	_ =	sdelay $0x3  }
0x98: {  	_ =	strace s18  }
0x99: {  	s5 =	sld [smem:$0x3FFC];
	_ =	sdelay $0x3  }
0x9a: {  	_ =	strace s5  }
0x9b: {  	s5 =	sld [smem:$0x3FFD];
	_ =	sdelay $0x3  }
0x9c: {  	_ =	strace s5  }
0x9d: {  	_ =	strace $0x8FFFFFFF  }
0x9e: {  	s19 =	sld [smem:$0x3FDB];
	_ =	sdelay $0x1  }
0x9f: {  	s6 =	simm.s32 $_scs_section_size  }
0xa0: {  	s7 =	simm.s32 $_size__tile_overlayer_lowered;
	s8 =	simm.s32 $_tile_overlayer_lowered  }
0xa1: {  	s22 =	simm.s32 $0x1BFF;
	s21 =	sshll.u32 s8, $0x1;
	s5 =	sadd.s32 s6, s19  }
0xa2: {  	s9 =	simm.s32 $0x0;
	s20 =	sshll.u32 s7, $0x1;
	s7 =	sadd.s32 s21, s5  }
0xa3: {  	[timem:s9], [sflag:s22] =	dma.local [hbm:s7], s20  }
0xa4: {  	_ =	swait.ge [sflag:s22], s20  }
0xa5: {  	s6 =	ssub.s32 $0x0, s20;
	[sflag:s22] =	ssyncset.done $0x0  }
0xa6: {  	[sflag:s22] =	ssyncadd.s32 s6;
	_ =	sdelay $0x1  }
0xa7: {  	s23 =	simm.s32 $0x1B8B  }
0xa8: {  	_ =	swait.ge [sflag:s23], $0x1  }
0xa9: {  	[sflag:s23] =	ssyncset.done $0x0  }
0xaa: {  	s25 =	simm.s32 $0x1B8E;
	s24 =	sld [smem:$0x3FFE];
	[sflag:s23] =	ssyncadd.s32 $0xFFFFFFFF  }
0xab: {  	s26 =	simm.s32 $execute0_lowered;
	[smem:$0x3FD2] =	sst s25  }
0xac: {  	s7 =	sshll.u32 s26, $0x1;
	_ =	strace $0x80000046;
	[dreg:$0x1] =	wrdreg $0xFFFFFFFF  }
0xad: {  	s28 =	simm.s32 $_size_execute0_lowered;
	s5 =	sadd.s32 s5, s7;
	[dreg:$0x0] =	wrdreg $0x0  }
0xae: {  	s7 =	sshll.u32 s28, $0x1;
	[dreg:$0x2] =	wrdreg s5  }
0xaf: {  	[dreg:$0x3] =	wrdreg s7  }
0xb0: {  	[dreg:$0x4] =	wrdreg $0xC0  }
0xb1: {  	_ =	task [dreg:s9], $0x5FFFF  }
0xb2: {  	[dreg:$0x1] =	wrdreg $0xFFFFFFFF  }
0xb3: {  	[dreg:$0x0] =	wrdreg $0x60  }
0xb4: {  	[dreg:$0x2] =	wrdreg s24  }
0xb5: {  	[dreg:$0x3] =	wrdreg s15  }
0xb6: {  	[dreg:$0x4] =	wrdreg s17  }
0xb7: {  	[dreg:$0x5] =	wrdreg s16  }
0xb8: {  	[dreg:$0x6] =	wrdreg $0x9  }
0xb9: {  	_ =	task.clear_ibuf [dreg:s9], $0x7FFFF;
	_ =	strace $0x90000046  }
0xba: {  	s29 =	simm.s32 $0x9;
	_ =	strace $0x80000048  }
0xbb: {  	_ =	swait.ge [sflag:s29], $0x1  }
0xbc: {  	[sflag:s29] =	ssyncadd.s32 $0xFFFFFFFF  }
0xbd: {  	_ =	strace $0x90000048  }
0xbe: {  	_ =	sfence  }
0xbf: {  	s30 =	sld [smem:$0x0];
	_ =	sdelay $0x2  }
0xc0: {  	s31 =	sshll.u32 s1, $0xD;
	s1 =	sshrl.u32 s1, $0x2  }
0xc1: {  	s3 =	sand.u32 $0x4000, s31;
	s1 =	sadd.s32 s1, s30  }
0xc2: {  	s0 =	sor.u32 s3, s0;
	s1 =	sshll.u32 s1, $0x11  }
0xc3: {  	s0 =	sor.u32 s1, s0  }
0xc4: {  	s0 =	sadd.s32 $0x8F2B, s0  }
0xc5: {  	[sflag:s0] =	ssyncadd.remote.s32 $0x1  }
0xc6: {  	_ =	sfence.sel $0xFFFF  }
0xc7: {  	[dreg:$0x0] =	wrdreg $0xFFFFFFFF;
	(pc) =	sbr.abs _section_cstart, $3  }
0xc8: {  	[dreg:$0x1] =	wrdreg $0xFFFFFFFF  }
0xc9: {  	_ =	task.clear_ibuf [dreg:s9], $0x2FFFF;
	_ =	strace $0x9FFFFFFF  }
0xca: {  	(tm) =	ssettm $0x7FFFFFFF  }
0xcb: {  	_ =	shalt  }
tec
execute0_lowered:
.L_overlay_start_1:
0x0: {  	(tag) =	ssettag $0x1  }
0x1: {  	s7 =	rddreg [dreg:$0x0]  }
0x2: {  	s1 =	rddreg [dreg:$0x1]  }
0x3: {  	s10 =	rddreg [dreg:$0x2]  }
0x4: {  	s2 =	rddreg [dreg:$0x3];
	s3 =	srdreg.scid;
	s4 =	simm.s32 $0x0  }
0x5: {  	s15 =	simm.s32 $0x4E20;
	s16 =	simm.s32 $0x5DC0;
	[smem:$0x7FF] =	sst s4  }
0x6: {  	v0 =	vimm.f32 $4.000000190e-03;
	s17 =	simm.s32 $0x1;
	s19 =	simm.s32 $0xABE0;
	_ =	strace $0x80000047  }
0x7: {  	s20 =	simm.s32 $0xCBE0;
	s21 =	simm.s32 $0x2;
	s22 =	simm.s32 $0xEBE0;
	(erf) = vrcp.f32 v0  }
0x8: {  	s23 =	simm.s32 $0x0;
	s6 =	sand.u32 $0x1, s3;
	s3 =	stileid.u32  }
0x9: {  	s5 =	sshll.u32 s6, $0x4;
	s9 =	ssub.s32 $0x2, s6;
	s6 =	smul.u32 $0x30D40, s6  }
0xa: {  	p0 =	slt.u32 s3, $0x2;
	s8 =	sor.u32 s3, s5;
	s5 =	sadd.s32 $0x30E800, s7  }
0xb: {  	s13 =	sshrl.u32 s9, $0x1;
	s11 =	sshll.u32 s8, $0xA;
	s12 =	sshll.u32 s8, $0x1  }
0xc: {  	v0 =	vlaneseq.u32;
	s13 =	ssub.s32 s9, s13;
	s31 =	sshrl.u32 s6, $0x3;
	s18 =	sshll.u32 s8, $0xD  }
0xd: {  	s9 =	sadd.s32 $0x4E20, s6;
	v1 =	vand.u32 $0x3, v0;
	s14 =	sadd.s32 s11, s7;
	s12 =	sadd.s32 s12, s7  }
0xe: {  	s7 =	simm.s32 $0x4;
	s8 =	sadd.s32 s2, s31;
	s10 =	sadd.s32 s10, s11;
	v1 =	vmul.u32 $0x4, v1  }
0xf: {  	v5 =	vshrl.u32 v0, $0x2;
	s13 =	smax.u32 s13, $0x1;
	v2 =	vmov s18;
	s18 =	simm.s32 $0x84D0;
	s7 =	simm.s32 @!p0 $0x3  }
0x10: {  	v4 =	vimm.s32 $0x0;
	v5 =	vmul.u32 $0x10, v5;
	s11 =	sadd.s32 $0x1400, s14;
	s12 =	sadd.s32 $0x9400, s12;
	s14 =	simm.s32 $0x3;
	v6 =	vor.u32 $0x1, v1;
	v3 =	vpop (erf)  }
.LBB2_1:
0x11: {  	s24 =	simm.s32 $0x40;
	s25 =	simm.s32 $0x0  }
.LBB2_2:
0x12: {  	p0 =	sne.s32 s24, $0x7FC0;
	[tilespmem:s25+$0xABE0] =	vst v4;
	s26 =	smov.u32 s24;
	s24 =	sadd.s32 $0x40, s24  }
.Ltmp0:
0x13: {  	[tilespmem:s25+$0xCBE0] =	vst v4;
	(pc) =	sbr.rel @p0 .LBB2_2-.Ltmp0, $2  }
0x14: {  	_ =	sdelay $0x2  }
0x15: {  	s25 =	sshra.s32 s26, $0x2  }
0x16: {  	[tilespmem:s25+$0xABE0] =	vst v4  }
0x17: {  	s24 =	simm.s32 $0x0;
	[tilespmem:s25+$0xCBE0] =	vst v4;
	s25 =	simm.s32 $0x0  }
.LBB2_4:
0x18: {  	s26 =	sshll.u32 s25, $0x4  }
0x19: {  	s26 =	sor.u32 s3, s26  }
0x1a: {  	s28 =	smul.u32 $0x7D0, s26;
	_ =	sdelay $0x1  }
0x1b: {  	s26 =	smul.u32 $0xFA0, s26;
	s28 =	sadd.s32 s5, s28  }
0x1c: {  	v7 =	vmov s24;
	[tilespmem:s24], [sflag:$0x3] =	stream.linear.gather [hbm4b:s28+s24], $0x3E80, $0x38;
	[tilespmem:$0xEBF0] =	vst v63  }
0x1d: {  	v7 =	vshll.u32 v7, $0x4;
	_ =	swait.ge [sflag:s14], $0x3E80  }
0x1e: {  	v7 =	vor.u32 v5, v7;
	s28 =	sshrl.u32 s26, $0x3;
	[sflag:s14] =	ssyncset.done $0x0  }
0x1f: {  	s29 =	simm.s32 $0x3E80;
	v8 =	vor.u32 v1, v7;
	s28 =	sadd.s32 s1, s28;
	[sflag:s14] =	ssyncadd.s32 $0xFFFFC180  }
0x20: {  	[tilespmem:s29], [sflag:$0x3] =	stream.linear.gather [hbm4b:s28+s24], $0xFA0, $0x38;
	[tilespmem:$0xEBF0] =	vst v63  }
0x21: {  	v7 =	vor.u32 v6, v7;
	_ =	swait.ge [sflag:s14], $0xFA0  }
0x22: {  	[sflag:s14] =	ssyncset.done $0x0  }
0x23: {  	[sflag:s14] =	ssyncadd.s32 $0xFFFFF060  }
0x24: {  	v8 =	vld.idx.msk [tilespmem:v8+s4+$0x0], $0xffff;
	_ =	sdelay $0x1  }
0x25: {  	v7 =	vld.idx.msk [tilespmem:v7+s4+$0x0], $0xffff;
	_ =	sdelay $0x2  }
0x26: {  	s28 =	simm.s32 $0x4;
	v9 =	vld [tilespmem:s29+$0x0];
	v8 =	vmul.f32 v8, v3  }
0x27: {  	v10 =	vmov s28  }
0x28: {  	v10 =	vshll.u32 v10, $0x4;
	v7 =	vmul.f32 v7, v3;
	v8 =	vtrunc.f32 v8  }
0x29: {  	v10 =	vor.u32 v5, v10;
	v8 =	vcvt.f32.s32 v8  }
0x2a: {  	v11 =	vor.u32 v1, v10;
	v7 =	vtrunc.f32 v7  }
0x2b: {  	v9 =	vshll.u32 v9, $0x10;
	v7 =	vcvt.f32.s32 v7;
	v8 =	vshll.u32 v8, $0x8  }
0x2c: {  	v8 =	vadd.s32 v8, v9  }
0x2d: {  	v7 =	vadd.s32 v7, v8;
	v8 =	vor.u32 v6, v10  }
0x2e: {  	s28 =	simm.s32 $0x4E20  }
0x2f: {  	[tilespmem:s28+$0x0] =	vst v7  }
0x30: {  	v9 =	vld.idx.msk [tilespmem:v11+s4+$0x0], $0xffff;
	_ =	sdelay $0x1  }
0x31: {  	v8 =	vld.idx.msk [tilespmem:v8+s4+$0x0], $0xffff;
	_ =	sdelay $0x1  }
0x32: {  	s29 =	simm.s32 $0x3E90  }
0x33: {  	s30 =	simm.s32 $0x8;
	v7 =	vld [tilespmem:s29+$0x0];
	v9 =	vmul.f32 v9, v3  }
0x34: {  	v10 =	vmov s30;
	s30 =	simm.s32 $0xC  }
.LBB2_5:
0x35: {  	p0 =	sne.s32 s30, $0x3E4;
	v10 =	vshll.u32 v10, $0x4;
	v9 =	vtrunc.f32 v9;
	v8 =	vmul.f32 v8, v3  }
0x36: {  	v10 =	vor.u32 v5, v10;
	v9 =	vcvt.f32.s32 v9  }
0x37: {  	v11 =	vor.u32 v1, v10;
	v8 =	vtrunc.f32 v8  }
0x38: {  	v8 =	vcvt.f32.s32 v8;
	v7 =	vshll.u32 v7, $0x10;
	v9 =	vshll.u32 v9, $0x8  }
0x39: {  	v10 =	vor.u32 v6, v10;
	v7 =	vadd.s32 v9, v7  }
0x3a: {  	s28 =	sadd.s32 $0x10, s28;
	v7 =	vadd.s32 v8, v7  }
0x3b: {  	[tilespmem:s28+$0x0] =	vst v7  }
0x3c: {  	v9 =	vld.idx.msk [tilespmem:v11+s4+$0x0], $0xffff;
	_ =	sdelay $0x1  }
0x3d: {  	v8 =	vld.idx.msk [tilespmem:v10+s4+$0x0], $0xffff  }
.Ltmp1:
0x3e: {  	(pc) =	sbr.rel @p0 .LBB2_5-.Ltmp1, $4  }
0x3f: {  	_ = 	snop  }
0x40: {  	s29 =	sadd.s32 $0x10, s29  }
0x41: {  	v9 =	vmul.f32 v9, v3;
	v7 =	vld [tilespmem:s29+$0x0]  }
0x42: {  	v10 =	vmov s30;
	s30 =	sadd.s32 $0x4, s30  }
0x43: {  	v10 =	vshll.u32 v10, $0x4;
	v9 =	vtrunc.f32 v9;
	v8 =	vmul.f32 v8, v3  }
0x44: {  	v10 =	vor.u32 v5, v10;
	v9 =	vcvt.f32.s32 v9  }
0x45: {  	v11 =	vor.u32 v1, v10;
	v8 =	vtrunc.f32 v8  }
0x46: {  	v8 =	vcvt.f32.s32 v8;
	v7 =	vshll.u32 v7, $0x10;
	v9 =	vshll.u32 v9, $0x8  }
0x47: {  	v10 =	vor.u32 v6, v10;
	v7 =	vadd.s32 v9, v7  }
0x48: {  	s28 =	sadd.s32 $0x10, s28;
	v7 =	vadd.s32 v8, v7  }
0x49: {  	[tilespmem:s28+$0x0] =	vst v7  }
0x4a: {  	v7 =	vld.idx.msk [tilespmem:v11+s4+$0x0], $0xffff;
	_ =	sdelay $0x1  }
0x4b: {  	v8 =	vld.idx.msk [tilespmem:v10+s4+$0x0], $0xffff;
	_ =	sdelay $0x1  }
0x4c: {  	s29 =	sadd.s32 $0x10, s29  }
0x4d: {  	v63 =	vld [tilespmem:s29+$0x0];
	v7 =	vmul.f32 v7, v3;
	_ =	sdelay $0x1  }
0x4e: {  	v8 =	vmul.f32 v8, v3;
	v7 =	vtrunc.f32 v7  }
0x4f: {  	v7 =	vcvt.f32.s32 v7  }
0x50: {  	v8 =	vtrunc.f32 v8  }
0x51: {  	v9 =	vshll.u32 v63, $0x10;
	v8 =	vcvt.f32.s32 v8;
	v7 =	vshll.u32 v7, $0x8  }
0x52: {  	s26 =	sadd.s32 s6, s26;
	s25 =	sadd.s32 $0x1, s25;
	v7 =	vadd.s32 v7, v9  }
0x53: {  	s26 =	sshrl.u32 s26, $0x3;
	p0 =	sne.s32 s25, s7;
	s28 =	sadd.s32 $0x10, s28;
	v7 =	vadd.s32 v8, v7  }
.Ltmp2:
0x54: {  	s26 =	sadd.s32 s2, s26;
	[tilespmem:s28+$0x0] =	vst v7;
	(pc) =	sbr.rel @p0 .LBB2_4-.Ltmp2, $4  }
0x55: {  	[hbm4b:s26+s4] =	stream.linear.scatter [tilespmem:s15], [sflag:$0x3], $0xFA0, $0x38;
	[tilespmem:$0xEBF0] =	vst v63  }
0x56: {  	_ =	swait.ge [sflag:s14], $0xFA0  }
0x57: {  	[sflag:s14] =	ssyncset.done $0x0  }
0x58: {  	[sflag:s14] =	ssyncadd.s32 $0xFFFFF060  }
0x59: {  	[bflag:$0x0] =	sbarrier.arrive $0xFFFF;
	s24 =	simm.s32 $0x0  }
0x5a: {  	s25 =	simm.s32 $0x2710;
	s26 =	simm.s32 $0x0;
	s28 =	simm.s32 $0x0  }
0x5b: {  	[tilespmem:s16], [sflag:$0x1] =	stream.linear.gather [hbm4b:s8+s24], $0x2710, $0x38;
	[tilespmem:$0xEBF0] =	vst v63  }
.LBB2_8:
0x5c: {  	s29 =	smul.u32 $0x4E20, s28;
	_ =	sdelay $0x1  }
0x5d: {  	s30 =	sadd.s32 s6, s29  }
0x5e: {  	_ =	swait.ge [sflag:s17], $0x2710;
	s30 =	sshrl.u32 s30, $0x3  }
0x5f: {  	[sflag:s17] =	ssyncset.done $0x0;
	s30 =	sadd.s32 s2, s30  }
0x60: {  	[sflag:s17] =	ssyncadd.s32 $0xFFFFD8F0;
	s30 =	sadd.s32 $0x4E2, s30  }
0x61: {  	[tilespmem:s18], [sflag:$0x2] =	stream.linear.gather [hbm4b:s30+s24], $0x2710, $0x38;
	[tilespmem:$0xEBF0] =	vst v63  }
0x62: {  	s30 =	simm.s32 $0x0  }
0x63: {  	v7 =	vld [tilespmem:s30+$0x5DC0];
	_ =	sdelay $0x4  }
0x64: {  	v8 =	vsub.s32 v7, v2  }
0x65: {  	vm0 =	vlt.u32 v8, $0x2000  }
0x66: {  	(xrf1) =	vunique.msk.u32 vm0, v7;
	_ =	sdelay $0xd  }
0x67: {  	_, v9, vm1 =	vpop (xrf1)  }
0x68: {  	v8 =	vand.u32 $0xFFFFFFF8, v8;
	v7 =	vand.u32 $0x7, v7;
	vm0 =	vmand vm0, vm1  }
0x69: {  	v7 =	vor.u32 v7, v8;
	_ =	sdelay $0x4  }
0x6a: {  	v8 =	vor.u32 s26, v0;
	[tilespmem:v7+s19+$0x0] =	vst.idx.add.s32.msk vm0, v9  }
0x6b: {  	s30 =	simm.s32 $0x10;
	[tilespmem:v7+s20+$0x0] =	vst.idx.msk vm0, v8  }
0x6c: {  	s31 =	simm.s32 $0x80;
	v7 =	vld [tilespmem:s30+$0x5DC0];
	s30 =	smov.u32 s26  }
.LBB2_9:
0x6d: {  	p0 =	sne.s32 s31, $0x9C00;
	_ =	sdelay $0x3  }
0x6e: {  	v8 =	vsub.s32 v7, v2  }
0x6f: {  	vm0 =	vlt.u32 v8, $0x2000  }
0x70: {  	(xrf1) =	vunique.msk.u32 vm0, v7;
	_ =	sdelay $0xd  }
0x71: {  	_, v9, vm1 =	vpop (xrf1)  }
0x72: {  	v8 =	vand.u32 $0xFFFFFFF8, v8;
	v7 =	vand.u32 $0x7, v7;
	vm0 =	vmand vm0, vm1  }
0x73: {  	v7 =	vor.u32 v7, v8;
	_ =	sdelay $0x2  }
.Ltmp3:
0x74: {  	(pc) =	sbr.rel @p0 .LBB2_9-.Ltmp3, $4  }
0x75: {  	s30 =	sadd.s32 $0x10, s30  }
0x76: {  	v8 =	vor.u32 s30, v0;
	[tilespmem:v7+s19+$0x0] =	vst.idx.add.s32.msk vm0, v9  }
0x77: {  	s0 =	sshra.s32 s31, $0x2;
	[tilespmem:v7+s20+$0x0] =	vst.idx.msk vm0, v8  }
0x78: {  	s31 =	sadd.s32 $0x40, s31;
	v7 =	vld [tilespmem:s0+$0x5DC0]  }
0x79: {  	_ =	sdelay $0x3  }
0x7a: {  	v8 =	vsub.s32 v7, v2  }
0x7b: {  	vm0 =	vlt.u32 v8, $0x2000  }
0x7c: {  	(xrf1) =	vunique.msk.u32 vm0, v7;
	_ =	sdelay $0xd  }
0x7d: {  	_, v9, vm1 =	vpop (xrf1)  }
0x7e: {  	v8 =	vand.u32 $0xFFFFFFF8, v8;
	v7 =	vand.u32 $0x7, v7;
	vm0 =	vmand vm0, vm1  }
0x7f: {  	v7 =	vor.u32 v7, v8;
	_ =	sdelay $0x3  }
0x80: {  	s0 =	sadd.s32 $0x10, s30  }
0x81: {  	v8 =	vor.u32 s0, v0;
	[tilespmem:v7+s19+$0x0] =	vst.idx.add.s32.msk vm0, v9  }
0x82: {  	p0 =	seq.s32 s28, $0x9;
	[tilespmem:v7+s20+$0x0] =	vst.idx.msk vm0, v8  }
0x83: {  	s31 =	simm.s32 $0x0;
	s0 =	sadd.s32 @!p0 s29, s9;
	_ =	swait.ge [sflag:s21], $0x2710  }
0x84: {  	s30 =	simm.s32 @!p0 $0x5DC0;
	s0 =	sshrl.u32 @!p0 s0, $0x3;
	[sflag:s21] =	ssyncset.done $0x0  }
0x85: {  	s29 =	simm.s32 @!p0 $0x0;
	s0 =	sadd.s32 @!p0 s2, s0;
	[sflag:s21] =	ssyncadd.s32 $0xFFFFD8F0  }
0x86: {  	[tilespmem:s30], [sflag:$0x1] =	stream.linear.gather @!p0 [hbm4b:s0+s29], $0x2710, $0x38;
	[tilespmem:$0xEBF0] =	vst v63  }
0x87: {  	v7 =	vld [tilespmem:s31+$0x84D0];
	_ =	sdelay $0x4  }
0x88: {  	v8 =	vsub.s32 v7, v2  }
0x89: {  	vm14 =	vlt.u32 v8, $0x2000  }
0x8a: {  	(xrf1) =	vunique.msk.u32 vm14, v7;
	_ =	sdelay $0xd  }
0x8b: {  	_, v63, vm15 =	vpop (xrf1)  }
0x8c: {  	v8 =	vand.u32 $0xFFFFFFF8, v8;
	v7 =	vand.u32 $0x7, v7;
	vm0 =	vmand vm14, vm15  }
0x8d: {  	v7 =	vor.u32 v7, v8;
	_ =	sdelay $0x4  }
0x8e: {  	v8 =	vor.u32 s25, v0;
	[tilespmem:v7+s19+$0x0] =	vst.idx.add.s32.msk vm0, v63  }
0x8f: {  	s31 =	simm.s32 $0x10;
	[tilespmem:v7+s20+$0x0] =	vst.idx.msk vm0, v8  }
0x90: {  	s30 =	simm.s32 $0x80;
	s29 =	smov.u32 s25;
	v7 =	vld [tilespmem:s31+$0x84D0]  }
.LBB2_11:
0x91: {  	p0 =	sne.s32 s30, $0x9C00;
	_ =	sdelay $0x3  }
0x92: {  	v8 =	vsub.s32 v7, v2  }
0x93: {  	vm0 =	vlt.u32 v8, $0x2000  }
0x94: {  	(xrf1) =	vunique.msk.u32 vm0, v7;
	_ =	sdelay $0xd  }
0x95: {  	_, v9, vm1 =	vpop (xrf1)  }
0x96: {  	v8 =	vand.u32 $0xFFFFFFF8, v8;
	v7 =	vand.u32 $0x7, v7;
	vm0 =	vmand vm0, vm1  }
0x97: {  	v7 =	vor.u32 v7, v8;
	_ =	sdelay $0x2  }
.Ltmp4:
0x98: {  	(pc) =	sbr.rel @p0 .LBB2_11-.Ltmp4, $4  }
0x99: {  	s29 =	sadd.s32 $0x10, s29  }
0x9a: {  	v8 =	vor.u32 s29, v0;
	[tilespmem:v7+s19+$0x0] =	vst.idx.add.s32.msk vm0, v9  }
0x9b: {  	s0 =	sshra.s32 s30, $0x2;
	[tilespmem:v7+s20+$0x0] =	vst.idx.msk vm0, v8  }
0x9c: {  	s30 =	sadd.s32 $0x40, s30;
	v7 =	vld [tilespmem:s0+$0x84D0]  }
0x9d: {  	_ =	sdelay $0x3  }
0x9e: {  	v8 =	vsub.s32 v7, v2  }
0x9f: {  	vm0 =	vlt.u32 v8, $0x2000  }
0xa0: {  	(xrf1) =	vunique.msk.u32 vm0, v7;
	_ =	sdelay $0xd  }
0xa1: {  	_, v9, vm1 =	vpop (xrf1)  }
0xa2: {  	v8 =	vand.u32 $0xFFFFFFF8, v8;
	v7 =	vand.u32 $0x7, v7;
	vm0 =	vmand vm0, vm1  }
0xa3: {  	s28 =	sadd.s32 $0x1, s28;
	v7 =	vor.u32 v7, v8  }
0xa4: {  	p0 =	sne.s32 s28, $0xA  }
.Ltmp5:
0xa5: {  	_ = 	snop;
	(pc) =	sbr.rel @p0 .LBB2_8-.Ltmp5, $4  }
0xa6: {  	_ = 	snop  }
0xa7: {  	s0 =	sadd.s32 $0x10, s29  }
0xa8: {  	v8 =	vor.u32 s0, v0;
	[tilespmem:v7+s19+$0x0] =	vst.idx.add.s32.msk vm0, v9  }
0xa9: {  	s26 =	sadd.s32 $0x4E20, s26;
	s25 =	sadd.s32 $0x4E20, s25;
	[tilespmem:v7+s20+$0x0] =	vst.idx.msk vm0, v8  }
0xaa: {  	s0 =	simm.s32 $0x0  }
0xab: {  	v7 =	vimm.s32 $0x0;
	s24 =	simm.s32 $0x40;
	v8 =	vld [tilespmem:s0+$0xABE0]  }
.LBB2_14:
0xac: {  	_ =	sdelay $0x1  }
0xad: {  	p0 =	sne.s32 s24, $0x7FC0  }
.Ltmp6:
0xae: {  	_ = 	snop;
	(pc) =	sbr.rel @p0 .LBB2_14-.Ltmp6, $4  }
0xaf: {  	vm0 =	vgt.s32 v8, $0x0  }
0xb0: {  	v9 =	vmpcnt.ones.xlane vm0  }
0xb1: {  	s0 =	sshra.s32 s24, $0x2  }
0xb2: {  	s24 =	sadd.s32 $0x40, s24;
	v8 =	vld [tilespmem:s0+$0xABE0];
	v7 =	vadd.s32 v7, v9  }
0xb3: {  	_ =	sdelay $0x3  }
0xb4: {  	vm0 =	vgt.s32 v8, $0x0  }
0xb5: {  	v8 =	vmpcnt.ones.xlane vm0;
	_ =	sdelay $0x1  }
0xb6: {  	v7 =	vadd.s32 v7, v8  }
0xb7: {  	[tilespmem:$0xEBE0] =	vst v7  }
0xb8: {  	[hbm4b:s10+s4] =	stream.linear.scatter [tilespmem:s19], [sflag:$0x3], $0x2000, $0x38;
	[tilespmem:$0xEBF0] =	vst v63  }
0xb9: {  	_ =	swait.ge [sflag:s14], $0x2000  }
0xba: {  	[sflag:s14] =	ssyncset.done $0x0  }
0xbb: {  	[sflag:s14] =	ssyncadd.s32 $0xFFFFE000  }
0xbc: {  	[hbm4b:s11+s4] =	stream.linear.scatter [tilespmem:s20], [sflag:$0x3], $0x2000, $0x38;
	[tilespmem:$0xEBF0] =	vst v63  }
0xbd: {  	s23 =	sadd.s32 $0x1, s23;
	_ =	swait.ge [sflag:s14], $0x2000  }
0xbe: {  	p0 =	sne.s32 s23, s13;
	[sflag:s14] =	ssyncset.done $0x0  }
.Ltmp7:
0xbf: {  	[sflag:s14] =	ssyncadd.s32 $0xFFFFE000;
	(pc) =	sbr.rel @p0 .LBB2_1-.Ltmp7, $4  }
0xc0: {  	[hbm4b:s12+s4] =	stream.linear.scatter [tilespmem:s22], [sflag:$0x3], $0x10, $0x38;
	[tilespmem:$0xEBF0] =	vst v63  }
0xc1: {  	_ =	swait.ge [sflag:s14], $0x10  }
0xc2: {  	[sflag:s14] =	ssyncset.done $0x0  }
0xc3: {  	[sflag:s14] =	ssyncadd.s32 $0xFFFFFFF0  }
0xc4: {  	_ =	sfence.sel $0x180000  }
0xc5: {  	[bflag:$0x0] =	sbarrier.arrive $0xFFFF  }
0xc6: {  	_ =	strace $0x90000047  }
0xc7: {  	[bflag:$0x2] =	sbarrier.arrive $0xFFFF  }
0xc8: {  	p0 =	sne.s32 s3, $0x0;
	s0 =	rddreg [dreg:$0x4]  }
0xc9: {  	s0 =	sadd.s32 @!p0 $0x100000, s0  }
0xca: {  	[sflag:s0] =	ssyncadd.tile.s32 @!p0 $0x1;
	_ =	shalt  }
.Lfunc_end2:
_tile_overlayer_lowered:
.L_overlay_start_2:
0xcb: {  	(tag) =	ssettag $0x2  }
0xcc: {  	s0 =	rddreg [dreg:$0x0];
	s2 =	stileid.u32  }
0xcd: {  	s1 =	rddreg [dreg:$0x1];
	p0 =	sne.s32 s2, $0x0  }
0xce: {  	s3 =	rddreg [dreg:$0x2];
	[bflag:$0x3] =	sbarrier.arrive $0xFFFF;
	s2 =	simm.s32 @!p0 $0x1C03  }
0xcf: {  	[timem:s3], [sflag:s2] =	dma.local @!p0 [hbm:s0], s1  }
0xd0: {  	s0 =	simm.s32 @!p0 $0x3  }
0xd1: {  	_ =	swait.ge @!p0 [sflag:s0], s1  }
0xd2: {  	s1 =	ssub.s32 @!p0 $0x0, s1;
	[sflag:s0] =	ssyncset.done @!p0 $0x0  }
0xd3: {  	[sflag:s0] =	ssyncadd.s32 @!p0 s1  }
0xd4: {  	[bflag:$0x3] =	sbarrier.arrive $0xFFFF  }
0xd5: {  	_ =	shalt  }

// kernel: kernel.7.cloned.1.call-start
scs
__scs_entry_jumppad:
0x0: {  	(pc) =	sbr.rel $0x88, $3  }
0x1: {  	(tag) =	ssettag $0x0;
	lr =	simm.s32 $0x1  }
0x2: {  	[smem:$0x3F9F] =	sst lr;
	_ =	strace $0xD0000000  }
0x3: {  	_ = 	snop  }
0x4: {  	_ = 	snop  }
0x5: {  	_ = 	snop  }
0x6: {  	_ = 	snop  }
0x7: {  	_ = 	snop  }
__scs_overlays_trampoline_lowered:
0x8: {  	[smem:$0x3FAE] =	sst s0  }
0x9: {  	[smem:$0x3FAF] =	sst s1  }
0xa: {  	[smem:$0x3FB0] =	sst s2  }
0xb: {  	[smem:$0x3FB1] =	sst s3  }
0xc: {  	[smem:$0x3FB2] =	sst s4  }
0xd: {  	[smem:$0x3FB3] =	sst s5  }
0xe: {  	[smem:$0x3FB4] =	sst s6  }
0xf: {  	[smem:$0x3FB5] =	sst s7  }
0x10: {  	[smem:$0x3FB6] =	sst s8  }
0x11: {  	[smem:$0x3FB7] =	sst s9;
	s0 =	simm.s32 @!p0 $0x0  }
0x12: {  	s1 =	sld [smem:$0x3F9D];
	s0 =	simm.s32 @p0 $0x1  }
0x13: {  	[smem:$0x3FB8] =	sst s0;
	s0 =	simm.s32 @!p1 $0x0  }
0x14: {  	s2 =	sld [smem:$0x3F9C];
	s0 =	simm.s32 @p1 $0x1  }
0x15: {  	[smem:$0x3FB9] =	sst s0;
	s0 =	simm.s32 @!p2 $0x0  }
0x16: {  	s3 =	sld [smem:$0x3FDB];
	s0 =	simm.s32 @p2 $0x1  }
0x17: {  	s4 =	simm.s32 $0x1BF5;
	[smem:$0x3FBB] =	sst s0  }
0x18: {  	s0 =	sld [smem:$0x3F9E];
	_ =	swait.ge [sflag:s4], $0x0  }
0x19: {  	s7 =	sld [smem:$0x3F9F]  }
0x1a: {  	s8 =	sadd.s32 $0xFFFFE003, lr  }
0x1b: {  	s9 =	sadd.s32 $0xFFFFFEF7, lr;
	s5 =	simm.s32 $0xFFFFFFFF;
	p2 =	slt.u32 s8, $0xFFFFF086  }
0x1c: {  	p1 =	slt.u32 s9, $0xF7A;
	s5 =	simm.s32 @!p2 $0x0  }
0x1d: {  	s5 =	simm.s32 @p1 $0x1;
	p0 =	seq.s32 s7, s2  }
0x1e: {  	s7 =	smul.u32 @!p0 $0xF7A, s2;
	p2 =	seq.s32 @!p0 s5, $0x0  }
0x1f: {  	s9 =	smul.u32 $0xF7A, s1;
	s8 =	simm.s32 @!p0 $0x1BF5;
	p2 =	por !p2, p0  }
0x20: {  	[sflag:s8] =	ssyncset.s32 @!p0 $0xFFFFF086;
	s6 =	sadd.s32 @!p0 s3, s7;
	s7 =	simm.s32 @!p0 $0x108  }
0x21: {  	s3 =	sadd.s32 s3, s9;
	s6 =	sadd.s32 @!p0 $0x88, s6;
	s7 =	simm.s32 @p2 $0x1082  }
0x22: {  	[simem:s7], [sflag:s8] =	dma.local @!p0 [hbm:s6], $0xF7A  }
0x23: {  	s9 =	sor.u32 $0xD0000000, s2;
	s6 =	simm.s32 $0x108;
	_ =	swait.ge @!p0 [sflag:s8], $0x0  }
0x24: {  	s3 =	sadd.s32 $0x88, s3;
	s6 =	simm.s32 @!p1 $0x1082;
	[sflag:s4] =	ssyncset.s32 $0xFFFFF086  }
0x25: {  	[simem:s6], [sflag:s4] =	dma.local [hbm:s3], $0xF7A  }
0x26: {  	[smem:$0x3F9F] =	sst s1;
	(tag) =	ssettag s2;
	_ =	strace s9  }
0x27: {  	s1 =	sld [smem:$0x3FAF]  }
0x28: {  	s2 =	sld [smem:$0x3FB0]  }
0x29: {  	s4 =	sld [smem:$0x3FB2]  }
0x2a: {  	p0 =	seq.s32 s5, $0x0;
	s5 =	sld [smem:$0x3FB3]  }
0x2b: {  	s6 =	sld [smem:$0x3FB4]  }
0x2c: {  	s7 =	sld [smem:$0x3FB5]  }
0x2d: {  	s3 =	simm.s32 $0x108;
	s8 =	sld [smem:$0x3FB6]  }
0x2e: {  	s3 =	simm.s32 @!p0 $0x1082;
	s9 =	sld [smem:$0x3FB7]  }
0x2f: {  	lr =	sadd.s32 s0, s3;
	s0 =	sld [smem:$0x3FAE]  }
0x30: {  	s3 =	sld [smem:$0x3FB1]  }
0x31: {  	[smem:$0x3FBA] =	sst s10  }
0x32: {  	s10 =	sld [smem:$0x3FB8];
	_ =	sdelay $0x3  }
0x33: {  	p0 =	seq.s32 s10, $0x1;
	s10 =	sld [smem:$0x3FBA];
	_ =	sdelay $0x3  }
0x34: {  	[smem:$0x3FBA] =	sst s10  }
0x35: {  	s10 =	sld [smem:$0x3FB9];
	_ =	sdelay $0x3  }
0x36: {  	p1 =	seq.s32 s10, $0x1;
	s10 =	sld [smem:$0x3FBA];
	_ =	sdelay $0x3  }
0x37: {  	[smem:$0x3FBA] =	sst s10  }
0x38: {  	s10 =	sld [smem:$0x3FBB]  }
0x39: {  	_ = 	snop;
	(pc) =	sbr.ind lr, $3  }
0x3a: {  	_ = 	snop  }
0x3b: {  	_ = 	snop  }
0x3c: {  	p2 =	seq.s32 s10, $0x1;
	s10 =	sld [smem:$0x3FBA]  }
0x3d: {  	_ =	shalt  }
0x3e: {  	_ =	shalt  }
0x3f: {  	_ =	shalt  }
0x40: {  	_ =	shalt  }
0x41: {  	_ =	shalt  }
0x42: {  	_ =	shalt  }
0x43: {  	_ =	shalt  }
0x44: {  	_ =	shalt  }
0x45: {  	_ =	shalt  }
0x46: {  	_ =	shalt  }
0x47: {  	_ =	shalt  }
0x48: {  	_ =	shalt  }
0x49: {  	_ =	shalt  }
0x4a: {  	_ =	shalt  }
0x4b: {  	_ =	shalt  }
0x4c: {  	_ =	shalt  }
0x4d: {  	_ =	shalt  }
0x4e: {  	_ =	shalt  }
0x4f: {  	_ =	shalt  }
0x50: {  	_ =	shalt  }
0x51: {  	_ =	shalt  }
0x52: {  	_ =	shalt  }
0x53: {  	_ =	shalt  }
0x54: {  	_ =	shalt  }
0x55: {  	_ =	shalt  }
0x56: {  	_ =	shalt  }
0x57: {  	_ =	shalt  }
0x58: {  	_ =	shalt  }
0x59: {  	_ =	shalt  }
0x5a: {  	_ =	shalt  }
0x5b: {  	_ =	shalt  }
0x5c: {  	_ =	shalt  }
0x5d: {  	_ =	shalt  }
0x5e: {  	_ =	shalt  }
0x5f: {  	_ =	shalt  }
0x60: {  	_ =	shalt  }
0x61: {  	_ =	shalt  }
0x62: {  	_ =	shalt  }
0x63: {  	_ =	shalt  }
0x64: {  	_ =	shalt  }
0x65: {  	_ =	shalt  }
0x66: {  	_ =	shalt  }
0x67: {  	_ =	shalt  }
0x68: {  	_ =	shalt  }
0x69: {  	_ =	shalt  }
0x6a: {  	_ =	shalt  }
0x6b: {  	_ =	shalt  }
0x6c: {  	_ =	shalt  }
0x6d: {  	_ =	shalt  }
0x6e: {  	_ =	shalt  }
0x6f: {  	_ =	shalt  }
0x70: {  	_ =	shalt  }
0x71: {  	_ =	shalt  }
0x72: {  	_ =	shalt  }
0x73: {  	_ =	shalt  }
0x74: {  	_ =	shalt  }
0x75: {  	_ =	shalt  }
0x76: {  	_ =	shalt  }
0x77: {  	_ =	shalt  }
0x78: {  	_ =	shalt  }
0x79: {  	_ =	shalt  }
0x7a: {  	_ =	shalt  }
0x7b: {  	_ =	shalt  }
0x7c: {  	_ =	shalt  }
0x7d: {  	_ =	shalt  }
0x7e: {  	_ =	shalt  }
0x7f: {  	_ =	shalt  }
0x80: {  	_ =	shalt  }
0x81: {  	_ =	shalt  }
0x82: {  	_ =	shalt  }
0x83: {  	_ =	shalt  }
0x84: {  	_ =	shalt  }
0x85: {  	_ =	shalt  }
0x86: {  	_ =	shalt  }
0x87: {  	_ =	shalt  }
.Lfunc_end0:
.L_simem_size_0:
called_computation.3_lowered:
.L_overlay_start_0:
0x88: {  	s2 =	sld [smem:$0x3FD9]  }
0x89: {  	s3 =	sld [smem:$0x3FFE];
	_ =	sdelay $0x1  }
0x8a: {  	s1 =	srdreg.scid  }
0x8b: {  	s0 =	sand.u32 $0x1, s1  }
0x8c: {  	s14 =	sshll.u32 s0, $0xA;
	s2 =	sadd.s32 s3, s2  }
0x8d: {  	s2 =	sadd.s32 s2, s14  }
0x8e: {  	[smem:$0x3FC6] =	sst s2  }
0x8f: {  	_ = 	snop  }
0x90: {  	s2 =	sld [smem:$0x3FD0];
	_ =	sdelay $0x2  }
0x91: {  	s15 =	simm.s32 $0xA;
	s4 =	simm.s32 $0x10  }
0x92: {  	[smem:s4], [sflag:s15] =	dma.local [hbm:s2], $0x1  }
0x93: {  	_ =	swait.eq [sflag:s15], $0x1  }
0x94: {  	[sflag:s15] =	ssyncset.done $0x0  }
0x95: {  	s16 =	sld [smem:$0x10];
	[sflag:s15] =	ssyncadd.s32 $0xFFFFFFFF  }
0x96: {  	s17 =	sld [smem:$0x11];
	(tm) =	ssettm $0x1  }
0x97: {  	s18 =	sld [smem:$0x3FFB];
	_ =	sdelay $0x3  }
0x98: {  	_ =	strace s18  }
0x99: {  	s4 =	sld [smem:$0x3FFC];
	_ =	sdelay $0x3  }
0x9a: {  	_ =	strace s4  }
0x9b: {  	s4 =	sld [smem:$0x3FFD];
	_ =	sdelay $0x3  }
0x9c: {  	_ =	strace s4  }
0x9d: {  	_ =	strace $0x8FFFFFFF  }
0x9e: {  	s19 =	sld [smem:$0x3FDB];
	_ =	sdelay $0x1  }
0x9f: {  	s5 =	simm.s32 $_scs_section_size  }
0xa0: {  	s6 =	simm.s32 $_size__tile_overlayer_lowered;
	s7 =	simm.s32 $_tile_overlayer_lowered  }
0xa1: {  	s22 =	simm.s32 $0x1BFF;
	s21 =	sshll.u32 s7, $0x1;
	s4 =	sadd.s32 s5, s19  }
0xa2: {  	s8 =	simm.s32 $0x0;
	s20 =	sshll.u32 s6, $0x1;
	s6 =	sadd.s32 s21, s4  }
0xa3: {  	[timem:s8], [sflag:s22] =	dma.local [hbm:s6], s20  }
0xa4: {  	_ =	swait.ge [sflag:s22], s20  }
0xa5: {  	s5 =	ssub.s32 $0x0, s20;
	[sflag:s22] =	ssyncset.done $0x0  }
0xa6: {  	[sflag:s22] =	ssyncadd.s32 s5;
	_ =	sdelay $0x1  }
0xa7: {  	s23 =	simm.s32 $0x1B8B  }
0xa8: {  	_ =	swait.ge [sflag:s23], $0x1  }
0xa9: {  	[sflag:s23] =	ssyncset.done $0x0  }
0xaa: {  	s25 =	simm.s32 $0x1B8E;
	s24 =	sld [smem:$0x3FFE];
	[sflag:s23] =	ssyncadd.s32 $0xFFFFFFFF  }
0xab: {  	s26 =	simm.s32 $execute0_lowered;
	[smem:$0x3FD2] =	sst s25  }
0xac: {  	s6 =	sshll.u32 s26, $0x1;
	_ =	strace $0x80000049;
	[dreg:$0x1] =	wrdreg $0xFFFFFFFF  }
0xad: {  	s28 =	simm.s32 $_size_execute0_lowered;
	s4 =	sadd.s32 s4, s6;
	[dreg:$0x0] =	wrdreg $0x0  }
0xae: {  	s6 =	sshll.u32 s28, $0x1;
	[dreg:$0x2] =	wrdreg s4  }
0xaf: {  	[dreg:$0x3] =	wrdreg s6  }
0xb0: {  	[dreg:$0x4] =	wrdreg $0xC0  }
0xb1: {  	_ =	task [dreg:s8], $0x5FFFF  }
0xb2: {  	[dreg:$0x1] =	wrdreg $0xFFFFFFFF  }
0xb3: {  	[dreg:$0x0] =	wrdreg $0x60  }
0xb4: {  	[dreg:$0x2] =	wrdreg s17  }
0xb5: {  	[dreg:$0x3] =	wrdreg s24  }
0xb6: {  	[dreg:$0x4] =	wrdreg s16  }
0xb7: {  	[dreg:$0x5] =	wrdreg $0x9  }
0xb8: {  	_ =	task.clear_ibuf [dreg:s8], $0x6FFFF;
	_ =	strace $0x90000049  }
0xb9: {  	s29 =	simm.s32 $0x9;
	_ =	strace $0x8000004B  }
0xba: {  	_ =	swait.ge [sflag:s29], $0x1  }
0xbb: {  	[sflag:s29] =	ssyncadd.s32 $0xFFFFFFFF  }
0xbc: {  	_ =	strace $0x9000004B  }
0xbd: {  	_ =	sfence  }
0xbe: {  	s30 =	sld [smem:$0x0];
	_ =	sdelay $0x2  }
0xbf: {  	s31 =	sshll.u32 s1, $0xD;
	s1 =	sshrl.u32 s1, $0x2  }
0xc0: {  	s3 =	sand.u32 $0x4000, s31;
	s1 =	sadd.s32 s1, s30  }
0xc1: {  	s0 =	sor.u32 s3, s0;
	s1 =	sshll.u32 s1, $0x11  }
0xc2: {  	s0 =	sor.u32 s1, s0  }
0xc3: {  	s0 =	sadd.s32 $0x8F2B, s0  }
0xc4: {  	[sflag:s0] =	ssyncadd.remote.s32 $0x1  }
0xc5: {  	_ =	sfence.sel $0xFFFF  }
0xc6: {  	[dreg:$0x0] =	wrdreg $0xFFFFFFFF;
	(pc) =	sbr.abs _section_cstart, $3  }
0xc7: {  	[dreg:$0x1] =	wrdreg $0xFFFFFFFF  }
0xc8: {  	_ =	task.clear_ibuf [dreg:s8], $0x2FFFF;
	_ =	strace $0x9FFFFFFF  }
0xc9: {  	(tm) =	ssettm $0x7FFFFFFF  }
tec
execute0_lowered:
.L_overlay_start_1:
0x0: {  	(tag) =	ssettag $0x1  }
0x1: {  	s0 =	rddreg [dreg:$0x0]  }
0x2: {  	s2 =	rddreg [dreg:$0x1]  }
0x3: {  	s1 =	rddreg [dreg:$0x2]  }
0x4: {  	s3 =	srdreg.scid;
	s6 =	stileid.u32  }
0x5: {  	s10 =	simm.s32 $0x6;
	s13 =	simm.s32 $0x104B0;
	s14 =	simm.s32 $0x1  }
0x6: {  	s15 =	simm.s32 $0xA4B0;
	s16 =	simm.s32 $0xB4B0;
	s17 =	simm.s32 $0x80  }
0x7: {  	s18 =	simm.s32 $0xA3B0;
	s19 =	simm.s32 $0x2;
	s20 =	simm.s32 $0xACB0  }
0x8: {  	s21 =	simm.s32 $0xDCB0;
	s22 =	simm.s32 $0xA430;
	s4 =	sand.u32 $0x1, s3  }
0x9: {  	s3 =	simm.s32 $0x0;
	s26 =	sadd.s32 $0x9400, s2;
	s5 =	sshll.u32 s4, $0x4  }
0xa: {  	[smem:$0x7FF] =	sst s3;
	s4 =	ssub.s32 $0x2, s4;
	s6 =	sor.u32 s6, s5  }
0xb: {  	_ =	strace $0x8000004A;
	[dreg:$0x4] =	wrdreg s26;
	s9 =	sshrl.u32 s4, $0x1  }
.Ltmp0:
0xc: {  	v0 =	vlaneseq.u32;
	s7 =	sshll.u32 s6, $0xA;
	s31 =	sshll.u32 s6, $0x7;
	(pc) =	sbr.rel .LBB2_1-.Ltmp0, $4  }
0xd: {  	v3 =	vimm.f32 $0.0e+00;
	v4 =	vimm.s32 $0x0;
	v1 =	vmul.u32 $0x10, v0;
	s28 =	ssub.s32 s4, s9;
	s0 =	sadd.s32 s0, s7;
	[dreg:$0x8] =	wrdreg s31  }
0xe: {  	v5 =	vor.u32 $0x10, v0;
	v6 =	vor.u32 $0x20, v0;
	v7 =	vor.u32 $0x30, v0;
	s8 =	sadd.s32 s7, s2;
	s30 =	smax.u32 s28, $0x1;
	[dreg:$0x5] =	wrdreg s0  }
0xf: {  	s23 =	simm.s32 $0x5;
	v8 =	vor.u32 $0x40, v0;
	v2 =	vor.u32 $0x100, v1;
	v9 =	vmov s6;
	s29 =	sadd.s32 $0x1400, s8;
	[dreg:$0x7] =	wrdreg s30  }
0x10: {  	s24 =	simm.s32 $0x0;
	s5 =	sadd.s32 $0x30E800, s2;
	vm0 =	vgt.u32 v9, v5;
	vm1 =	vgt.u32 v9, v0;
	v9 =	vand.u32 $0x3, v0;
	[dreg:$0x6] =	wrdreg s29  }
.LBB2_21:
0x11: {  	[sflag:s23] =	ssyncadd.s32 $0xFFFFD800  }
.LBB2_22:
0x12: {  	s0 =	simm.s32 @!p0 $0x3  }
0x13: {  	p1 =	seq.s32 @!p0 s25, $0x1;
	_ =	swait.ge @!p0 [sflag:s0], $0x2800  }
0x14: {  	p1 =	por p1, p0;
	[sflag:s0] =	ssyncset.done @!p0 $0x0  }
0x15: {  	[sflag:s0] =	ssyncadd.s32 @!p0 $0xFFFFD800;
	s0 =	simm.s32 @!p1 $0x4  }
0x16: {  	_ =	swait.ge @!p1 [sflag:s0], $0x2800  }
0x17: {  	s24 =	sadd.s32 $0x1, s24;
	s2 =	rddreg [dreg:$0x7]  }
0x18: {  	p0 =	sne.s32 s24, s2  }
.Ltmp1:
0x19: {  	_ = 	snop;
	(pc) =	sbr.rel @!p0 .LBB2_23-.Ltmp1, $3  }
0x1a: {  	_ =	sdelay $0x1  }
0x1b: {  	[sflag:s0] =	ssyncset.done @!p1 $0x0  }
0x1c: {  	[sflag:s0] =	ssyncadd.s32 @!p1 $0xFFFFD800  }
.LBB2_1:
0x1d: {  	s0 =	rddreg [dreg:$0x4]  }
0x1e: {  	[tilespmem:s3], [sflag:$0x6] =	stream.linear.gather [hbm4b:s0+s3], $0x200, $0x38;
	[tilespmem:$0x12CB0] =	vst v63  }
0x1f: {  	_ =	swait.ge [sflag:s10], $0x200  }
0x20: {  	[sflag:s10] =	ssyncset.done $0x0  }
0x21: {  	s2 =	simm.s32 $0x200;
	s28 =	rddreg [dreg:$0x5];
	[sflag:s10] =	ssyncadd.s32 $0xFFFFFE00  }
0x22: {  	[tilespmem:s2], [sflag:$0x6] =	stream.linear.gather [hbm4b:s28+s3], $0x2000, $0x38;
	[tilespmem:$0x12CB0] =	vst v63  }
0x23: {  	_ =	swait.ge [sflag:s10], $0x2000  }
0x24: {  	[sflag:s10] =	ssyncset.done $0x0  }
0x25: {  	s30 =	simm.s32 $0x2200;
	s29 =	rddreg [dreg:$0x6];
	[sflag:s10] =	ssyncadd.s32 $0xFFFFE000  }
0x26: {  	[tilespmem:s30], [sflag:$0x6] =	stream.linear.gather [hbm4b:s29+s3], $0x2000, $0x38;
	[tilespmem:$0x12CB0] =	vst v63  }
0x27: {  	_ =	swait.ge [sflag:s10], $0x2000  }
0x28: {  	[sflag:s10] =	ssyncset.done $0x0  }
0x29: {  	s31 =	simm.s32 $0x0;
	[sflag:s10] =	ssyncadd.s32 $0xFFFFE000  }
0x2a: {  	v12 =	vld [tilespmem:s31+$0x200];
	_ =	sdelay $0x4  }
0x2b: {  	vm2 =	vgt.s32 v12, $0x0  }
0x2c: {  	v10 =	vmpcnt.ones.xlane vm2  }
0x2d: {  	v13 =	vld [tilespmem:s31+$0x2200]  }
0x2e: {  	v10 =	vxor.u32 $0x80000000, v10  }
0x2f: {  	(xrf0) =	vmax.scan.msk.u32 $0xffff, v10;
	_ =	sdelay $0x2  }
0x30: {  	v14 =	vshra.s32 v13, $0x2;
	v13 =	vshll.u32 v13, $0x2;
	_ =	sdelay $0x1  }
0x31: {  	v11 =	vld.idx.msk [tilespmem:v1+s3+$0x0], $0xffff  }
0x32: {  	vm3 =	vlt.s32 v12, $0x15;
	v12 =	vand.u32 $0xC, v13;
	v10 =	vld.idx.msk [tilespmem:v2+s3+$0x0], $0xffff;
	[tilespmem:s3+$0x4200] =	vst.msk vm2, v14;
	v13, _, _ =	vpop (xrf0)  }
0x33: {  	[tilespmem:s3+$0x6290] =	vst.msk vm2, v12;
	v12 =	vsel vm3, $0x3F800000, v3;
	(v2sf) =	vpush v13, $0xF  }
0x34: {  	s4 =	simm.s32 $0x10;
	[tilespmem:s3+$0x8320] =	vst.msk vm2, v12  }
0x35: {  	s0 =	simm.s32 $0x0;
	s2 =	simm.s32 $0x80;
	v12 =	vld [tilespmem:s4+$0x2200]  }
.LBB2_2:
0x36: {  	p0 =	sne.s32 s2, $0x7FC0;
	v13 =	vld [tilespmem:s4+$0x200];
	_ =	sdelay $0x4  }
0x37: {  	vm2 =	vgt.s32 v13, $0x0;
	vm3 =	vlt.s32 v13, $0x15  }
0x38: {  	v13 =	vmpcnt.ones.xlane vm2;
	_ =	sdelay $0x1  }
0x39: {  	v13 =	vxor.u32 $0x80000000, v13  }
0x3a: {  	(xrf0) =	vmax.scan.msk.u32 $0xffff, v13;
	_ =	sdelay $0x2  }
0x3b: {  	s4 =	spop (v2sf)  }
0x3c: {  	s0 =	sadd.s32 s4, s0  }
.Ltmp2:
0x3d: {  	v14 =	vshra.s32 v12, $0x2;
	v12 =	vshll.u32 v12, $0x2;
	s0 =	sadd.s32 $0x80000000, s0;
	(pc) =	sbr.rel @p0 .LBB2_2-.Ltmp2, $4  }
0x3e: {  	v12 =	vand.u32 $0xC, v12;
	[tilespmem:s0+$0x4200] =	vst.msk vm2, v14;
	v13, _, _ =	vpop (xrf0)  }
0x3f: {  	[tilespmem:s0+$0x6290] =	vst.msk vm2, v12;
	v12 =	vsel vm3, $0x3F800000, v3;
	(v2sf) =	vpush v13, $0xF  }
0x40: {  	s4 =	sshra.s32 s2, $0x2;
	[tilespmem:s0+$0x8320] =	vst.msk vm2, v12  }
0x41: {  	s2 =	sadd.s32 $0x40, s2;
	v12 =	vld [tilespmem:s4+$0x2200]  }
0x42: {  	v13 =	vld [tilespmem:s4+$0x200];
	_ =	sdelay $0x4  }
0x43: {  	vm2 =	vgt.s32 v13, $0x0  }
0x44: {  	v14 =	vmpcnt.ones.xlane vm2;
	_ =	sdelay $0x1  }
0x45: {  	v14 =	vxor.u32 $0x80000000, v14  }
0x46: {  	(xrf0) =	vmax.scan.msk.u32 $0xffff, v14;
	_ =	sdelay $0x5  }
0x47: {  	v14, _, _ =	vpop (xrf0)  }
0x48: {  	(v2sf) =	vpush v14, $0xF;
	_ =	sdelay $0xb  }
0x49: {  	s2 =	spop (v2sf)  }
0x4a: {  	s0 =	sadd.s32 s2, s0  }
0x4b: {  	s0 =	sadd.s32 $0x80000000, s0;
	v14 =	vshra.s32 v12, $0x2;
	v12 =	vshll.u32 v12, $0x2  }
0x4c: {  	vm3 =	vlt.s32 v13, $0x15;
	[tilespmem:s0+$0x4200] =	vst.msk vm2, v14;
	v12 =	vand.u32 $0xC, v12;
	s29 =	spop (v2sf)  }
0x4d: {  	[tilespmem:s0+$0x6290] =	vst.msk vm2, v12;
	v12 =	vsel vm3, $0x3F800000, v3;
	s2 =	sadd.s32 s29, s0  }
0x4e: {  	[tilespmem:s0+$0x8320] =	vst.msk vm2, v12;
	s0 =	sadd.s32 $0x80000000, s2  }
0x4f: {  	[tilespmem:s0+$0x4200] =	vst v4  }
0x50: {  	[tilespmem:s0+$0x6290] =	vst v4  }
0x51: {  	[tilespmem:s0+$0x8320] =	vst v3  }
0x52: {  	[tilespmem:s0+$0x4210] =	vst v4  }
0x53: {  	[tilespmem:s0+$0x62A0] =	vst v4  }
0x54: {  	[tilespmem:s0+$0x8330] =	vst v3  }
0x55: {  	[tilespmem:s0+$0x4220] =	vst v4  }
0x56: {  	[tilespmem:s0+$0x62B0] =	vst v4  }
0x57: {  	[tilespmem:s0+$0x8340] =	vst v3  }
0x58: {  	[tilespmem:s0+$0x4230] =	vst v4  }
0x59: {  	[tilespmem:s0+$0x62C0] =	vst v4  }
0x5a: {  	[tilespmem:s0+$0x8350] =	vst v3  }
0x5b: {  	[tilespmem:s0+$0x4240] =	vst v4  }
0x5c: {  	s30 =	simm.s32 $0x0;
	[tilespmem:s0+$0x62D0] =	vst v4  }
0x5d: {  	v12 =	vmov s30;
	[tilespmem:s0+$0x8360] =	vst v3  }
0x5e: {  	v12 =	vmul.u32 $0x50, v12;
	[tilespmem:s0+$0x4250] =	vst v4  }
0x5f: {  	[tilespmem:s0+$0x62E0] =	vst v4  }
0x60: {  	v13 =	vbroadcast v12, $0x0;
	[tilespmem:s0+$0x8370] =	vst v3  }
0x61: {  	[tilespmem:s0+$0x4260] =	vst v4  }
0x62: {  	s31 =	simm.s32 $0x1;
	v14 =	vor.u32 v0, v13;
	[tilespmem:s0+$0x62F0] =	vst v4  }
0x63: {  	v12 =	vmov s31;
	[tilespmem:s0+$0x8380] =	vst v3  }
0x64: {  	v12 =	vmul.u32 $0x50, v12;
	v17 =	vadd.s32 v5, v13;
	[tilespmem:s0+$0x4270] =	vst v4  }
0x65: {  	v16 =	vadd.s32 v6, v13;
	[tilespmem:s0+$0x6300] =	vst v4  }
0x66: {  	v15 =	vadd.s32 v7, v13;
	v12 =	vbroadcast v12, $0x0;
	[tilespmem:s0+$0x8390] =	vst v3  }
0x67: {  	[tilespmem:v14+s13+$0x0] =	vst.idx.msk $0xffff, v3;
	v14 =	vadd.s32 v8, v13  }
0x68: {  	s2 =	simm.s32 $0x2;
	v13 =	vor.u32 v0, v12  }
.LBB2_4:
0x69: {  	v18 =	vmov s2;
	[tilespmem:v17+s13+$0x0] =	vst.idx.msk $0xffff, v3;
	p0 =	sne.s32 s2, $0x7F  }
.Ltmp3:
0x6a: {  	v17 =	vadd.s32 v5, v12;
	v18 =	vmul.u32 $0x50, v18;
	[tilespmem:v16+s13+$0x0] =	vst.idx.msk $0xffff, v3;
	(pc) =	sbr.rel @p0 .LBB2_4-.Ltmp3, $4  }
0x6b: {  	v16 =	vadd.s32 v6, v12;
	[tilespmem:v15+s13+$0x0] =	vst.idx.msk $0xffff, v3  }
0x6c: {  	v15 =	vadd.s32 v7, v12;
	v18 =	vbroadcast v18, $0x0;
	[tilespmem:v14+s13+$0x0] =	vst.idx.msk $0xffff, v3  }
0x6d: {  	v14 =	vadd.s32 v8, v12;
	[tilespmem:v13+s13+$0x0] =	vst.idx.msk $0xffff, v3  }
0x6e: {  	s2 =	sadd.s32 $0x1, s2;
	v13 =	vor.u32 v0, v18;
	v12 =	vmov v18  }
0x6f: {  	(xrf0) =	vadd.scan.msk.s32 $0xffff, v11  }
0x70: {  	v11 =	vnsel vm1, $0x0, v11;
	(xrf0) =	vadd.scan.msk.s32 $0xffff, v10  }
0x71: {  	v10 =	vnsel vm0, $0x0, v10;
	(xrf0) =	vadd.scan.msk.s32 $0xffff, v11  }
0x72: {  	(xrf0) =	vadd.scan.msk.s32 $0xffff, v10;
	_ =	sdelay $0x1  }
0x73: {  	s2 =	sadd.s32 $0x7F, s0  }
0x74: {  	s4 =	sand.u32 $0x7F, s2;
	v10, _, _ =	vpop (xrf0)  }
0x75: {  	[tilespmem:v17+s13+$0x0] =	vst.idx.msk $0xffff, v3;
	v61 =	vadd.s32 v5, v12;
	s6 =	sshra.s32 s2, $0x1F;
	p0 =	slt.s32 s2, $0x1;
	p1 =	sne.s32 s4, $0x0;
	v11, _, _ =	vpop (xrf0);
	(v2sf) =	vpush v10, $0xF  }
0x76: {  	v62 =	vadd.s32 v6, v12;
	[tilespmem:v16+s13+$0x0] =	vst.idx.msk $0xffff, v3;
	s25 =	sshrl.u32 s6, $0x19;
	p0 =	por !p0, !p1;
	v10, _, _ =	vpop (xrf0);
	(v2sf) =	vpush v11, $0xF  }
0x77: {  	[tilespmem:v15+s13+$0x0] =	vst.idx.msk $0xffff, v3;
	s4 =	simm.s32 $0x1;
	s2 =	sadd.s32 s25, s2;
	p0 =	por !p0, !p0;
	v11 =	vadd.s32 v7, v12;
	(v2sf) =	vpush v10, $0xF;
	v10, _, _ =	vpop (xrf0)  }
0x78: {  	v63 =	vadd.s32 v8, v12;
	[tilespmem:v14+s13+$0x0] =	vst.idx.msk $0xffff, v3;
	s2 =	sshra.s32 s2, $0x7;
	s4 =	simm.s32 @!p0 $0x0;
	(v2sf) =	vpush v10, $0xF  }
0x79: {  	[tilespmem:v13+s13+$0x0] =	vst.idx.msk $0xffff, v3;
	s25 =	ssub.s32 s2, s4  }
0x7a: {  	[tilespmem:v61+s13+$0x0] =	vst.idx.msk $0xffff, v3;
	s26 =	sadd.s32 $0x1, s25  }
0x7b: {  	[tilespmem:v62+s13+$0x0] =	vst.idx.msk $0xffff, v3;
	p0 =	slt.s32 s25, $0x1;
	p6 =	slt.s32 s25, $0x0;
	s30 =	sand.u32 $0x1, s26  }
0x7c: {  	s2 =	simm.s32 @!p0 $0x80;
	s4 =	simm.s32 @!p0 $0x4200;
	p2 =	seq.s32 s30, $0x1;
	[tilespmem:v11+s13+$0x0] =	vst.idx.msk $0xffff, v3  }
0x7d: {  	s6 =	simm.s32 @!p0 $0xA4B0;
	s31 =	sshrl.u32 s26, $0x1F;
	p1 =	por !p6, !p2;
	[tilespmem:v63+s13+$0x0] =	vst.idx.msk $0xffff, v3  }
0x7e: {  	[tilespmem:s6], [sflag:$0x1] =	stream.indirect.gather @!p0 [hbm4b:s5+s2], $0x10, s4, s2, $0xb8;
	[tilespmem:$0x12CB0] =	vst v63  }
0x7f: {  	p1 =	por !p1, !p1;
	s2 =	sadd.s32 s31, s26;
	s4 =	simm.s32 $0x1  }
0x80: {  	s2 =	sshra.s32 s2, $0x1;
	s4 =	simm.s32 @!p1 $0x0  }
0x81: {  	s29 =	ssub.s32 s2, s4  }
0x82: {  	p1 =	slt.s32 s29, $0x1  }
.Ltmp4:
0x83: {  	_ = 	snop;
	(pc) =	sbr.rel @p1 .LBB2_16-.Ltmp4, $4  }
0x84: {  	s26 =	spop (v2sf)  }
0x85: {  	s28 =	spop (v2sf)  }
0x86: {  	s2 =	spop (v2sf)  }
0x87: {  	s4 =	spop (v2sf)  }
.Ltmp5:
0x88: {  	(pc) =	sbr.rel .LBB2_7-.Ltmp5, $3  }
0x89: {  	_ =	sdelay $0x1  }
0x8a: {  	s2 =	sadd.s32 s2, s4;
	s30 =	simm.s32 $0x0;
	s6 =	simm.s32 $0x6290  }
0x8b: {  	v10 =	vmov s0;
	s7 =	simm.s32 $0x8320;
	s11 =	simm.s32 $0x83A0;
	v11 =	vmov s2;
	s2 =	simm.s32 $0x6310  }
.LBB2_15:
0x8c: {  	s30 =	sadd.s32 $0x1, s30  }
0x8d: {  	p1 =	sne.s32 s30, s29  }
.Ltmp6:
0x8e: {  	_ = 	snop;
	(pc) =	sbr.rel @!p1 .LBB2_16-.Ltmp6, $3  }
0x8f: {  	_ =	sdelay $0x1  }
0x90: {  	s6 =	sadd.s32 $0x100, s6  }
0x91: {  	s7 =	sadd.s32 $0x100, s7;
	s2 =	sadd.s32 $0x100, s2;
	s11 =	sadd.s32 $0x100, s11  }
.LBB2_7:
0x92: {  	s12 =	sshll.u32 s30, $0x1  }
0x93: {  	p1 =	slt.s32 s12, s25  }
.Ltmp7:
0x94: {  	_ = 	snop;
	(pc) =	sbr.rel @!p1 .LBB2_11-.Ltmp7, $2  }
0x95: {  	_ =	sdelay $0x2  }
0x96: {  	s9 =	sor.u32 $0x1, s12  }
0x97: {  	p1 =	sge.s32 s9, s25  }
0x98: {  	_ =	swait.ge [sflag:s14], $0x800;
	s4 =	sshll.u32 s30, $0x8;
	s0 =	sshll.u32 @!p1 s9, $0x9  }
0x99: {  	[sflag:s14] =	ssyncset.done $0x0;
	s31 =	simm.s32 @!p1 $0x80;
	s0 =	sshra.s32 @!p1 s0, $0x2  }
0x9a: {  	s8 =	simm.s32 @!p1 $0xACB0;
	[sflag:s14] =	ssyncadd.s32 $0xFFFFF800;
	s0 =	sadd.s32 @!p1 $0x4200, s0  }
0x9b: {  	[tilespmem:s8], [sflag:$0x2] =	stream.indirect.gather @!p1 [hbm4b:s5+s31], $0x10, s0, s31, $0xb8;
	[tilespmem:$0x12CB0] =	vst v63  }
0x9c: {  	v12 =	vor.u32 s4, v0;
	p1 =	seq.s32 s30, $0x0;
	s0 =	sor.u32 $0x10, s4  }
0x9d: {  	vm2 =	vlt.s32 v12, v10;
	v12 =	vadd.s32 v11, v12;
	s8 =	simm.s32 @!p1 $0x3;
	v13 =	vor.u32 s0, v0;
	s0 =	sor.u32 $0x20, s4  }
0x9e: {  	v12 =	vnsel vm2, $0x3FFFF, v12;
	_ =	swait.ge @!p1 [sflag:s8], $0x2800;
	vm2 =	vlt.s32 v13, v10;
	v14 =	vor.u32 s0, v0  }
0x9f: {  	v13 =	vadd.s32 v11, v13;
	s0 =	sor.u32 $0x30, s4;
	[sflag:s8] =	ssyncset.done @!p1 $0x0;
	vm3 =	vlt.s32 v14, v10;
	v14 =	vadd.s32 v11, v14  }
0xa0: {  	v13 =	vnsel vm2, $0x3FFFF, v13;
	v15 =	vor.u32 s0, v0;
	[sflag:s8] =	ssyncadd.s32 @!p1 $0xFFFFD800;
	v14 =	vnsel vm3, $0x3FFFF, v14;
	s8 =	sor.u32 $0x40, s4  }
0xa1: {  	vm2 =	vlt.s32 v15, v10;
	[tilespmem:$0xA3B0] =	vst v12;
	v12 =	vadd.s32 v11, v15;
	v15 =	vor.u32 s8, v0;
	s8 =	sor.u32 $0x50, s4  }
0xa2: {  	[tilespmem:$0xA3C0] =	vst v13;
	v12 =	vnsel vm2, $0x3FFFF, v12;
	vm2 =	vlt.s32 v15, v10;
	v13 =	vor.u32 s8, v0  }
0xa3: {  	[tilespmem:$0xA3D0] =	vst v14;
	v14 =	vadd.s32 v11, v15;
	s8 =	sor.u32 $0x60, s4;
	vm3 =	vlt.s32 v13, v10;
	v13 =	vadd.s32 v11, v13  }
0xa4: {  	s4 =	sor.u32 $0x70, s4;
	v14 =	vnsel vm2, $0x3FFFF, v14;
	[tilespmem:$0xA3E0] =	vst v12;
	v12 =	vnsel vm3, $0x3FFFF, v13;
	v13 =	vor.u32 s8, v0  }
0xa5: {  	[tilespmem:$0xA3F0] =	vst v14;
	v14 =	vor.u32 s4, v0;
	vm2 =	vlt.s32 v13, v10;
	v13 =	vadd.s32 v11, v13  }
0xa6: {  	[tilespmem:$0xA400] =	vst v12;
	v12 =	vnsel vm2, $0x3FFFF, v13;
	vm2 =	vlt.s32 v14, v10;
	v13 =	vadd.s32 v11, v14  }
0xa7: {  	[tilespmem:$0xA410] =	vst v12;
	v12 =	vnsel vm2, $0x3FFFF, v13  }
0xa8: {  	[tilespmem:$0xA420] =	vst v12  }
0xa9: {  	v12 =	vld.msk [tilespmem:s6+$0x0 ss:$0x0], $0xffff;
	_ =	sdelay $0x3  }
0xaa: {  	s8 =	simm.s32 $0x0  }
0xab: {  	v13 =	vmov s8;
	v12 =	vadd.s32 v9, v12  }
0xac: {  	v15 =	vshll.u32 v13, $0x4;
	v14 =	vand.u32 $0xFFFFFFF8, v12  }
0xad: {  	v12 =	vand.u32 $0x7, v12;
	v14 =	vadd.s32 v15, v14  }
0xae: {  	v12 =	vor.u32 v12, v14;
	_ =	sdelay $0x3  }
0xaf: {  	v14 =	vld.msk [tilespmem:s7+$0x0 ss:$0x0], $0xffff  }
0xb0: {  	v13 =	vmul.u32 $0x50, v13;
	v12 =	vld.idx.msk [tilespmem:v12+s15+$0x0], $0xffff;
	_ =	sdelay $0x1  }
0xb1: {  	v15 =	vor.u32 v0, v13  }
0xb2: {  	v16 =	vadd.s32 v5, v13  }
0xb3: {  	v17 =	vadd.s32 v6, v13  }
0xb4: {  	v12 =	vmul.f32 v14, v12;
	v14 =	vadd.s32 v7, v13  }
0xb5: {  	v13 =	vadd.s32 v8, v13  }
0xb6: {  	[tilespmem:v15+s16+$0x0] =	vst.idx.msk $0xffff, v12  }
0xb7: {  	[tilespmem:v16+s16+$0x0] =	vst.idx.msk $0xffff, v12  }
0xb8: {  	[tilespmem:v17+s16+$0x0] =	vst.idx.msk $0xffff, v12  }
0xb9: {  	s31 =	smov.u32 s6;
	s0 =	smov.u32 s7;
	s4 =	simm.s32 $0x1;
	[tilespmem:v14+s16+$0x0] =	vst.idx.msk $0xffff, v12  }
.LBB2_9:
0xba: {  	p1 =	sne.s32 s4, $0x7F;
	[tilespmem:v13+s16+$0x0] =	vst.idx.msk $0xffff, v12;
	s31 =	sadd.s32 $0x1, s31;
	s0 =	sadd.s32 $0x1, s0  }
0xbb: {  	s8 =	smov.u32 s4;
	s4 =	sadd.s32 $0x1, s4;
	v12 =	vld.msk [tilespmem:s31+$0x0 ss:$0x0], $0xffff;
	_ =	sdelay $0x5  }
0xbc: {  	v13 =	vmov s8;
	v12 =	vadd.s32 v9, v12  }
0xbd: {  	v15 =	vshll.u32 v13, $0x4;
	v13 =	vmul.u32 $0x50, v13;
	v14 =	vand.u32 $0xFFFFFFF8, v12  }
0xbe: {  	v12 =	vand.u32 $0x7, v12;
	v14 =	vadd.s32 v15, v14  }
0xbf: {  	v12 =	vor.u32 v12, v14;
	_ =	sdelay $0x3  }
0xc0: {  	v14 =	vld.msk [tilespmem:s0+$0x0 ss:$0x0], $0xffff  }
0xc1: {  	v12 =	vld.idx.msk [tilespmem:v12+s15+$0x0], $0xffff;
	_ =	sdelay $0x2  }
0xc2: {  	v15 =	vor.u32 v0, v13  }
0xc3: {  	v16 =	vadd.s32 v5, v13  }
0xc4: {  	v17 =	vadd.s32 v6, v13  }
0xc5: {  	v12 =	vmul.f32 v14, v12;
	v14 =	vadd.s32 v7, v13  }
.Ltmp8:
0xc6: {  	v13 =	vadd.s32 v8, v13;
	(pc) =	sbr.rel @p1 .LBB2_9-.Ltmp8, $4  }
0xc7: {  	[tilespmem:v15+s16+$0x0] =	vst.idx.msk $0xffff, v12  }
0xc8: {  	[tilespmem:v16+s16+$0x0] =	vst.idx.msk $0xffff, v12  }
0xc9: {  	[tilespmem:v17+s16+$0x0] =	vst.idx.msk $0xffff, v12  }
0xca: {  	[tilespmem:v14+s16+$0x0] =	vst.idx.msk $0xffff, v12  }
0xcb: {  	_ =	sdelay $0x3  }
0xcc: {  	[tilespmem:v13+s16+$0x0] =	vst.idx.msk $0xffff, v12  }
0xcd: {  	[hbm4b:s1+s17] =	stream.indirect.scatter [tilespmem:s16], [sflag:$0x3], $0x50, s18, s17, $0xb8;
	[tilespmem:$0x12CB0] =	vst v63  }
.LBB2_11:
0xce: {  	p1 =	sge.s32 s9, s25  }
.Ltmp9:
0xcf: {  	_ = 	snop;
	(pc) =	sbr.rel @p1 .LBB2_15-.Ltmp9, $1  }
0xd0: {  	_ =	sdelay $0x3  }
0xd1: {  	s0 =	sadd.s32 $0x2, s12  }
0xd2: {  	_ =	swait.ge [sflag:s19], $0x800;
	p1 =	sge.s32 s0, s25  }
0xd3: {  	[sflag:s19] =	ssyncset.done $0x0;
	s0 =	sshll.u32 @!p1 s0, $0x9  }
0xd4: {  	s4 =	sshll.u32 s9, $0x7;
	[sflag:s19] =	ssyncadd.s32 $0xFFFFF800;
	s0 =	sshra.s32 @!p1 s0, $0x2  }
0xd5: {  	s8 =	simm.s32 @!p1 $0x80;
	s9 =	simm.s32 @!p1 $0xA4B0;
	s0 =	sadd.s32 @!p1 $0x4200, s0  }
0xd6: {  	[tilespmem:s9], [sflag:$0x1] =	stream.indirect.gather @!p1 [hbm4b:s5+s8], $0x10, s0, s8, $0xb8;
	[tilespmem:$0x12CB0] =	vst v63  }
0xd7: {  	v12 =	vor.u32 s4, v0;
	s31 =	sor.u32 $0x10, s4;
	p1 =	seq.s32 s30, $0x0  }
0xd8: {  	vm2 =	vlt.s32 v12, v10;
	v12 =	vadd.s32 v11, v12;
	v13 =	vor.u32 s31, v0;
	s8 =	simm.s32 @!p1 $0x4  }
0xd9: {  	s12 =	sor.u32 $0x30, s4;
	v12 =	vnsel vm2, $0x3FFFF, v12;
	vm2 =	vlt.s32 v13, v10;
	v13 =	vadd.s32 v11, v13;
	s9 =	sor.u32 $0x20, s4;
	_ =	swait.ge @!p1 [sflag:s8], $0x2800  }
0xda: {  	v15 =	vor.u32 s12, v0;
	v13 =	vnsel vm2, $0x3FFFF, v13;
	v14 =	vor.u32 s9, v0;
	[sflag:s8] =	ssyncset.done @!p1 $0x0  }
0xdb: {  	s31 =	sor.u32 $0x40, s4;
	vm2 =	vlt.s32 v15, v10;
	vm3 =	vlt.s32 v14, v10;
	v14 =	vadd.s32 v11, v14;
	[sflag:s8] =	ssyncadd.s32 @!p1 $0xFFFFD800  }
0xdc: {  	v14 =	vnsel vm3, $0x3FFFF, v14;
	s8 =	sor.u32 $0x50, s4;
	[tilespmem:$0xA430] =	vst v12;
	v12 =	vadd.s32 v11, v15;
	v15 =	vor.u32 s31, v0  }
0xdd: {  	[tilespmem:$0xA440] =	vst v13;
	v13 =	vor.u32 s8, v0;
	v12 =	vnsel vm2, $0x3FFFF, v12;
	vm2 =	vlt.s32 v15, v10  }
0xde: {  	s9 =	sor.u32 $0x60, s4;
	[tilespmem:$0xA450] =	vst v14;
	v14 =	vadd.s32 v11, v15;
	vm3 =	vlt.s32 v13, v10;
	v13 =	vadd.s32 v11, v13  }
0xdf: {  	s12 =	sor.u32 $0x70, s4;
	v14 =	vnsel vm2, $0x3FFFF, v14;
	[tilespmem:$0xA460] =	vst v12;
	v12 =	vnsel vm3, $0x3FFFF, v13;
	v13 =	vor.u32 s9, v0  }
0xe0: {  	[tilespmem:$0xA470] =	vst v14;
	vm2 =	vlt.s32 v13, v10;
	v13 =	vadd.s32 v11, v13;
	v14 =	vor.u32 s12, v0  }
0xe1: {  	[tilespmem:$0xA480] =	vst v12;
	v12 =	vnsel vm2, $0x3FFFF, v13;
	vm2 =	vlt.s32 v14, v10;
	v13 =	vadd.s32 v11, v14  }
0xe2: {  	[tilespmem:$0xA490] =	vst v12;
	v12 =	vnsel vm2, $0x3FFFF, v13  }
0xe3: {  	[tilespmem:$0xA4A0] =	vst v12  }
0xe4: {  	v12 =	vld.msk [tilespmem:s2+$0x0 ss:$0x0], $0xffff;
	_ =	sdelay $0x3  }
0xe5: {  	s31 =	simm.s32 $0x0  }
0xe6: {  	v13 =	vmov s31;
	v12 =	vadd.s32 v9, v12  }
0xe7: {  	v15 =	vshll.u32 v13, $0x4;
	v14 =	vand.u32 $0xFFFFFFF8, v12  }
0xe8: {  	v12 =	vand.u32 $0x7, v12;
	v14 =	vadd.s32 v15, v14  }
0xe9: {  	v12 =	vor.u32 v12, v14;
	_ =	sdelay $0x3  }
0xea: {  	v14 =	vld.msk [tilespmem:s11+$0x0 ss:$0x0], $0xffff  }
0xeb: {  	v13 =	vmul.u32 $0x50, v13;
	v12 =	vld.idx.msk [tilespmem:v12+s20+$0x0], $0xffff;
	_ =	sdelay $0x1  }
0xec: {  	v15 =	vor.u32 v0, v13  }
0xed: {  	v16 =	vadd.s32 v5, v13  }
0xee: {  	v17 =	vadd.s32 v6, v13  }
0xef: {  	v12 =	vmul.f32 v14, v12;
	v14 =	vadd.s32 v7, v13  }
0xf0: {  	v13 =	vadd.s32 v8, v13  }
0xf1: {  	[tilespmem:v15+s21+$0x0] =	vst.idx.msk $0xffff, v12  }
0xf2: {  	[tilespmem:v16+s21+$0x0] =	vst.idx.msk $0xffff, v12  }
0xf3: {  	[tilespmem:v17+s21+$0x0] =	vst.idx.msk $0xffff, v12  }
0xf4: {  	s0 =	smov.u32 s11;
	s4 =	simm.s32 $0x1;
	s9 =	smov.u32 s2;
	[tilespmem:v14+s21+$0x0] =	vst.idx.msk $0xffff, v12  }
.LBB2_13:
0xf5: {  	p1 =	sne.s32 s4, $0x7F;
	[tilespmem:v13+s21+$0x0] =	vst.idx.msk $0xffff, v12;
	s9 =	sadd.s32 $0x1, s9;
	s0 =	sadd.s32 $0x1, s0  }
0xf6: {  	s8 =	smov.u32 s4;
	s4 =	sadd.s32 $0x1, s4;
	v12 =	vld.msk [tilespmem:s9+$0x0 ss:$0x0], $0xffff;
	_ =	sdelay $0x5  }
0xf7: {  	v13 =	vmov s8;
	v12 =	vadd.s32 v9, v12  }
0xf8: {  	v15 =	vshll.u32 v13, $0x4;
	v13 =	vmul.u32 $0x50, v13;
	v14 =	vand.u32 $0xFFFFFFF8, v12  }
0xf9: {  	v12 =	vand.u32 $0x7, v12;
	v14 =	vadd.s32 v15, v14  }
0xfa: {  	v12 =	vor.u32 v12, v14;
	_ =	sdelay $0x3  }
0xfb: {  	v14 =	vld.msk [tilespmem:s0+$0x0 ss:$0x0], $0xffff  }
0xfc: {  	v12 =	vld.idx.msk [tilespmem:v12+s20+$0x0], $0xffff;
	_ =	sdelay $0x2  }
0xfd: {  	v15 =	vor.u32 v0, v13  }
0xfe: {  	v16 =	vadd.s32 v5, v13  }
0xff: {  	v17 =	vadd.s32 v6, v13  }
0x100: {  	v12 =	vmul.f32 v14, v12;
	v14 =	vadd.s32 v7, v13  }
.Ltmp10:
0x101: {  	v13 =	vadd.s32 v8, v13;
	(pc) =	sbr.rel @p1 .LBB2_13-.Ltmp10, $4  }
0x102: {  	[tilespmem:v15+s21+$0x0] =	vst.idx.msk $0xffff, v12  }
0x103: {  	[tilespmem:v16+s21+$0x0] =	vst.idx.msk $0xffff, v12  }
0x104: {  	[tilespmem:v17+s21+$0x0] =	vst.idx.msk $0xffff, v12  }
0x105: {  	[tilespmem:v14+s21+$0x0] =	vst.idx.msk $0xffff, v12  }
0x106: {  	_ = 	snop  }
.Ltmp11:
0x107: {  	_ = 	snop;
	(pc) =	sbr.rel .LBB2_15-.Ltmp11, $3  }
0x108: {  	_ =	sdelay $0x1  }
0x109: {  	[tilespmem:v13+s21+$0x0] =	vst.idx.msk $0xffff, v12  }
0x10a: {  	[hbm4b:s1+s17] =	stream.indirect.scatter [tilespmem:s21], [sflag:$0x4], $0x50, s22, s17, $0xb8;
	[tilespmem:$0x12CB0] =	vst v63  }
.LBB2_16:
0x10b: {  	s2 =	sadd.s32 s26, s28  }
0x10c: {  	s4 =	simm.s32 $0x1;
	s0 =	ssub.s32 $0x40FFF, s2;
	p1 =	sne.s32 s2, $0x40FFF  }
0x10d: {  	s6 =	sshra.s32 s0, $0x1F;
	s4 =	simm.s32 @!p1 $0x0  }
0x10e: {  	s7 =	sand.u32 $0xFFF, s0;
	s4 =	sor.u32 s4, s6  }
0x10f: {  	p2 =	sne.s32 s7, $0x0;
	p6 =	sne.s32 s4, $0x1  }
0x110: {  	s31 =	sshrl.u32 s6, $0x14;
	p1 =	por !p2, !p6  }
0x111: {  	s0 =	sadd.s32 s31, s0;
	s4 =	simm.s32 $0x1;
	p1 =	por !p1, !p1  }
0x112: {  	s0 =	sshra.s32 s0, $0xC;
	s4 =	simm.s32 @!p1 $0x0  }
0x113: {  	s0 =	ssub.s32 s0, s4  }
0x114: {  	p1 =	slt.s32 s0, $0x1  }
.Ltmp12:
0x115: {  	_ = 	snop;
	(pc) =	sbr.rel @p1 .LBB2_22-.Ltmp12, $1  }
0x116: {  	_ =	sdelay $0x3  }
0x117: {  	s4 =	rddreg [dreg:$0x8]  }
0x118: {  	s4 =	smul.u32 s0, s4;
	_ =	sdelay $0x1  }
0x119: {  	s4 =	sadd.s32 s4, s2  }
0x11a: {  	p1 =	slt.s32 s4, $0x3FF80  }
0x11b: {  	s2 =	sadd.s32 $0x80, s4;
	s4 =	simm.s32 @!p1 $0x3FF80;
	p1 =	sne.s32 s0, $0x1  }
.Ltmp13:
0x11c: {  	_ = 	snop;
	(pc) =	sbr.rel @!p1 .LBB2_19-.Ltmp13, $3  }
0x11d: {  	_ = 	snop  }
0x11e: {  	s6 =	smul.u32 $0x50, s4;
	_ =	sdelay $0x1  }
0x11f: {  	s4 =	sadd.s32 $0xFFFFFFFF, s0;
	s6 =	sshrl.u32 s6, $0x3  }
.LBB2_18:
0x120: {  	p2 =	slt.s32 s2, $0x3FF80;
	s6 =	sadd.s32 s1, s6  }
0x121: {  	[hbm4b:s6+s3] =	stream.linear.scatter [tilespmem:s13], [sflag:$0x5], $0x2800, $0x38;
	[tilespmem:$0x12CB0] =	vst v63  }
0x122: {  	s6 =	smov.u32 s2  }
0x123: {  	s6 =	simm.s32 @!p2 $0x3FF80;
	p2 =	sne.s32 s4, $0x1  }
.Ltmp14:
0x124: {  	_ = 	snop;
	(pc) =	sbr.rel @p2 .LBB2_18-.Ltmp14, $3  }
0x125: {  	s4 =	sadd.s32 $0xFFFFFFFF, s4  }
0x126: {  	s6 =	smul.u32 $0x50, s6;
	_ =	sdelay $0x1  }
0x127: {  	s2 =	sadd.s32 $0x80, s2;
	s6 =	sshrl.u32 s6, $0x3  }
.LBB2_19:
.Ltmp15:
0x128: {  	(pc) =	sbr.rel @!p1 .LBB2_21-.Ltmp15, $4  }
0x129: {  	s2 =	sadd.s32 s1, s6  }
0x12a: {  	[hbm4b:s2+s3] =	stream.linear.scatter [tilespmem:s13], [sflag:$0x5], $0x2800, $0x38;
	[tilespmem:$0x12CB0] =	vst v63  }
0x12b: {  	_ =	swait.ge [sflag:s23], $0x2800  }
0x12c: {  	s0 =	sadd.s32 $0xFFFFFFFF, s0;
	[sflag:s23] =	ssyncset.done $0x0  }
.LBB2_20:
0x12d: {  	p1 =	sne.s32 s0, $0x1;
	s0 =	sadd.s32 $0xFFFFFFFF, s0;
	[sflag:s23] =	ssyncadd.s32 $0xFFFFD800  }
.Ltmp16:
0x12e: {  	(pc) =	sbr.rel @p1 .LBB2_20-.Ltmp16, $3  }
0x12f: {  	_ =	sdelay $0x1  }
0x130: {  	_ =	swait.ge [sflag:s23], $0x2800  }
0x131: {  	[sflag:s23] =	ssyncset.done $0x0  }
.Ltmp17:
0x132: {  	_ = 	snop;
	(pc) =	sbr.rel .LBB2_21-.Ltmp17, $1  }
0x133: {  	_ =	sdelay $0x3  }
.LBB2_23:
0x134: {  	_ =	sfence.sel $0x180000  }
0x135: {  	[bflag:$0x0] =	sbarrier.arrive $0xFFFF  }
0x136: {  	_ =	strace $0x9000004A  }
0x137: {  	s0 =	stileid.u32;
	[bflag:$0x2] =	sbarrier.arrive $0xFFFF  }
0x138: {  	p0 =	sne.s32 s0, $0x0;
	s0 =	rddreg [dreg:$0x3]  }
0x139: {  	s0 =	sadd.s32 @!p0 $0x100000, s0  }
0x13a: {  	[sflag:s0] =	ssyncadd.tile.s32 @!p0 $0x1;
	_ =	shalt  }
.Lfunc_end2:
_tile_overlayer_lowered:
.L_overlay_start_2:
0x13b: {  	(tag) =	ssettag $0x2  }
0x13c: {  	s0 =	rddreg [dreg:$0x0];
	s2 =	stileid.u32  }
0x13d: {  	s1 =	rddreg [dreg:$0x1];
	p0 =	sne.s32 s2, $0x0  }
0x13e: {  	s3 =	rddreg [dreg:$0x2];
	[bflag:$0x3] =	sbarrier.arrive $0xFFFF;
	s2 =	simm.s32 @!p0 $0x1C06  }
0x13f: {  	[timem:s3], [sflag:s2] =	dma.local @!p0 [hbm:s0], s1  }
0x140: {  	s0 =	simm.s32 @!p0 $0x6  }
0x141: {  	_ =	swait.ge @!p0 [sflag:s0], s1  }
0x142: {  	s1 =	ssub.s32 @!p0 $0x0, s1;
	[sflag:s0] =	ssyncset.done @!p0 $0x0  }
0x143: {  	[sflag:s0] =	ssyncadd.s32 @!p0 s1  }
0x144: {  	[bflag:$0x3] =	sbarrier.arrive $0xFFFF  }
0x145: {  	_ =	shalt  }

// kernel: sparse-core-data-format-call.1.cloned.1.call-start
scs
called_computation.1_lowered:
.L_overlay_start_0:
0x0: {  	s2 =	sld [smem:$0x3FD9]  }
0x1: {  	s3 =	sld [smem:$0x3FFE];
	_ =	sdelay $0x1  }
0x2: {  	s1 =	srdreg.scid  }
0x3: {  	s0 =	sand.u32 $0x1, s1  }
0x4: {  	s15 =	sshll.u32 s0, $0xA;
	s2 =	sadd.s32 s3, s2  }
0x5: {  	s2 =	sadd.s32 s2, s15  }
0x6: {  	[smem:$0x3FC6] =	sst s2  }
0x7: {  	_ = 	snop  }
0x8: {  	s2 =	sld [smem:$0x3FD0];
	_ =	sdelay $0x2  }
0x9: {  	s16 =	simm.s32 $0xA;
	s4 =	simm.s32 $0x10  }
0xa: {  	[smem:s4], [sflag:s16] =	dma.local [hbm:s2], $0x1  }
0xb: {  	_ =	swait.eq [sflag:s16], $0x1  }
0xc: {  	[sflag:s16] =	ssyncset.done $0x0  }
0xd: {  	[sflag:s16] =	ssyncadd.s32 $0xFFFFFFFF  }
0xe: {  	s17 =	sld [smem:$0x10];
	(tm) =	ssettm $0x1  }
0xf: {  	s18 =	sld [smem:$0x3FFB];
	_ =	sdelay $0x3  }
0x10: {  	_ =	strace s18  }
0x11: {  	s3 =	sld [smem:$0x3FFC];
	_ =	sdelay $0x3  }
0x12: {  	_ =	strace s3  }
0x13: {  	s3 =	sld [smem:$0x3FFD];
	_ =	sdelay $0x3  }
0x14: {  	_ =	strace s3  }
0x15: {  	_ =	strace $0x8FFFFFFF  }
0x16: {  	s19 =	sld [smem:$0x3FDB];
	_ =	sdelay $0x1  }
0x17: {  	s20 =	simm.s32 $_scs_section_size  }
0x18: {  	s5 =	simm.s32 $_size__tile_overlayer_lowered;
	s6 =	simm.s32 $_tile_overlayer_lowered  }
0x19: {  	s23 =	simm.s32 $0x1BFF;
	s22 =	sshll.u32 s6, $0x1;
	s3 =	sadd.s32 s20, s19  }
0x1a: {  	s7 =	simm.s32 $0x0;
	s21 =	sshll.u32 s5, $0x1;
	s5 =	sadd.s32 s22, s3  }
0x1b: {  	[timem:s7], [sflag:s23] =	dma.local [hbm:s5], s21  }
0x1c: {  	_ =	swait.ge [sflag:s23], s21  }
0x1d: {  	s4 =	ssub.s32 $0x0, s21;
	[sflag:s23] =	ssyncset.done $0x0  }
0x1e: {  	[sflag:s23] =	ssyncadd.s32 s4;
	_ =	sdelay $0x1  }
0x1f: {  	s24 =	simm.s32 $0x1B8B  }
0x20: {  	_ =	swait.ge [sflag:s24], $0x1  }
0x21: {  	[sflag:s24] =	ssyncset.done $0x0  }
0x22: {  	s26 =	simm.s32 $0x1B8E;
	s25 =	sld [smem:$0x3FFE];
	[sflag:s24] =	ssyncadd.s32 $0xFFFFFFFF  }
0x23: {  	s27 =	simm.s32 $execute0_lowered;
	[smem:$0x3FD2] =	sst s26  }
0x24: {  	s5 =	sshll.u32 s27, $0x1;
	_ =	strace $0x8000004C;
	[dreg:$0x1] =	wrdreg $0xFFFFFFFF  }
0x25: {  	s28 =	simm.s32 $_size_execute0_lowered;
	s3 =	sadd.s32 s3, s5;
	[dreg:$0x0] =	wrdreg $0x0  }
0x26: {  	s5 =	sshll.u32 s28, $0x1;
	[dreg:$0x2] =	wrdreg s3  }
0x27: {  	[dreg:$0x3] =	wrdreg s5  }
0x28: {  	[dreg:$0x4] =	wrdreg $0xC0  }
0x29: {  	_ =	task [dreg:s7], $0x5FFFF  }
0x2a: {  	[dreg:$0x1] =	wrdreg $0xFFFFFFFF  }
0x2b: {  	[dreg:$0x0] =	wrdreg $0x60  }
0x2c: {  	[dreg:$0x2] =	wrdreg s25  }
0x2d: {  	[dreg:$0x3] =	wrdreg s17  }
0x2e: {  	[dreg:$0x4] =	wrdreg $0x9  }
0x2f: {  	_ =	task.clear_ibuf [dreg:s7], $0x5FFFF;
	_ =	strace $0x9000004C  }
0x30: {  	s29 =	simm.s32 $0x9;
	_ =	strace $0x8000004E  }
0x31: {  	_ =	swait.ge [sflag:s29], $0x1  }
0x32: {  	[sflag:s29] =	ssyncadd.s32 $0xFFFFFFFF  }
0x33: {  	_ =	strace $0x9000004E  }
0x34: {  	_ =	sfence  }
0x35: {  	s30 =	sld [smem:$0x0];
	_ =	sdelay $0x2  }
0x36: {  	s31 =	sshll.u32 s1, $0xD;
	s1 =	sshrl.u32 s1, $0x2  }
0x37: {  	s3 =	sand.u32 $0x4000, s31;
	s1 =	sadd.s32 s1, s30  }
0x38: {  	s0 =	sor.u32 s3, s0;
	s1 =	sshll.u32 s1, $0x11  }
0x39: {  	s0 =	sor.u32 s1, s0  }
0x3a: {  	s0 =	sadd.s32 $0x8F2B, s0  }
0x3b: {  	[sflag:s0] =	ssyncadd.remote.s32 $0x1  }
0x3c: {  	_ =	sfence.sel $0xFFFF  }
0x3d: {  	[dreg:$0x0] =	wrdreg $0xFFFFFFFF;
	(pc) =	sbr.abs _section_cstart, $3  }
0x3e: {  	[dreg:$0x1] =	wrdreg $0xFFFFFFFF  }
0x3f: {  	_ =	task.clear_ibuf [dreg:s7], $0x2FFFF;
	_ =	strace $0x9FFFFFFF  }
0x40: {  	(tm) =	ssettm $0x7FFFFFFF  }
0x41: {  	_ =	shalt  }
tec
execute0_lowered:
.L_overlay_start_1:
0x0: {  	(tag) =	ssettag $0x1  }
0x1: {  	s0 =	srdreg.scid  }
0x2: {  	s5 =	rddreg [dreg:$0x0];
	s1 =	sshll.u32 s0, $0x4  }
0x3: {  	s2 =	rddreg [dreg:$0x1];
	s0 =	stileid.u32;
	s1 =	sand.u32 $0x10, s1  }
0x4: {  	s4 =	simm.s32 $0x1;
	s8 =	simm.s32 $0x2;
	s1 =	sor.u32 s0, s1  }
0x5: {  	s12 =	simm.s32 $0x0;
	s9 =	simm.s32 $0x0;
	s3 =	sshll.u32 s1, $0x7  }
0x6: {  	s11 =	simm.s32 $0x0;
	s5 =	sadd.s32 $0x1400, s5;
	s6 =	ssub.s32 $0x40000, s3  }
.Ltmp0:
0x7: {  	s1 =	rddreg [dreg:$0x2];
	s7 =	sand.u32 $0xF80, s6;
	(pc) =	sbr.rel .LBB1_1-.Ltmp0, $4  }
0x8: {  	_ =	strace $0x8000004D;
	p0 =	sne.s32 s7, $0x0;
	s7 =	simm.s32 $0x1  }
0x9: {  	[sflag:s4] =	ssyncpa.u1 $0x0;
	s6 =	sshrl.u32 s6, $0xC;
	s7 =	simm.s32 @!p0 $0x0  }
0xa: {  	s10 =	smov.u32 s3;
	[sflag:s8] =	ssyncpa.u1 $0x0;
	s6 =	sadd.s32 s7, s6  }
0xb: {  	s8 =	simm.s32 $0x200000;
	p0 =	por $0x0, $0x0;
	s7 =	sadd.s32 $0x1, s6  }
.LBB1_4:
0xc: {  	v5 =	vld [tilespmem:s14+$0xFFFFFFD0];
	[tilespmem:s16+$0x2040 ss:$0x81] =	vst.msk $0xffff, v3  }
0xd: {  	s18 =	sshll.u32 s9, $0x3;
	v58 =	vld [tilespmem:s14+$0xFFFFFFE0];
	[tilespmem:s16+$0x2850 ss:$0x81] =	vst.msk $0xffff, v4  }
0xe: {  	s17 =	sshra.s32 s17, $0x2;
	v59 =	vld [tilespmem:s14+$0xFFFFFFF0];
	[tilespmem:s16+$0x3060 ss:$0x81] =	vst.msk $0xffff, v2;
	p1 =	sgt.s32 s9, $0x3FF80;
	s19 =	sshrl.u32 s18, $0x12  }
0xf: {  	v60 =	vld [tilespmem:s14+$0x0];
	[tilespmem:s16+$0x0 ss:$0x81] =	vst.msk $0xffff, v1;
	s27 =	sshra.s32 s9, $0x1F;
	s15 =	sadd.s32 s17, s15;
	s20 =	smul.u32 $0xCCD, s19  }
0x10: {  	v61 =	vld [tilespmem:s14+$0x10];
	s28 =	sand.u32 $0x78, s9;
	s30 =	sand.u32 $0x7, s9;
	s17 =	smov.u32 s9;
	[tilespmem:s15+$0x3870 ss:$0x81] =	vst.msk $0xffff, v0  }
0x11: {  	v62 =	vld [tilespmem:s14+$0x20];
	s17 =	simm.s32 @!p1 $0x3FF80;
	s26 =	sshrl.u32 s20, $0x12;
	s20 =	sand.u32 s27, s9;
	[tilespmem:s15+$0x810 ss:$0x81] =	vst.msk $0xffff, v5  }
0x12: {  	v63 =	vld [tilespmem:s14+$0xFFFFFFC0];
	s18 =	sand.u32 $0x3FC00, s18;
	s16 =	smul.u32 $0x50, s26;
	s17 =	ssub.s32 s17, s20;
	[tilespmem:s15+$0x1020 ss:$0x81] =	vst.msk $0xffff, v58  }
0x13: {  	s14 =	sor.u32 s28, s18;
	s18 =	sshll.u32 s30, $0x12;
	[tilespmem:s15+$0x1830 ss:$0x81] =	vst.msk $0xffff, v59;
	s29 =	ssub.s32 $0x40000, s17  }
0x14: {  	s14 =	sshrl.u32 s14, $0x3;
	[tilespmem:s15+$0x2040 ss:$0x81] =	vst.msk $0xffff, v60;
	s16 =	ssub.s32 s19, s16;
	s19 =	smul.u32 $0x140, s29  }
0x15: {  	s14 =	sadd.s32 s2, s14;
	[tilespmem:s15+$0x2850 ss:$0x81] =	vst.msk $0xffff, v61;
	s17 =	sadd.s32 $0xFFFC0080, s17;
	s16 =	sand.u32 $0xFFFF, s16  }
0x16: {  	[tilespmem:s15+$0x3060 ss:$0x81] =	vst.msk $0xffff, v62;
	p1 =	sgt.s32 s17, $0x7F;
	s17 =	sshrl.u32 s19, $0x2;
	s16 =	sshll.u32 s16, $0xF  }
0x17: {  	s31 =	sor.u32 $0x400, s18;
	[tilespmem:s15+$0x0 ss:$0x81] =	vst.msk $0xffff, v63;
	s17 =	simm.s32 @p1 $0x0;
	s14 =	sadd.s32 s16, s14  }
0x18: {  	[hbm4b:s14+s31] =	stream.strided.scatter [tilespmem:s13], [sflag:$0x2], s17, s8, s31, $0x20;
	[tilespmem:$0x10100] =	vst v63  }
.LBB1_5:
0x19: {  	p1 =	slt.u32 s11, $0x2  }
0x1a: {  	p2 =	sgt.s32 @!p1 s12, $0x3FF80  }
0x1b: {  	s13 =	smov.u32 s12;
	s14 =	sshra.s32 @!p1 s12, $0x1F;
	p2 =	por !p2, p1  }
0x1c: {  	s12 =	sand.u32 @!p1 s14, s12;
	s13 =	simm.s32 @p2 $0x3FF80  }
0x1d: {  	s12 =	ssub.s32 @!p1 s13, s12  }
0x1e: {  	s13 =	ssub.s32 @!p1 $0x40000, s12  }
0x1f: {  	s12 =	sadd.s32 @!p1 $0xFFFC0080, s12;
	s13 =	smul.u32 @!p1 $0x140, s13  }
0x20: {  	p2 =	sgt.s32 @!p1 s12, $0x7F  }
0x21: {  	s14 =	sadd.s32 $0x1000, s10;
	p2 =	por !p2, p1;
	s12 =	sshrl.u32 @!p1 s13, $0x2  }
0x22: {  	s12 =	simm.s32 @!p2 $0x0;
	p2 =	sgt.s32 s14, $0x3FFFF  }
0x23: {  	s14 =	smov.u32 @p2 s3;
	p2 =	sne.s32 s11, s7  }
.Ltmp1:
0x24: {  	_ = 	snop;
	(pc) =	sbr.rel @!p2 .LBB1_6-.Ltmp1, $4  }
0x25: {  	s13 =	simm.s32 @!p1 $0x2  }
0x26: {  	p0 =	por !p0, !p0;
	_ =	swait.ge @!p1 [sflag:s13], s12;
	s15 =	ssub.s32 @!p1 $0x0, s12  }
0x27: {  	s12 =	smov.u32 s9;
	s11 =	sadd.s32 $0x1, s11;
	[sflag:s13] =	ssyncset.done @!p1 $0x0  }
0x28: {  	s9 =	smov.u32 s10;
	s10 =	smov.u32 s14;
	[sflag:s13] =	ssyncadd.s32 @!p1 s15  }
.LBB1_1:
0x29: {  	p1 =	sge.u32 s11, s6  }
0x2a: {  	s13 =	sxor.u32 @!p1 $0xFFFFFFFF, s11;
	s14 =	sshll.u32 @!p1 s10, $0x4  }
0x2b: {  	s31 =	sadd.s32 $0xFFFFFFFF, s11;
	s13 =	sshll.u32 @!p1 s13, $0xE;
	s14 =	sand.u32 @!p1 $0x3FFFF0, s14  }
0x2c: {  	s15 =	simm.s32 @!p1 $0x0;
	s13 =	sand.u32 @!p1 $0x4000, s13;
	s14 =	sadd.s32 @!p1 s5, s14  }
0x2d: {  	[tilespmem:s13], [sflag:$0x1] =	stream.linear.gather @!p1 [hbm4b:s14+s15], $0x4000, $0x38;
	[tilespmem:$0x10100] =	vst v63  }
0x2e: {  	p1 =	sge.u32 s31, s6  }
.Ltmp2:
0x2f: {  	_ = 	snop;
	(pc) =	sbr.rel @p1 .LBB1_5-.Ltmp2, $1  }
0x30: {  	_ =	sdelay $0x3  }
0x31: {  	s13 =	simm.s32 $0x1  }
0x32: {  	_ =	swait.ge [sflag:s4], $0x4000;
	s13 =	simm.s32 @!p0 $0x0  }
0x33: {  	[sflag:s4] =	ssyncset.done $0x0;
	s14 =	sshll.u32 s13, $0xE  }
0x34: {  	[sflag:s4] =	ssyncadd.s32 $0xFFFFC000;
	s14 =	sor.u32 $0x40, s14  }
0x35: {  	s13 =	smul.u32 $0x10200, s13;
	v0 =	vld [tilespmem:s14+$0x30]  }
0x36: {  	v1 =	vld [tilespmem:s14+$0xFFFFFFD0]  }
0x37: {  	s13 =	sshrl.u32 s13, $0x2;
	v5 =	vld [tilespmem:s14+$0xFFFFFFE0]  }
0x38: {  	v6 =	vld [tilespmem:s14+$0xFFFFFFF0];
	s15 =	sor.u32 $0x8000, s13  }
0x39: {  	s31 =	sand.u32 $0x1, s11;
	v3 =	vld [tilespmem:s14+$0x0];
	s16 =	sadd.s32 $0x0, s15  }
0x3a: {  	v4 =	vld [tilespmem:s14+$0x10];
	s13 =	smul.u32 $0x10200, s31;
	[tilespmem:s16+$0x3870 ss:$0x81] =	vst.msk $0xffff, v0  }
0x3b: {  	v2 =	vld [tilespmem:s14+$0x20];
	[tilespmem:s16+$0x810 ss:$0x81] =	vst.msk $0xffff, v1  }
0x3c: {  	s13 =	sshrl.u32 s13, $0x2;
	v1 =	vld [tilespmem:s14+$0xFFFFFFC0];
	[tilespmem:s16+$0x1020 ss:$0x81] =	vst.msk $0xffff, v5;
	s14 =	sadd.s32 $0x80, s14  }
0x3d: {  	s17 =	simm.s32 $0x4;
	s18 =	simm.s32 $0x8;
	s13 =	sor.u32 $0x8000, s13;
	[tilespmem:s16+$0x1830 ss:$0x81] =	vst.msk $0xffff, v6;
	v0 =	vld [tilespmem:s14+$0x30]  }
.LBB1_3:
0x3e: {  	p1 =	sne.s32 s18, $0x1FC;
	v5 =	vld [tilespmem:s14+$0xFFFFFFD0];
	[tilespmem:s16+$0x2040 ss:$0x81] =	vst.msk $0xffff, v3  }
0x3f: {  	v6 =	vld [tilespmem:s14+$0xFFFFFFE0];
	[tilespmem:s16+$0x2850 ss:$0x81] =	vst.msk $0xffff, v4  }
0x40: {  	s19 =	sshra.s32 s17, $0x2;
	s17 =	smov.u32 s18;
	v7 =	vld [tilespmem:s14+$0xFFFFFFF0];
	[tilespmem:s16+$0x3060 ss:$0x81] =	vst.msk $0xffff, v2  }
.Ltmp3:
0x41: {  	v3 =	vld [tilespmem:s14+$0x0];
	[tilespmem:s16+$0x0 ss:$0x81] =	vst.msk $0xffff, v1;
	s16 =	sadd.s32 s19, s15;
	(pc) =	sbr.rel @p1 .LBB1_3-.Ltmp3, $4  }
0x42: {  	v4 =	vld [tilespmem:s14+$0x10];
	[tilespmem:s16+$0x3870 ss:$0x81] =	vst.msk $0xffff, v0  }
0x43: {  	[tilespmem:s16+$0x810 ss:$0x81] =	vst.msk $0xffff, v5;
	v2 =	vld [tilespmem:s14+$0x20]  }
0x44: {  	v1 =	vld [tilespmem:s14+$0xFFFFFFC0];
	[tilespmem:s16+$0x1020 ss:$0x81] =	vst.msk $0xffff, v6;
	s14 =	sadd.s32 $0x80, s14  }
0x45: {  	s18 =	sadd.s32 $0x4, s18;
	v0 =	vld [tilespmem:s14+$0x30];
	[tilespmem:s16+$0x1830 ss:$0x81] =	vst.msk $0xffff, v7  }
.Ltmp4:
0x46: {  	_ = 	snop;
	(pc) =	sbr.rel .LBB1_4-.Ltmp4, $1  }
0x47: {  	_ =	sdelay $0x3  }
.LBB1_6:
0x48: {  	_ =	sfence.sel $0x180000  }
0x49: {  	s2 =	simm.s32 $0x1;
	[bflag:$0x0] =	sbarrier.arrive $0xFFFF  }
0x4a: {  	s31 =	simm.s32 $0x2;
	[sflag:s2] =	ssyncpa.u1 $0x1  }
0x4b: {  	[sflag:s31] =	ssyncpa.u1 $0x1  }
0x4c: {  	p0 =	sne.s32 s0, $0x0;
	_ =	strace $0x9000004D  }
0x4d: {  	s0 =	sadd.s32 @!p0 $0x100000, s1;
	[bflag:$0x2] =	sbarrier.arrive $0xFFFF  }
0x4e: {  	[sflag:s0] =	ssyncadd.tile.s32 @!p0 $0x1;
	_ =	shalt  }
.Lfunc_end1:
_tile_overlayer_lowered:
.L_overlay_start_2:
0x4f: {  	(tag) =	ssettag $0x2  }
0x50: {  	s0 =	rddreg [dreg:$0x0];
	s2 =	stileid.u32  }
0x51: {  	s1 =	rddreg [dreg:$0x1];
	p0 =	sne.s32 s2, $0x0  }
0x52: {  	s3 =	rddreg [dreg:$0x2];
	[bflag:$0x3] =	sbarrier.arrive $0xFFFF;
	s2 =	simm.s32 @!p0 $0x1C01  }
0x53: {  	[timem:s3], [sflag:s2] =	dma.local @!p0 [hbm:s0], s1  }
0x54: {  	s0 =	simm.s32 @!p0 $0x1  }
0x55: {  	_ =	swait.ge @!p0 [sflag:s0], s1  }
0x56: {  	s1 =	ssub.s32 @!p0 $0x0, s1;
	[sflag:s0] =	ssyncset.done @!p0 $0x0  }
0x57: {  	[sflag:s0] =	ssyncadd.s32 @!p0 s1  }
0x58: {  	[bflag:$0x3] =	sbarrier.arrive $0xFFFF  }
0x59: {  	_ =	shalt  }

// kernel: sparse-core-data-format-call.cloned.1.call-start
scs
called_computation_lowered:
.L_overlay_start_0:
0x0: {  	s2 =	sld [smem:$0x3FD9]  }
0x1: {  	s3 =	sld [smem:$0x3FFE];
	_ =	sdelay $0x1  }
0x2: {  	s1 =	srdreg.scid  }
0x3: {  	s0 =	sand.u32 $0x1, s1  }
0x4: {  	s15 =	sshll.u32 s0, $0xA;
	s2 =	sadd.s32 s3, s2  }
0x5: {  	s2 =	sadd.s32 s2, s15  }
0x6: {  	[smem:$0x3FC6] =	sst s2  }
0x7: {  	_ = 	snop  }
0x8: {  	s2 =	sld [smem:$0x3FD0];
	_ =	sdelay $0x2  }
0x9: {  	s16 =	simm.s32 $0xA;
	s4 =	simm.s32 $0x10  }
0xa: {  	[smem:s4], [sflag:s16] =	dma.local [hbm:s2], $0x1  }
0xb: {  	_ =	swait.eq [sflag:s16], $0x1  }
0xc: {  	[sflag:s16] =	ssyncset.done $0x0  }
0xd: {  	[sflag:s16] =	ssyncadd.s32 $0xFFFFFFFF  }
0xe: {  	s17 =	sld [smem:$0x10];
	(tm) =	ssettm $0x1  }
0xf: {  	s18 =	sld [smem:$0x3FFB];
	_ =	sdelay $0x3  }
0x10: {  	_ =	strace s18  }
0x11: {  	s3 =	sld [smem:$0x3FFC];
	_ =	sdelay $0x3  }
0x12: {  	_ =	strace s3  }
0x13: {  	s3 =	sld [smem:$0x3FFD];
	_ =	sdelay $0x3  }
0x14: {  	_ =	strace s3  }
0x15: {  	_ =	strace $0x8FFFFFFF  }
0x16: {  	s19 =	sld [smem:$0x3FDB];
	_ =	sdelay $0x1  }
0x17: {  	s20 =	simm.s32 $_scs_section_size  }
0x18: {  	s5 =	simm.s32 $_size__tile_overlayer_lowered;
	s6 =	simm.s32 $_tile_overlayer_lowered  }
0x19: {  	s23 =	simm.s32 $0x1BFF;
	s22 =	sshll.u32 s6, $0x1;
	s3 =	sadd.s32 s20, s19  }
0x1a: {  	s7 =	simm.s32 $0x0;
	s21 =	sshll.u32 s5, $0x1;
	s5 =	sadd.s32 s22, s3  }
0x1b: {  	[timem:s7], [sflag:s23] =	dma.local [hbm:s5], s21  }
0x1c: {  	_ =	swait.ge [sflag:s23], s21  }
0x1d: {  	s4 =	ssub.s32 $0x0, s21;
	[sflag:s23] =	ssyncset.done $0x0  }
0x1e: {  	[sflag:s23] =	ssyncadd.s32 s4;
	_ =	sdelay $0x1  }
0x1f: {  	s24 =	simm.s32 $0x1B8B  }
0x20: {  	_ =	swait.ge [sflag:s24], $0x1  }
0x21: {  	[sflag:s24] =	ssyncset.done $0x0  }
0x22: {  	s26 =	simm.s32 $0x1B8E;
	s25 =	sld [smem:$0x3FFE];
	[sflag:s24] =	ssyncadd.s32 $0xFFFFFFFF  }
0x23: {  	s27 =	simm.s32 $execute0_lowered;
	[smem:$0x3FD2] =	sst s26  }
0x24: {  	s5 =	sshll.u32 s27, $0x1;
	_ =	strace $0x8000004F;
	[dreg:$0x1] =	wrdreg $0xFFFFFFFF  }
0x25: {  	s28 =	simm.s32 $_size_execute0_lowered;
	s3 =	sadd.s32 s3, s5;
	[dreg:$0x0] =	wrdreg $0x0  }
0x26: {  	s5 =	sshll.u32 s28, $0x1;
	[dreg:$0x2] =	wrdreg s3  }
0x27: {  	[dreg:$0x3] =	wrdreg s5  }
0x28: {  	[dreg:$0x4] =	wrdreg $0xC0  }
0x29: {  	_ =	task [dreg:s7], $0x5FFFF  }
0x2a: {  	[dreg:$0x1] =	wrdreg $0xFFFFFFFF  }
0x2b: {  	[dreg:$0x0] =	wrdreg $0x60  }
0x2c: {  	[dreg:$0x2] =	wrdreg s25  }
0x2d: {  	[dreg:$0x3] =	wrdreg s17  }
0x2e: {  	[dreg:$0x4] =	wrdreg $0x9  }
0x2f: {  	_ =	task.clear_ibuf [dreg:s7], $0x5FFFF;
	_ =	strace $0x9000004F  }
0x30: {  	s29 =	simm.s32 $0x9;
	_ =	strace $0x80000051  }
0x31: {  	_ =	swait.ge [sflag:s29], $0x1  }
0x32: {  	[sflag:s29] =	ssyncadd.s32 $0xFFFFFFFF  }
0x33: {  	_ =	strace $0x90000051  }
0x34: {  	_ =	sfence  }
0x35: {  	s30 =	sld [smem:$0x0];
	_ =	sdelay $0x2  }
0x36: {  	s31 =	sshll.u32 s1, $0xD;
	s1 =	sshrl.u32 s1, $0x2  }
0x37: {  	s3 =	sand.u32 $0x4000, s31;
	s1 =	sadd.s32 s1, s30  }
0x38: {  	s0 =	sor.u32 s3, s0;
	s1 =	sshll.u32 s1, $0x11  }
0x39: {  	s0 =	sor.u32 s1, s0  }
0x3a: {  	s0 =	sadd.s32 $0x8F2B, s0  }
0x3b: {  	[sflag:s0] =	ssyncadd.remote.s32 $0x1  }
0x3c: {  	_ =	sfence.sel $0xFFFF  }
0x3d: {  	[dreg:$0x0] =	wrdreg $0xFFFFFFFF;
	(pc) =	sbr.abs _section_cstart, $3  }
0x3e: {  	[dreg:$0x1] =	wrdreg $0xFFFFFFFF  }
0x3f: {  	_ =	task.clear_ibuf [dreg:s7], $0x2FFFF;
	_ =	strace $0x9FFFFFFF  }
0x40: {  	(tm) =	ssettm $0x7FFFFFFF  }
0x41: {  	_ =	shalt  }
tec
execute0_lowered:
.L_overlay_start_1:
0x0: {  	(tag) =	ssettag $0x1  }
0x1: {  	s2 =	rddreg [dreg:$0x0]  }
0x2: {  	s0 =	srdreg.scid;
	s3 =	rddreg [dreg:$0x1]  }
0x3: {  	s9 =	simm.s32 $0x2;
	s18 =	simm.s32 $0x0;
	s10 =	simm.s32 $0x5000  }
0x4: {  	s11 =	simm.s32 $0x0;
	s19 =	simm.s32 $0x0;
	s20 =	simm.s32 $0x0  }
0x5: {  	s22 =	simm.s32 $0x0;
	s21 =	simm.s32 $0x0;
	s0 =	sshll.u32 s0, $0x7  }
0x6: {  	s12 =	simm.s32 $0x0;
	s16 =	simm.s32 $0x0;
	s1 =	sand.u32 $0x80, s0  }
0x7: {  	s17 =	simm.s32 $0x0;
	s0 =	rddreg [dreg:$0x2];
	s4 =	ssub.s32 $0x100, s1  }
0x8: {  	_ =	strace $0x80000050;
	s13 =	smov.u32 s1;
	s5 =	sshrl.u32 s4, $0x7  }
.Ltmp0:
0x9: {  	s6 =	sshrl.u32 s4, $0x8;
	s5 =	sand.u32 $0x1, s5;
	(pc) =	sbr.rel .LBB1_1-.Ltmp0, $4  }
0xa: {  	s4 =	sadd.s32 $0x1400, s2;
	s2 =	stileid.u32;
	s7 =	sadd.s32 s6, s5  }
0xb: {  	s8 =	sshrl.u32 s2, $0x2;
	s6 =	simm.s32 $0x1;
	s7 =	smul.u32 $0x28, s7  }
0xc: {  	s5 =	sand.u32 $0x3, s2;
	s14 =	smov.u32 s8;
	[sflag:s6] =	ssyncpa.u1 $0x0  }
0xd: {  	s15 =	smov.u32 s5;
	[sflag:s9] =	ssyncpa.u1 $0x0;
	s9 =	sor.u32 $0x1, s7  }
.LBB1_4:
0xe: {  	_ =	sdelay $0x3  }
0xf: {  	[tilespmem:v0+s25+$0xFFFFFFA0 ss:$0x1] =	vst.idx.msk $0xffff, v6  }
0x10: {  	v56 =	vld.idx.msk [tilespmem:v1+s24+$0x30 ss:$0x1], $0xffff;
	[tilespmem:v0+s25+$0xFFFFFFB0 ss:$0x1] =	vst.idx.msk $0xffff, v4  }
0x11: {  	v57 =	vld.idx.msk [tilespmem:v1+s24+$0xFFFFFFC0 ss:$0x1], $0xffff;
	[tilespmem:v0+s25+$0xFFFFFFC0 ss:$0x1] =	vst.idx.msk $0xffff, v2  }
0x12: {  	v58 =	vld.idx.msk [tilespmem:v1+s24+$0xFFFFFFD0 ss:$0x1], $0xffff;
	[tilespmem:v0+s25+$0xFFFFFFD0 ss:$0x1] =	vst.idx.msk $0xffff, v3  }
0x13: {  	v59 =	vld.idx.msk [tilespmem:v1+s24+$0xFFFFFFE0 ss:$0x1], $0xffff;
	[tilespmem:v0+s25+$0xFFFFFFE0 ss:$0x1] =	vst.idx.msk $0xffff, v5  }
0x14: {  	v60 =	vld.idx.msk [tilespmem:v1+s24+$0xFFFFFFF0 ss:$0x1], $0xffff;
	[tilespmem:v0+s25+$0xFFFFFFF0 ss:$0x1] =	vst.idx.msk $0xffff, v7  }
0x15: {  	v61 =	vld.idx.msk [tilespmem:v1+s24+$0x0 ss:$0x1], $0xffff;
	[tilespmem:v0+s24+$0x0 ss:$0x1] =	vst.idx.msk $0xffff, v56  }
0x16: {  	s22 =	sshll.u32 s22, $0x7;
	v62 =	vld.idx.msk [tilespmem:v1+s24+$0x10 ss:$0x1], $0xffff;
	[tilespmem:v0+s24+$0xFFFFFF90 ss:$0x1] =	vst.idx.msk $0xffff, v57  }
0x17: {  	s28 =	sand.u32 $0x78, s18;
	v63 =	vld.idx.msk [tilespmem:v1+s24+$0x20 ss:$0x1], $0xffff;
	s29 =	sshll.u32 s18, $0x2;
	s20 =	smul.u32 $0xA0000, s20;
	[tilespmem:v0+s24+$0xFFFFFFA0 ss:$0x1] =	vst.idx.msk $0xffff, v58  }
0x18: {  	s21 =	sshll.u32 s21, $0x7;
	s19 =	smul.u32 $0xA00, s19;
	s22 =	sand.u32 $0x180, s22;
	[tilespmem:v0+s24+$0xFFFFFFB0 ss:$0x1] =	vst.idx.msk $0xffff, v59  }
0x19: {  	s25 =	sand.u32 $0x200, s29;
	s21 =	sadd.s32 s3, s21;
	s22 =	sor.u32 s28, s22;
	[tilespmem:v0+s24+$0xFFFFFFC0 ss:$0x1] =	vst.idx.msk $0xffff, v60  }
0x1a: {  	s30 =	sand.u32 $0x7, s18;
	s20 =	sadd.s32 s20, s21;
	s22 =	sor.u32 s25, s22;
	[tilespmem:v0+s24+$0xFFFFFFD0 ss:$0x1] =	vst.idx.msk $0xffff, v61  }
0x1b: {  	s18 =	sshll.u32 s30, $0x12;
	s19 =	sadd.s32 s19, s20;
	s31 =	sshrl.u32 s22, $0x3;
	[tilespmem:v0+s24+$0xFFFFFFE0 ss:$0x1] =	vst.idx.msk $0xffff, v62  }
0x1c: {  	s18 =	sor.u32 $0x80, s18;
	[tilespmem:v0+s24+$0xFFFFFFF0 ss:$0x1] =	vst.idx.msk $0xffff, v63;
	s19 =	sadd.s32 s31, s19  }
0x1d: {  	[hbm4b:s19+s18] =	stream.strided.scatter [tilespmem:s23], [sflag:$0x2], $0x4000, s10, s18, $0x38;
	[tilespmem:$0x10000] =	vst v63  }
.LBB1_5:
0x1e: {  	s23 =	sadd.s32 $0x80, s12  }
0x1f: {  	s18 =	sadd.s32 $0x100, s13;
	s24 =	smov.u32 s13;
	p1 =	sgt.s32 s23, $0xFF  }
0x20: {  	s24 =	smov.u32 @p1 s18  }
0x21: {  	s25 =	smov.u32 s14;
	s18 =	sadd.s32 $0x4, s14;
	p2 =	sgt.s32 s24, $0xFF  }
0x22: {  	s25 =	smov.u32 @p2 s18  }
0x23: {  	s26 =	smov.u32 s15;
	s18 =	sadd.s32 $0x4, s15;
	p3 =	sgt.s32 s25, $0x3  }
0x24: {  	s26 =	smov.u32 @p3 s18  }
0x25: {  	s23 =	simm.s32 @p1 $0x0;
	s18 =	simm.s32 $0x1;
	p1 =	sgt.s32 s26, $0x3  }
0x26: {  	p0 =	slt.u32 s17, $0x2;
	s18 =	simm.s32 @!p1 $0x0  }
0x27: {  	s19 =	smov.u32 s13;
	s20 =	smov.u32 s14;
	s28 =	sadd.s32 s18, s16  }
0x28: {  	s22 =	smov.u32 s15;
	s26 =	smov.u32 @p1 s5;
	p1 =	sgt.s32 s28, $0x13  }
0x29: {  	s27 =	simm.s32 @!p0 $0x2;
	s28 =	simm.s32 @p1 $0x0;
	p1 =	sne.s32 s17, s9  }
.Ltmp1:
0x2a: {  	s21 =	smov.u32 s16;
	_ =	swait.ge @!p0 [sflag:s27], $0x4000;
	(pc) =	sbr.rel @!p1 .LBB1_6-.Ltmp1, $4  }
0x2b: {  	s11 =	sadd.s32 $0x4000, s11;
	[sflag:s27] =	ssyncset.done @!p0 $0x0;
	s24 =	smov.u32 @p2 s1  }
0x2c: {  	[sflag:s27] =	ssyncadd.s32 @!p0 $0xFFFFC000;
	s13 =	smov.u32 s24;
	s25 =	smov.u32 @p3 s8  }
0x2d: {  	s14 =	smov.u32 s25;
	s18 =	smov.u32 s12;
	s12 =	smov.u32 s23  }
0x2e: {  	s15 =	smov.u32 s26;
	s17 =	sadd.s32 $0x1, s17;
	s16 =	smov.u32 s28  }
.LBB1_1:
0x2f: {  	p0 =	sge.u32 s17, s7  }
0x30: {  	s31 =	sadd.s32 $0xFFFFFFFF, s17;
	s23 =	sxor.u32 @!p0 $0xFFFFFFFF, s17;
	s24 =	sshll.u32 @!p0 s13, $0x8  }
0x31: {  	s25 =	sshll.u32 @!p0 s12, $0x3;
	s26 =	sshll.u32 @!p0 s13, $0x7;
	s27 =	sand.u32 @!p0 $0x78, s12  }
0x32: {  	s28 =	sshll.u32 @!p0 s14, $0xD;
	s24 =	sand.u32 @!p0 $0xF800, s24;
	s25 =	sand.u32 @!p0 $0xFC00, s25  }
0x33: {  	s23 =	sshll.u32 @!p0 s23, $0xE;
	s24 =	sadd.s32 @!p0 s24, s25;
	s25 =	sand.u32 @!p0 $0x300, s26  }
0x34: {  	s24 =	sor.u32 @!p0 s25, s24;
	s25 =	sand.u32 @!p0 $0x80, s26;
	s26 =	sshll.u32 @!p0 s16, $0x11  }
0x35: {  	s25 =	sor.u32 @!p0 s27, s25;
	s27 =	sshll.u32 @!p0 s15, $0xF;
	s26 =	sadd.s32 @!p0 s4, s26  }
0x36: {  	s23 =	sand.u32 @!p0 $0x4000, s23;
	s24 =	sshrl.u32 @!p0 s24, $0x3;
	s26 =	sadd.s32 @!p0 s27, s26  }
0x37: {  	s25 =	sshrl.u32 @!p0 s25, $0x3;
	s27 =	sand.u32 @!p0 $0x7, s12;
	s26 =	sadd.s32 @!p0 s28, s26  }
0x38: {  	s24 =	sand.u32 @!p0 $0x1FE0, s24;
	s25 =	sadd.s32 @!p0 s25, s26;
	s26 =	sshll.u32 @!p0 s27, $0x12  }
0x39: {  	s24 =	sadd.s32 @!p0 s24, s25;
	s25 =	sor.u32 @!p0 $0x400, s26;
	s26 =	simm.s32 @!p0 $0x800  }
0x3a: {  	[tilespmem:s23], [sflag:$0x1] =	stream.strided.gather @!p0 [hbm4b:s24+s25], $0x4000, s26, s25, $0x38;
	[tilespmem:$0x10000] =	vst v63  }
0x3b: {  	p0 =	sge.u32 s31, s7  }
.Ltmp2:
0x3c: {  	_ = 	snop;
	(pc) =	sbr.rel @p0 .LBB1_5-.Ltmp2, $1  }
0x3d: {  	_ =	sdelay $0x3  }
0x3e: {  	s23 =	sand.u32 $0x4000, s11  }
0x3f: {  	s24 =	sor.u32 $0x40, s23  }
0x40: {  	v1 =	vmov s24;
	_ =	sdelay $0x1  }
0x41: {  	_ =	swait.ge [sflag:s6], $0x4000  }
0x42: {  	[sflag:s6] =	ssyncset.done $0x0  }
0x43: {  	s25 =	simm.s32 $0x0;
	[sflag:s6] =	ssyncadd.s32 $0xFFFFC000  }
0x44: {  	s23 =	sor.u32 $0x8070, s23;
	v7 =	vld.idx.msk [tilespmem:v1+s25+$0x30 ss:$0x1], $0xffff  }
0x45: {  	v0 =	vmov s23;
	v8 =	vld.idx.msk [tilespmem:v1+s25+$0xFFFFFFC0 ss:$0x1], $0xffff  }
0x46: {  	v6 =	vld.idx.msk [tilespmem:v1+s25+$0xFFFFFFD0 ss:$0x1], $0xffff  }
0x47: {  	v4 =	vld.idx.msk [tilespmem:v1+s25+$0xFFFFFFE0 ss:$0x1], $0xffff  }
0x48: {  	v2 =	vld.idx.msk [tilespmem:v1+s25+$0xFFFFFFF0 ss:$0x1], $0xffff  }
0x49: {  	s31 =	sshll.u32 s17, $0xE;
	v3 =	vld.idx.msk [tilespmem:v1+s25+$0x0 ss:$0x1], $0xffff  }
0x4a: {  	s23 =	sand.u32 $0x4000, s31;
	v5 =	vld.idx.msk [tilespmem:v1+s25+$0x10 ss:$0x1], $0xffff;
	[tilespmem:v0+s25+$0x0 ss:$0x1] =	vst.idx.msk $0xffff, v7  }
0x4b: {  	s26 =	simm.s32 $0x400;
	s24 =	simm.s32 $0x80;
	s23 =	sor.u32 $0x8000, s23;
	[tilespmem:v0+s25+$0xFFFFFF90 ss:$0x1] =	vst.idx.msk $0xffff, v8;
	v7 =	vld.idx.msk [tilespmem:v1+s25+$0x20 ss:$0x1], $0xffff  }
.LBB1_3:
0x4c: {  	p0 =	sne.s32 s26, $0xFE00;
	v8 =	vld.idx.msk [tilespmem:v1+s24+$0x30 ss:$0x1], $0xffff;
	[tilespmem:v0+s25+$0xFFFFFFA0 ss:$0x1] =	vst.idx.msk $0xffff, v6  }
0x4d: {  	v9 =	vld.idx.msk [tilespmem:v1+s24+$0xFFFFFFC0 ss:$0x1], $0xffff;
	[tilespmem:v0+s25+$0xFFFFFFB0 ss:$0x1] =	vst.idx.msk $0xffff, v4  }
0x4e: {  	v6 =	vld.idx.msk [tilespmem:v1+s24+$0xFFFFFFD0 ss:$0x1], $0xffff;
	[tilespmem:v0+s25+$0xFFFFFFC0 ss:$0x1] =	vst.idx.msk $0xffff, v2  }
.Ltmp3:
0x4f: {  	v4 =	vld.idx.msk [tilespmem:v1+s24+$0xFFFFFFE0 ss:$0x1], $0xffff;
	[tilespmem:v0+s25+$0xFFFFFFD0 ss:$0x1] =	vst.idx.msk $0xffff, v3;
	(pc) =	sbr.rel @p0 .LBB1_3-.Ltmp3, $4  }
0x50: {  	v2 =	vld.idx.msk [tilespmem:v1+s24+$0xFFFFFFF0 ss:$0x1], $0xffff;
	[tilespmem:v0+s25+$0xFFFFFFE0 ss:$0x1] =	vst.idx.msk $0xffff, v5  }
0x51: {  	v3 =	vld.idx.msk [tilespmem:v1+s24+$0x0 ss:$0x1], $0xffff;
	[tilespmem:v0+s25+$0xFFFFFFF0 ss:$0x1] =	vst.idx.msk $0xffff, v7;
	s25 =	smov.u32 s24  }
0x52: {  	v5 =	vld.idx.msk [tilespmem:v1+s25+$0x10 ss:$0x1], $0xffff;
	[tilespmem:v0+s25+$0x0 ss:$0x1] =	vst.idx.msk $0xffff, v8  }
0x53: {  	s24 =	sshra.s32 s26, $0x2;
	s26 =	sadd.s32 $0x200, s26;
	[tilespmem:v0+s25+$0xFFFFFF90 ss:$0x1] =	vst.idx.msk $0xffff, v9;
	v7 =	vld.idx.msk [tilespmem:v1+s25+$0x20 ss:$0x1], $0xffff  }
.Ltmp4:
0x54: {  	_ = 	snop;
	(pc) =	sbr.rel .LBB1_4-.Ltmp4, $1  }
0x55: {  	_ =	sdelay $0x3  }
.LBB1_6:
0x56: {  	_ =	sfence.sel $0x180000  }
0x57: {  	s1 =	simm.s32 $0x1;
	[bflag:$0x0] =	sbarrier.arrive $0xFFFF  }
0x58: {  	s31 =	simm.s32 $0x2;
	[sflag:s1] =	ssyncpa.u1 $0x1  }
0x59: {  	[sflag:s31] =	ssyncpa.u1 $0x1  }
0x5a: {  	p0 =	sne.s32 s2, $0x0;
	_ =	strace $0x90000050  }
0x5b: {  	s0 =	sadd.s32 @!p0 $0x100000, s0;
	[bflag:$0x2] =	sbarrier.arrive $0xFFFF  }
0x5c: {  	[sflag:s0] =	ssyncadd.tile.s32 @!p0 $0x1;
	_ =	shalt  }
.Lfunc_end1:
_tile_overlayer_lowered:
.L_overlay_start_2:
0x5d: {  	(tag) =	ssettag $0x2  }
0x5e: {  	s0 =	rddreg [dreg:$0x0];
	s2 =	stileid.u32  }
0x5f: {  	s1 =	rddreg [dreg:$0x1];
	p0 =	sne.s32 s2, $0x0  }
0x60: {  	s3 =	rddreg [dreg:$0x2];
	[bflag:$0x3] =	sbarrier.arrive $0xFFFF;
	s2 =	simm.s32 @!p0 $0x1C01  }
0x61: {  	[timem:s3], [sflag:s2] =	dma.local @!p0 [hbm:s0], s1  }
0x62: {  	s0 =	simm.s32 @!p0 $0x1  }
0x63: {  	_ =	swait.ge @!p0 [sflag:s0], s1  }
0x64: {  	s1 =	ssub.s32 @!p0 $0x0, s1;
	[sflag:s0] =	ssyncset.done @!p0 $0x0  }
0x65: {  	[sflag:s0] =	ssyncadd.s32 @!p0 s1  }
0x66: {  	[bflag:$0x3] =	sbarrier.arrive $0xFFFF  }
0x67: {  	_ =	shalt  }

</sc_bundles>
